<compile_context>
chip_gen: v7x
topology: tpu7x:2x2x1
jax: 0.10.2.dev20260603
libtpu: 0.0.44.dev20260713+nightly
codegen_flags: <defaults>
</compile_context>

<pallas_src>
import functools

import jax
import jax.numpy as jnp
from jax import lax
from jax.experimental import pallas as pl
from jax.experimental.pallas import tpu as pltpu
from jax.experimental.pallas import tpu_sc as plsc

N = 10000
E = 320000
D = 128
B = 16

NC = 2
NS = 16
NW = NC * NS

L_CHUNK = 32
ZB = 32
E_TILE = -(-E // (NW * L_CHUNK)) * L_CHUNK
CH = E_TILE // L_CHUNK
E_PAD = E_TILE * NW

N_PAD = 10240
ROWS_PER_TILE = N_PAD // NS

BLK = 10240
NBLK = N_PAD // BLK

assert CH % 2 == 1
assert L_CHUNK >= ZB and ROWS_PER_TILE % ZB == 0



@functools.cache
def _make_edge_agg():
    mesh = plsc.VectorSubcoreMesh(core_axis_name="c", subcore_axis_name="s",
                                  num_cores=NC, num_subcores=NS)

    def body(x_hbm, src_hbm, dst_hbm, out_hbm, src_v, dst_v, rows0, rows1,
             acc, sem0, sem1):
        cid = lax.axis_index("c")
        sid = lax.axis_index("s")
        stripe = sid * ROWS_PER_TILE

        def zrow(i, carry):
            for k in range(D // 16):
                rows0[i, pl.ds(k * 16, 16)] = jnp.zeros((16,), jnp.float32)
            return carry
        lax.fori_loop(0, ZB, zrow, 0)
        for r in range(ROWS_PER_TILE // ZB):
            pltpu.sync_copy(rows0.at[pl.ds(0, ZB)],
                            acc.at[pl.ds(stripe + r * ZB, ZB)])

        pltpu.sync_copy(src_hbm.at[cid, sid], src_v)
        pltpu.sync_copy(dst_hbm.at[cid, sid], dst_v)
        plsc.subcore_barrier()

        def wait0():
            pltpu.make_async_copy(x_hbm.at[pl.ds(0, L_CHUNK)], rows0, sem0).wait()

        def wait1():
            pltpu.make_async_copy(x_hbm.at[pl.ds(0, L_CHUNK)], rows1, sem1).wait()

        pltpu.async_copy(x_hbm.at[src_v.at[0]], rows0, sem0)

        def step(t, carry):
            pltpu.async_copy(x_hbm.at[src_v.at[2 * t + 1]], rows1, sem1)
            wait0()
            pltpu.sync_copy(rows0, acc.at[dst_v.at[2 * t]], add=True)
            pltpu.async_copy(x_hbm.at[src_v.at[2 * t + 2]], rows0, sem0)
            wait1()
            pltpu.sync_copy(rows1, acc.at[dst_v.at[2 * t + 1]], add=True)
            return carry
        lax.fori_loop(0, (CH - 1) // 2, step, 0)
        wait0()
        pltpu.sync_copy(rows0, acc.at[dst_v.at[CH - 1]], add=True)

        plsc.subcore_barrier()

        pltpu.sync_copy(acc.at[pl.ds(stripe, ROWS_PER_TILE)],
                        out_hbm.at[cid, pl.ds(stripe, ROWS_PER_TILE)])

    return pl.kernel(
        body,
        out_type=jax.ShapeDtypeStruct((NC, N_PAD, D), jnp.float32),
        mesh=mesh,
        compiler_params=pltpu.CompilerParams(use_tc_tiling_on_sc=False),
        scratch_types=[
            pltpu.VMEM((CH, L_CHUNK), jnp.int32),
            pltpu.VMEM((CH, L_CHUNK), jnp.int32),
            pltpu.VMEM((L_CHUNK, D), jnp.float32),
            pltpu.VMEM((L_CHUNK, D), jnp.float32),
            pltpu.VMEM_SHARED((N_PAD, D), jnp.float32),
            pltpu.SemaphoreType.DMA,
            pltpu.SemaphoreType.DMA,
        ],
    )


def _edge_agg(x_pad, srcp, dstp):
    return _make_edge_agg()(x_pad, srcp, dstp)



def _dense_body(agg_ref, x_ref, bid_ref, wa_ref, ba_ref, wb_ref, bb_ref,
                gm_ref, bt_ref, z_ref, g_ref, zp_scr):
    wa = wa_ref[...]
    wb = wb_ref[...]
    ba = ba_ref[...]
    bb = bb_ref[...]

    def pass1(i, carry):
        P, cnt, SS = carry
        a = (agg_ref[0, pl.ds(i * BLK, BLK), :] + agg_ref[1, pl.ds(i * BLK, BLK), :]
             + x_ref[pl.ds(i * BLK, BLK), :])
        h = jnp.maximum(
            lax.dot_general(a, wa, (((1,), (1,)), ((), ())),
                            preferred_element_type=jnp.float32) + ba, 0.0)
        h = lax.dot_general(h, wb, (((1,), (1,)), ((), ())),
                            preferred_element_type=jnp.float32) + bb
        zp = jnp.maximum(h, 0.0)
        bidb = bid_ref[pl.ds(i * BLK, BLK), :]
        oh = (bidb == lax.broadcasted_iota(jnp.int32, (BLK, B), 1)
              ).astype(jnp.float32)
        P = P + lax.dot_general(oh, zp, (((0,), (0,)), ((), ())),
                                preferred_element_type=jnp.float32)
        cnt = cnt + lax.dot_general(oh, jnp.ones((BLK, 1), jnp.float32),
                                    (((0,), (0,)), ((), ())),
                                    preferred_element_type=jnp.float32)
        valid = (bidb >= 0).astype(jnp.float32)
        SS = SS + jnp.sum(zp * zp * valid, axis=0, keepdims=True)
        zp_scr[pl.ds(i * BLK, BLK), :] = zp
        return P, cnt, SS

    P0 = jnp.zeros((B, D), jnp.float32)
    cnt0 = jnp.zeros((B, 1), jnp.float32)
    SS0 = jnp.zeros((1, D), jnp.float32)
    P, cnt, SS = lax.fori_loop(0, NBLK, pass1, (P0, cnt0, SS0))

    mean = jnp.sum(P, axis=0, keepdims=True) / N
    var = SS / N - mean * mean
    inv = lax.rsqrt(var + 1e-5)
    k = gm_ref[...] * inv
    c = bt_ref[...] - mean * k
    g_ref[...] = P * k + cnt * c

    def pass2(i, carry):
        z_ref[pl.ds(i * BLK, BLK), :] = zp_scr[pl.ds(i * BLK, BLK), :] * k + c
        return carry
    lax.fori_loop(0, NBLK, pass2, 0)


def _dense(agg, xin, bid, Wa, ba, Wb, bb, gamma, beta):
    return pl.pallas_call(
        _dense_body,
        out_shape=[jax.ShapeDtypeStruct((N_PAD, D), jnp.float32),
                   jax.ShapeDtypeStruct((B, D), jnp.float32)],
        scratch_shapes=[pltpu.VMEM((N_PAD, D), jnp.float32)],
    )(agg, xin, bid, Wa, ba.reshape(1, D), Wb, bb.reshape(1, D),
      gamma.reshape(1, D), beta.reshape(1, D))



def kernel(x, edge_index, node_batch_id,
           W1a, b1a, W1b, b1b, gamma1, beta1,
           W2a, b2a, W2b, b2b, gamma2, beta2):
    src = edge_index[0]
    dst = edge_index[1]
    srcp = jnp.concatenate(
        [src, jnp.zeros((E_PAD - E,), jnp.int32)]).reshape(NC, NS, CH, L_CHUNK)
    dstp = jnp.concatenate(
        [dst, jnp.full((E_PAD - E,), N, jnp.int32)]).reshape(NC, NS, CH, L_CHUNK)
    bidp = jnp.concatenate(
        [node_batch_id, jnp.full((N_PAD - N,), -1, jnp.int32)])[:, None]
    x_pad = jnp.pad(x, ((0, N_PAD - N), (0, 0)))

    agg1 = _edge_agg(x_pad, srcp, dstp)
    z1p, g1 = _dense(agg1, x_pad, bidp, W1a, b1a, W1b, b1b, gamma1, beta1)
    agg2 = _edge_agg(z1p, srcp, dstp)
    z2p, g2 = _dense(agg2, z1p, bidp, W2a, b2a, W2b, b2b, gamma2, beta2)

    z_out = jnp.concatenate([z1p[:N], z2p[:N]], axis=1)
    g_out = jnp.concatenate([g1, g2], axis=1)
    return (z_out, g_out)

# --- scband reference (transcript-rebuilt; emitter-appended) ---
"""Pipeline reference for scband-graph-node-encoder-9783935500480 (READ-ONLY COPY).

The authoritative reference and input builder live on the scoring server;
editing this copy changes nothing except your own understanding.
"""

import jax, jax.numpy as jnp
import numpy as np

N = 10000
E = 320000
D = 128
B = 16


def setup_inputs(seed: int = 0) -> dict:
    key = jax.random.key(seed)
    ks = jax.random.split(key, 16)
    x = jax.random.normal(ks[0], (N, D), dtype=jnp.float32)
    edge_index = jax.random.randint(ks[1], (2, E), 0, N, dtype=jnp.int32)
    node_batch_id = jnp.sort(jax.random.randint(ks[2], (N,), 0, B, dtype=jnp.int32))
    def lin(k, out_d, in_d):
        return 0.05 * jax.random.normal(k, (out_d, in_d), dtype=jnp.float32)
    inp = {
        'x': x,
        'edge_index': edge_index,
        'node_batch_id': node_batch_id,
        # conv layer 1 MLP (Linear(D,D) -> ReLU -> Linear(D,D))
        'W1a': lin(ks[3], D, D), 'b1a': jnp.zeros((D,), jnp.float32),
        'W1b': lin(ks[4], D, D), 'b1b': jnp.zeros((D,), jnp.float32),
        'gamma1': jnp.ones((D,), jnp.float32), 'beta1': jnp.zeros((D,), jnp.float32),
        # conv layer 2 MLP
        'W2a': lin(ks[5], D, D), 'b2a': jnp.zeros((D,), jnp.float32),
        'W2b': lin(ks[6], D, D), 'b2b': jnp.zeros((D,), jnp.float32),
        'gamma2': jnp.ones((D,), jnp.float32), 'beta2': jnp.zeros((D,), jnp.float32),
    }
    return inp


def _wgin_conv(x, edge_index, Wa, ba, Wb, bb, eps=0.0):
    # MessagePassing propagate with aggr='add', edge_weight=None:
    # message = x_j = x[src]; scatter-add onto dst
    src = edge_index[0]
    dst = edge_index[1]
    msg = jnp.take(x, src, axis=0)
    out = jax.ops.segment_sum(msg, dst, num_segments=N)
    out = out + (1.0 + eps) * x
    h = jnp.maximum(out @ Wa.T + ba, 0.0)
    h = h @ Wb.T + bb
    return h


def _batch_norm(z, gamma, beta, eps=1e-5):
    mean = jnp.mean(z, axis=0)
    var = jnp.var(z, axis=0)
    return (z - mean) / jnp.sqrt(var + eps) * gamma + beta


def reference(x, edge_index, node_batch_id,
              W1a, b1a, W1b, b1b, gamma1, beta1,
              W2a, b2a, W2b, b2b, gamma2, beta2):
    z = x
    zs = []
    # layer 1
    z = _wgin_conv(z, edge_index, W1a, b1a, W1b, b1b)
    z = jnp.maximum(z, 0.0)
    z = _batch_norm(z, gamma1, beta1)
    zs.append(z)
    # layer 2
    z = _wgin_conv(z, edge_index, W2a, b2a, W2b, b2b)
    z = jnp.maximum(z, 0.0)
    z = _batch_norm(z, gamma2, beta2)
    zs.append(z)
    # global add pool per layer
    gs = [jax.ops.segment_sum(zz, node_batch_id, num_segments=B) for zz in zs]
    z_out = jnp.concatenate(zs, axis=1)
    g_out = jnp.concatenate(gs, axis=1)
    return (z_out, g_out)

if __name__ == "__main__":
    import jax
    _d = setup_inputs()
    print(jax.jit(kernel)(*tuple(_d.values())))

</pallas_src>

<mosaic_0001>
#map = affine_map<(d0, d1) -> (0, 0)>
#map1 = affine_map<(d0, d1) -> (0, 0, 0, 0)>
#map2 = affine_map<(d0, d1) -> (0, 0, 0)>
module attributes {stable_mosaic.version = 14 : i64} {
  func.func @body(%arg0: i32, %arg1: i32, %arg2: memref<10240x128xf32, #tpu.memory_space<hbm>>, %arg3: memref<2x16x313x32xi32, #tpu.memory_space<hbm>>, %arg4: memref<2x16x313x32xi32, #tpu.memory_space<hbm>>, %arg5: memref<2x10240x128xf32, #tpu.memory_space<hbm>>, %arg6: memref<313x32xi32, #tpu.memory_space<vmem>>, %arg7: memref<313x32xi32, #tpu.memory_space<vmem>>, %arg8: memref<32x128xf32, #tpu.memory_space<vmem>>, %arg9: memref<32x128xf32, #tpu.memory_space<vmem>>, %arg10: memref<10240x128xf32, #tpu.memory_space<vmem_shared>>, %arg11: memref<!tpu.dma_semaphore, #tpu.memory_space<semaphore_mem>>, %arg12: memref<!tpu.dma_semaphore, #tpu.memory_space<semaphore_mem>>) attributes {dimension_semantics = [#tpu.dimension_semantics<core_parallel>, #tpu.dimension_semantics<subcore_parallel>], iteration_bounds = array<i64: 2, 16>, scalar_prefetch = 0 : i64, scratch_operands = 7 : i64, tpu.core_type = #tpu.core_type<sc_vector_subcore>, window_params = [{transform_indices = #map}, {transform_indices = #map1}, {transform_indices = #map1}, {transform_indices = #map2}]} {
    %mul3A = arith.constant 640 : i32
    %mul3A_0 = arith.muli %arg1, %mul3A : i32
    %scan3A = arith.constant 0 : i32
    %scan3A_1 = arith.constant 0 : i32
    %scan3A_2 = arith.constant 32 : i32
    %scan3A_3 = arith.addi %scan3A_1, %scan3A_2 : i32
    %scan3A_4 = arith.constant 1 : i32
    scf.for %scan3A_63 = %scan3A_1 to %scan3A_3 step %scan3A_4  : i32 {
      %broadcast_in_dim3A = arith.constant 0.000000e+00 : f32
      %broadcast_in_dim3A_64 = vector.broadcast %broadcast_in_dim3A : f32 to vector<16xf32>
      %swap3A = arith.index_cast %scan3A_63 : i32 to index
      %swap3A_65 = arith.constant 0 : index
      %swap3A_66 = tpu.vector_load %arg8[%swap3A, %swap3A_65] {strides = array<i32>} : memref<32x128xf32, #tpu.memory_space<vmem>>, vector<1x16xf32>,
      %swap3A_67 = vector.shape_cast %swap3A_66 : vector<1x16xf32> to vector<16xf32>
      %swap3A_68 = vector.shape_cast %broadcast_in_dim3A_64 : vector<16xf32> to vector<1x16xf32>
      tpu.vector_store %arg8[%swap3A, %swap3A_65], %swap3A_68 {strides = array<i32>} : memref<32x128xf32, #tpu.memory_space<vmem>>, vector<1x16xf32>,
      %broadcast_in_dim3A_69 = arith.constant 0.000000e+00 : f32
      %broadcast_in_dim3A_70 = vector.broadcast %broadcast_in_dim3A_69 : f32 to vector<16xf32>
      %swap3A_71 = arith.index_cast %scan3A_63 : i32 to index
      %swap3A_72 = arith.constant 16 : index
      %swap3A_73 = tpu.vector_load %arg8[%swap3A_71, %swap3A_72] {strides = array<i32>} : memref<32x128xf32, #tpu.memory_space<vmem>>, vector<1x16xf32>,
      %swap3A_74 = vector.shape_cast %swap3A_73 : vector<1x16xf32> to vector<16xf32>
      %swap3A_75 = vector.shape_cast %broadcast_in_dim3A_70 : vector<16xf32> to vector<1x16xf32>
      tpu.vector_store %arg8[%swap3A_71, %swap3A_72], %swap3A_75 {strides = array<i32>} : memref<32x128xf32, #tpu.memory_space<vmem>>, vector<1x16xf32>,
      %broadcast_in_dim3A_76 = arith.constant 0.000000e+00 : f32
      %broadcast_in_dim3A_77 = vector.broadcast %broadcast_in_dim3A_76 : f32 to vector<16xf32>
      %swap3A_78 = arith.index_cast %scan3A_63 : i32 to index
      %swap3A_79 = arith.constant 32 : index
      %swap3A_80 = tpu.vector_load %arg8[%swap3A_78, %swap3A_79] {strides = array<i32>} : memref<32x128xf32, #tpu.memory_space<vmem>>, vector<1x16xf32>,
      %swap3A_81 = vector.shape_cast %swap3A_80 : vector<1x16xf32> to vector<16xf32>
      %swap3A_82 = vector.shape_cast %broadcast_in_dim3A_77 : vector<16xf32> to vector<1x16xf32>
      tpu.vector_store %arg8[%swap3A_78, %swap3A_79], %swap3A_82 {strides = array<i32>} : memref<32x128xf32, #tpu.memory_space<vmem>>, vector<1x16xf32>,
      %broadcast_in_dim3A_83 = arith.constant 0.000000e+00 : f32
      %broadcast_in_dim3A_84 = vector.broadcast %broadcast_in_dim3A_83 : f32 to vector<16xf32>
      %swap3A_85 = arith.index_cast %scan3A_63 : i32 to index
      %swap3A_86 = arith.constant 48 : index
      %swap3A_87 = tpu.vector_load %arg8[%swap3A_85, %swap3A_86] {strides = array<i32>} : memref<32x128xf32, #tpu.memory_space<vmem>>, vector<1x16xf32>,
      %swap3A_88 = vector.shape_cast %swap3A_87 : vector<1x16xf32> to vector<16xf32>
      %swap3A_89 = vector.shape_cast %broadcast_in_dim3A_84 : vector<16xf32> to vector<1x16xf32>
      tpu.vector_store %arg8[%swap3A_85, %swap3A_86], %swap3A_89 {strides = array<i32>} : memref<32x128xf32, #tpu.memory_space<vmem>>, vector<1x16xf32>,
      %broadcast_in_dim3A_90 = arith.constant 0.000000e+00 : f32
      %broadcast_in_dim3A_91 = vector.broadcast %broadcast_in_dim3A_90 : f32 to vector<16xf32>
      %swap3A_92 = arith.index_cast %scan3A_63 : i32 to index
      %swap3A_93 = arith.constant 64 : index
      %swap3A_94 = tpu.vector_load %arg8[%swap3A_92, %swap3A_93] {strides = array<i32>} : memref<32x128xf32, #tpu.memory_space<vmem>>, vector<1x16xf32>,
      %swap3A_95 = vector.shape_cast %swap3A_94 : vector<1x16xf32> to vector<16xf32>
      %swap3A_96 = vector.shape_cast %broadcast_in_dim3A_91 : vector<16xf32> to vector<1x16xf32>
      tpu.vector_store %arg8[%swap3A_92, %swap3A_93], %swap3A_96 {strides = array<i32>} : memref<32x128xf32, #tpu.memory_space<vmem>>, vector<1x16xf32>,
      %broadcast_in_dim3A_97 = arith.constant 0.000000e+00 : f32
      %broadcast_in_dim3A_98 = vector.broadcast %broadcast_in_dim3A_97 : f32 to vector<16xf32>
      %swap3A_99 = arith.index_cast %scan3A_63 : i32 to index
      %swap3A_100 = arith.constant 80 : index
      %swap3A_101 = tpu.vector_load %arg8[%swap3A_99, %swap3A_100] {strides = array<i32>} : memref<32x128xf32, #tpu.memory_space<vmem>>, vector<1x16xf32>,
      %swap3A_102 = vector.shape_cast %swap3A_101 : vector<1x16xf32> to vector<16xf32>
      %swap3A_103 = vector.shape_cast %broadcast_in_dim3A_98 : vector<16xf32> to vector<1x16xf32>
      tpu.vector_store %arg8[%swap3A_99, %swap3A_100], %swap3A_103 {strides = array<i32>} : memref<32x128xf32, #tpu.memory_space<vmem>>, vector<1x16xf32>,
      %broadcast_in_dim3A_104 = arith.constant 0.000000e+00 : f32
      %broadcast_in_dim3A_105 = vector.broadcast %broadcast_in_dim3A_104 : f32 to vector<16xf32>
      %swap3A_106 = arith.index_cast %scan3A_63 : i32 to index
      %swap3A_107 = arith.constant 96 : index
      %swap3A_108 = tpu.vector_load %arg8[%swap3A_106, %swap3A_107] {strides = array<i32>} : memref<32x128xf32, #tpu.memory_space<vmem>>, vector<1x16xf32>,
      %swap3A_109 = vector.shape_cast %swap3A_108 : vector<1x16xf32> to vector<16xf32>
      %swap3A_110 = vector.shape_cast %broadcast_in_dim3A_105 : vector<16xf32> to vector<1x16xf32>
      tpu.vector_store %arg8[%swap3A_106, %swap3A_107], %swap3A_110 {strides = array<i32>} : memref<32x128xf32, #tpu.memory_space<vmem>>, vector<1x16xf32>,
      %broadcast_in_dim3A_111 = arith.constant 0.000000e+00 : f32
      %broadcast_in_dim3A_112 = vector.broadcast %broadcast_in_dim3A_111 : f32 to vector<16xf32>
      %swap3A_113 = arith.index_cast %scan3A_63 : i32 to index
      %swap3A_114 = arith.constant 112 : index
      %swap3A_115 = tpu.vector_load %arg8[%swap3A_113, %swap3A_114] {strides = array<i32>} : memref<32x128xf32, #tpu.memory_space<vmem>>, vector<1x16xf32>,
      %swap3A_116 = vector.shape_cast %swap3A_115 : vector<1x16xf32> to vector<16xf32>
      %swap3A_117 = vector.shape_cast %broadcast_in_dim3A_112 : vector<16xf32> to vector<1x16xf32>
      tpu.vector_store %arg8[%swap3A_113, %swap3A_114], %swap3A_117 {strides = array<i32>} : memref<32x128xf32, #tpu.memory_space<vmem>>, vector<1x16xf32>,
    }
    %scan3A_5 = arith.constant 32 : i32
    %add3A = arith.constant 0 : i32
    %add3A_6 = arith.addi %mul3A_0, %add3A : i32
    "tpu.region"() ({
      %run_scoped3A_63 = tpu.sem_alloc : memref<!tpu.dma_semaphore, #tpu.memory_space<semaphore_mem>>
      %dma_start3A_64 = arith.constant 0 : i32
      %dma_start3A_65 = arith.constant 0 : i32
      %dma_start3A_66 = tpu.memref_slice %arg8[%dma_start3A_64, %dma_start3A_65] : memref<32x128xf32, #tpu.memory_space<vmem>> -> memref<32x128xf32, #tpu.memory_space<vmem>>
      %dma_start3A_67 = arith.constant 0 : i32
      %dma_start3A_68 = tpu.memref_slice %arg10[%add3A_6, %dma_start3A_67] : memref<10240x128xf32, #tpu.memory_space<vmem_shared>> -> memref<32x128xf32, #tpu.memory_space<vmem_shared>>
      %dma_start3A_69 = arith.constant 0 : i32
      %dma_start3A_70 = tpu.memref_slice %arg10[%add3A_6, %dma_start3A_69] : memref<10240x128xf32, #tpu.memory_space<vmem_shared>> -> memref<32x128xf32, #tpu.memory_space<vmem_shared>>
      %dma_start3A_71 = arith.constant 0 : i32
      %dma_start3A_72 = arith.constant 0 : i32
      %dma_start3A_73 = tpu.memref_slice %arg8[%dma_start3A_71, %dma_start3A_72] : memref<32x128xf32, #tpu.memory_space<vmem>> -> memref<32x128xf32, #tpu.memory_space<vmem>>
      tpu.enqueue_dma source(%dma_start3A_73 : memref<32x128xf32, #tpu.memory_space<vmem>>) target(%dma_start3A_70 : memref<32x128xf32, #tpu.memory_space<vmem_shared>>) target_semaphore(%run_scoped3A_63 : memref<!tpu.dma_semaphore, #tpu.memory_space<semaphore_mem>>)
      %dma_wait3A_74 = arith.constant 0 : i32
      %dma_wait3A_75 = arith.constant 0 : i32
      %dma_wait3A_76 = tpu.memref_slice %arg8[%dma_wait3A_74, %dma_wait3A_75] : memref<32x128xf32, #tpu.memory_space<vmem>> -> memref<32x128xf32, #tpu.memory_space<vmem>>
      %dma_wait3A_77 = arith.constant 0 : i32
      %dma_wait3A_78 = tpu.memref_slice %arg10[%add3A_6, %dma_wait3A_77] : memref<10240x128xf32, #tpu.memory_space<vmem_shared>> -> memref<32x128xf32, #tpu.memory_space<vmem_shared>>
      %dma_wait3A_79 = arith.constant 0 : i32
      %dma_wait3A_80 = tpu.memref_slice %arg10[%add3A_6, %dma_wait3A_79] : memref<10240x128xf32, #tpu.memory_space<vmem_shared>> -> memref<32x128xf32, #tpu.memory_space<vmem_shared>>
      %dma_wait3A_81 = arith.constant 0 : i32
      %dma_wait3A_82 = arith.constant 0 : i32
      %dma_wait3A_83 = tpu.memref_slice %arg8[%dma_wait3A_81, %dma_wait3A_82] : memref<32x128xf32, #tpu.memory_space<vmem>> -> memref<32x128xf32, #tpu.memory_space<vmem>>
      tpu.wait_dma2 semaphore(%run_scoped3A_63 : memref<!tpu.dma_semaphore, #tpu.memory_space<semaphore_mem>>) src(%dma_wait3A_83 : memref<32x128xf32, #tpu.memory_space<vmem>>) dst(%dma_wait3A_80 : memref<32x128xf32, #tpu.memory_space<vmem_shared>>)
      tpu.yield
    }) : () -> ()
    %add3A_7 = arith.constant 32 : i32
    %add3A_8 = arith.addi %mul3A_0, %add3A_7 : i32
    "tpu.region"() ({
      %run_scoped3A_63 = tpu.sem_alloc : memref<!tpu.dma_semaphore, #tpu.memory_space<semaphore_mem>>
      %dma_start3A_64 = arith.constant 0 : i32
      %dma_start3A_65 = arith.constant 0 : i32
      %dma_start3A_66 = tpu.memref_slice %arg8[%dma_start3A_64, %dma_start3A_65] : memref<32x128xf32, #tpu.memory_space<vmem>> -> memref<32x128xf32, #tpu.memory_space<vmem>>
      %dma_start3A_67 = arith.constant 0 : i32
      %dma_start3A_68 = tpu.memref_slice %arg10[%add3A_8, %dma_start3A_67] : memref<10240x128xf32, #tpu.memory_space<vmem_shared>> -> memref<32x128xf32, #tpu.memory_space<vmem_shared>>
      %dma_start3A_69 = arith.constant 0 : i32
      %dma_start3A_70 = tpu.memref_slice %arg10[%add3A_8, %dma_start3A_69] : memref<10240x128xf32, #tpu.memory_space<vmem_shared>> -> memref<32x128xf32, #tpu.memory_space<vmem_shared>>
      %dma_start3A_71 = arith.constant 0 : i32
      %dma_start3A_72 = arith.constant 0 : i32
      %dma_start3A_73 = tpu.memref_slice %arg8[%dma_start3A_71, %dma_start3A_72] : memref<32x128xf32, #tpu.memory_space<vmem>> -> memref<32x128xf32, #tpu.memory_space<vmem>>
      tpu.enqueue_dma source(%dma_start3A_73 : memref<32x128xf32, #tpu.memory_space<vmem>>) target(%dma_start3A_70 : memref<32x128xf32, #tpu.memory_space<vmem_shared>>) target_semaphore(%run_scoped3A_63 : memref<!tpu.dma_semaphore, #tpu.memory_space<semaphore_mem>>)
      %dma_wait3A_74 = arith.constant 0 : i32
      %dma_wait3A_75 = arith.constant 0 : i32
      %dma_wait3A_76 = tpu.memref_slice %arg8[%dma_wait3A_74, %dma_wait3A_75] : memref<32x128xf32, #tpu.memory_space<vmem>> -> memref<32x128xf32, #tpu.memory_space<vmem>>
      %dma_wait3A_77 = arith.constant 0 : i32
      %dma_wait3A_78 = tpu.memref_slice %arg10[%add3A_8, %dma_wait3A_77] : memref<10240x128xf32, #tpu.memory_space<vmem_shared>> -> memref<32x128xf32, #tpu.memory_space<vmem_shared>>
      %dma_wait3A_79 = arith.constant 0 : i32
      %dma_wait3A_80 = tpu.memref_slice %arg10[%add3A_8, %dma_wait3A_79] : memref<10240x128xf32, #tpu.memory_space<vmem_shared>> -> memref<32x128xf32, #tpu.memory_space<vmem_shared>>
      %dma_wait3A_81 = arith.constant 0 : i32
      %dma_wait3A_82 = arith.constant 0 : i32
      %dma_wait3A_83 = tpu.memref_slice %arg8[%dma_wait3A_81, %dma_wait3A_82] : memref<32x128xf32, #tpu.memory_space<vmem>> -> memref<32x128xf32, #tpu.memory_space<vmem>>
      tpu.wait_dma2 semaphore(%run_scoped3A_63 : memref<!tpu.dma_semaphore, #tpu.memory_space<semaphore_mem>>) src(%dma_wait3A_83 : memref<32x128xf32, #tpu.memory_space<vmem>>) dst(%dma_wait3A_80 : memref<32x128xf32, #tpu.memory_space<vmem_shared>>)
      tpu.yield
    }) : () -> ()
    %add3A_9 = arith.constant 64 : i32
    %add3A_10 = arith.addi %mul3A_0, %add3A_9 : i32
    "tpu.region"() ({
      %run_scoped3A_63 = tpu.sem_alloc : memref<!tpu.dma_semaphore, #tpu.memory_space<semaphore_mem>>
      %dma_start3A_64 = arith.constant 0 : i32
      %dma_start3A_65 = arith.constant 0 : i32
      %dma_start3A_66 = tpu.memref_slice %arg8[%dma_start3A_64, %dma_start3A_65] : memref<32x128xf32, #tpu.memory_space<vmem>> -> memref<32x128xf32, #tpu.memory_space<vmem>>
      %dma_start3A_67 = arith.constant 0 : i32
      %dma_start3A_68 = tpu.memref_slice %arg10[%add3A_10, %dma_start3A_67] : memref<10240x128xf32, #tpu.memory_space<vmem_shared>> -> memref<32x128xf32, #tpu.memory_space<vmem_shared>>
      %dma_start3A_69 = arith.constant 0 : i32
      %dma_start3A_70 = tpu.memref_slice %arg10[%add3A_10, %dma_start3A_69] : memref<10240x128xf32, #tpu.memory_space<vmem_shared>> -> memref<32x128xf32, #tpu.memory_space<vmem_shared>>
      %dma_start3A_71 = arith.constant 0 : i32
      %dma_start3A_72 = arith.constant 0 : i32
      %dma_start3A_73 = tpu.memref_slice %arg8[%dma_start3A_71, %dma_start3A_72] : memref<32x128xf32, #tpu.memory_space<vmem>> -> memref<32x128xf32, #tpu.memory_space<vmem>>
      tpu.enqueue_dma source(%dma_start3A_73 : memref<32x128xf32, #tpu.memory_space<vmem>>) target(%dma_start3A_70 : memref<32x128xf32, #tpu.memory_space<vmem_shared>>) target_semaphore(%run_scoped3A_63 : memref<!tpu.dma_semaphore, #tpu.memory_space<semaphore_mem>>)
      %dma_wait3A_74 = arith.constant 0 : i32
      %dma_wait3A_75 = arith.constant 0 : i32
      %dma_wait3A_76 = tpu.memref_slice %arg8[%dma_wait3A_74, %dma_wait3A_75] : memref<32x128xf32, #tpu.memory_space<vmem>> -> memref<32x128xf32, #tpu.memory_space<vmem>>
      %dma_wait3A_77 = arith.constant 0 : i32
      %dma_wait3A_78 = tpu.memref_slice %arg10[%add3A_10, %dma_wait3A_77] : memref<10240x128xf32, #tpu.memory_space<vmem_shared>> -> memref<32x128xf32, #tpu.memory_space<vmem_shared>>
      %dma_wait3A_79 = arith.constant 0 : i32
      %dma_wait3A_80 = tpu.memref_slice %arg10[%add3A_10, %dma_wait3A_79] : memref<10240x128xf32, #tpu.memory_space<vmem_shared>> -> memref<32x128xf32, #tpu.memory_space<vmem_shared>>
      %dma_wait3A_81 = arith.constant 0 : i32
      %dma_wait3A_82 = arith.constant 0 : i32
      %dma_wait3A_83 = tpu.memref_slice %arg8[%dma_wait3A_81, %dma_wait3A_82] : memref<32x128xf32, #tpu.memory_space<vmem>> -> memref<32x128xf32, #tpu.memory_space<vmem>>
      tpu.wait_dma2 semaphore(%run_scoped3A_63 : memref<!tpu.dma_semaphore, #tpu.memory_space<semaphore_mem>>) src(%dma_wait3A_83 : memref<32x128xf32, #tpu.memory_space<vmem>>) dst(%dma_wait3A_80 : memref<32x128xf32, #tpu.memory_space<vmem_shared>>)
      tpu.yield
    }) : () -> ()
    %add3A_11 = arith.constant 96 : i32
    %add3A_12 = arith.addi %mul3A_0, %add3A_11 : i32
    "tpu.region"() ({
      %run_scoped3A_63 = tpu.sem_alloc : memref<!tpu.dma_semaphore, #tpu.memory_space<semaphore_mem>>
      %dma_start3A_64 = arith.constant 0 : i32
      %dma_start3A_65 = arith.constant 0 : i32
      %dma_start3A_66 = tpu.memref_slice %arg8[%dma_start3A_64, %dma_start3A_65] : memref<32x128xf32, #tpu.memory_space<vmem>> -> memref<32x128xf32, #tpu.memory_space<vmem>>
      %dma_start3A_67 = arith.constant 0 : i32
      %dma_start3A_68 = tpu.memref_slice %arg10[%add3A_12, %dma_start3A_67] : memref<10240x128xf32, #tpu.memory_space<vmem_shared>> -> memref<32x128xf32, #tpu.memory_space<vmem_shared>>
      %dma_start3A_69 = arith.constant 0 : i32
      %dma_start3A_70 = tpu.memref_slice %arg10[%add3A_12, %dma_start3A_69] : memref<10240x128xf32, #tpu.memory_space<vmem_shared>> -> memref<32x128xf32, #tpu.memory_space<vmem_shared>>
      %dma_start3A_71 = arith.constant 0 : i32
      %dma_start3A_72 = arith.constant 0 : i32
      %dma_start3A_73 = tpu.memref_slice %arg8[%dma_start3A_71, %dma_start3A_72] : memref<32x128xf32, #tpu.memory_space<vmem>> -> memref<32x128xf32, #tpu.memory_space<vmem>>
      tpu.enqueue_dma source(%dma_start3A_73 : memref<32x128xf32, #tpu.memory_space<vmem>>) target(%dma_start3A_70 : memref<32x128xf32, #tpu.memory_space<vmem_shared>>) target_semaphore(%run_scoped3A_63 : memref<!tpu.dma_semaphore, #tpu.memory_space<semaphore_mem>>)
      %dma_wait3A_74 = arith.constant 0 : i32
      %dma_wait3A_75 = arith.constant 0 : i32
      %dma_wait3A_76 = tpu.memref_slice %arg8[%dma_wait3A_74, %dma_wait3A_75] : memref<32x128xf32, #tpu.memory_space<vmem>> -> memref<32x128xf32, #tpu.memory_space<vmem>>
      %dma_wait3A_77 = arith.constant 0 : i32
      %dma_wait3A_78 = tpu.memref_slice %arg10[%add3A_12, %dma_wait3A_77] : memref<10240x128xf32, #tpu.memory_space<vmem_shared>> -> memref<32x128xf32, #tpu.memory_space<vmem_shared>>
      %dma_wait3A_79 = arith.constant 0 : i32
      %dma_wait3A_80 = tpu.memref_slice %arg10[%add3A_12, %dma_wait3A_79] : memref<10240x128xf32, #tpu.memory_space<vmem_shared>> -> memref<32x128xf32, #tpu.memory_space<vmem_shared>>
      %dma_wait3A_81 = arith.constant 0 : i32
      %dma_wait3A_82 = arith.constant 0 : i32
      %dma_wait3A_83 = tpu.memref_slice %arg8[%dma_wait3A_81, %dma_wait3A_82] : memref<32x128xf32, #tpu.memory_space<vmem>> -> memref<32x128xf32, #tpu.memory_space<vmem>>
      tpu.wait_dma2 semaphore(%run_scoped3A_63 : memref<!tpu.dma_semaphore, #tpu.memory_space<semaphore_mem>>) src(%dma_wait3A_83 : memref<32x128xf32, #tpu.memory_space<vmem>>) dst(%dma_wait3A_80 : memref<32x128xf32, #tpu.memory_space<vmem_shared>>)
      tpu.yield
    }) : () -> ()
    %add3A_13 = arith.constant 128 : i32
    %add3A_14 = arith.addi %mul3A_0, %add3A_13 : i32
    "tpu.region"() ({
      %run_scoped3A_63 = tpu.sem_alloc : memref<!tpu.dma_semaphore, #tpu.memory_space<semaphore_mem>>
      %dma_start3A_64 = arith.constant 0 : i32
      %dma_start3A_65 = arith.constant 0 : i32
      %dma_start3A_66 = tpu.memref_slice %arg8[%dma_start3A_64, %dma_start3A_65] : memref<32x128xf32, #tpu.memory_space<vmem>> -> memref<32x128xf32, #tpu.memory_space<vmem>>
      %dma_start3A_67 = arith.constant 0 : i32
      %dma_start3A_68 = tpu.memref_slice %arg10[%add3A_14, %dma_start3A_67] : memref<10240x128xf32, #tpu.memory_space<vmem_shared>> -> memref<32x128xf32, #tpu.memory_space<vmem_shared>>
      %dma_start3A_69 = arith.constant 0 : i32
      %dma_start3A_70 = tpu.memref_slice %arg10[%add3A_14, %dma_start3A_69] : memref<10240x128xf32, #tpu.memory_space<vmem_shared>> -> memref<32x128xf32, #tpu.memory_space<vmem_shared>>
      %dma_start3A_71 = arith.constant 0 : i32
      %dma_start3A_72 = arith.constant 0 : i32
      %dma_start3A_73 = tpu.memref_slice %arg8[%dma_start3A_71, %dma_start3A_72] : memref<32x128xf32, #tpu.memory_space<vmem>> -> memref<32x128xf32, #tpu.memory_space<vmem>>
      tpu.enqueue_dma source(%dma_start3A_73 : memref<32x128xf32, #tpu.memory_space<vmem>>) target(%dma_start3A_70 : memref<32x128xf32, #tpu.memory_space<vmem_shared>>) target_semaphore(%run_scoped3A_63 : memref<!tpu.dma_semaphore, #tpu.memory_space<semaphore_mem>>)
      %dma_wait3A_74 = arith.constant 0 : i32
      %dma_wait3A_75 = arith.constant 0 : i32
      %dma_wait3A_76 = tpu.memref_slice %arg8[%dma_wait3A_74, %dma_wait3A_75] : memref<32x128xf32, #tpu.memory_space<vmem>> -> memref<32x128xf32, #tpu.memory_space<vmem>>
      %dma_wait3A_77 = arith.constant 0 : i32
      %dma_wait3A_78 = tpu.memref_slice %arg10[%add3A_14, %dma_wait3A_77] : memref<10240x128xf32, #tpu.memory_space<vmem_shared>> -> memref<32x128xf32, #tpu.memory_space<vmem_shared>>
      %dma_wait3A_79 = arith.constant 0 : i32
      %dma_wait3A_80 = tpu.memref_slice %arg10[%add3A_14, %dma_wait3A_79] : memref<10240x128xf32, #tpu.memory_space<vmem_shared>> -> memref<32x128xf32, #tpu.memory_space<vmem_shared>>
      %dma_wait3A_81 = arith.constant 0 : i32
      %dma_wait3A_82 = arith.constant 0 : i32
      %dma_wait3A_83 = tpu.memref_slice %arg8[%dma_wait3A_81, %dma_wait3A_82] : memref<32x128xf32, #tpu.memory_space<vmem>> -> memref<32x128xf32, #tpu.memory_space<vmem>>
      tpu.wait_dma2 semaphore(%run_scoped3A_63 : memref<!tpu.dma_semaphore, #tpu.memory_space<semaphore_mem>>) src(%dma_wait3A_83 : memref<32x128xf32, #tpu.memory_space<vmem>>) dst(%dma_wait3A_80 : memref<32x128xf32, #tpu.memory_space<vmem_shared>>)
      tpu.yield
    }) : () -> ()
    %add3A_15 = arith.constant 160 : i32
    %add3A_16 = arith.addi %mul3A_0, %add3A_15 : i32
    "tpu.region"() ({
      %run_scoped3A_63 = tpu.sem_alloc : memref<!tpu.dma_semaphore, #tpu.memory_space<semaphore_mem>>
      %dma_start3A_64 = arith.constant 0 : i32
      %dma_start3A_65 = arith.constant 0 : i32
      %dma_start3A_66 = tpu.memref_slice %arg8[%dma_start3A_64, %dma_start3A_65] : memref<32x128xf32, #tpu.memory_space<vmem>> -> memref<32x128xf32, #tpu.memory_space<vmem>>
      %dma_start3A_67 = arith.constant 0 : i32
      %dma_start3A_68 = tpu.memref_slice %arg10[%add3A_16, %dma_start3A_67] : memref<10240x128xf32, #tpu.memory_space<vmem_shared>> -> memref<32x128xf32, #tpu.memory_space<vmem_shared>>
      %dma_start3A_69 = arith.constant 0 : i32
      %dma_start3A_70 = tpu.memref_slice %arg10[%add3A_16, %dma_start3A_69] : memref<10240x128xf32, #tpu.memory_space<vmem_shared>> -> memref<32x128xf32, #tpu.memory_space<vmem_shared>>
      %dma_start3A_71 = arith.constant 0 : i32
      %dma_start3A_72 = arith.constant 0 : i32
      %dma_start3A_73 = tpu.memref_slice %arg8[%dma_start3A_71, %dma_start3A_72] : memref<32x128xf32, #tpu.memory_space<vmem>> -> memref<32x128xf32, #tpu.memory_space<vmem>>
      tpu.enqueue_dma source(%dma_start3A_73 : memref<32x128xf32, #tpu.memory_space<vmem>>) target(%dma_start3A_70 : memref<32x128xf32, #tpu.memory_space<vmem_shared>>) target_semaphore(%run_scoped3A_63 : memref<!tpu.dma_semaphore, #tpu.memory_space<semaphore_mem>>)
      %dma_wait3A_74 = arith.constant 0 : i32
      %dma_wait3A_75 = arith.constant 0 : i32
      %dma_wait3A_76 = tpu.memref_slice %arg8[%dma_wait3A_74, %dma_wait3A_75] : memref<32x128xf32, #tpu.memory_space<vmem>> -> memref<32x128xf32, #tpu.memory_space<vmem>>
      %dma_wait3A_77 = arith.constant 0 : i32
      %dma_wait3A_78 = tpu.memref_slice %arg10[%add3A_16, %dma_wait3A_77] : memref<10240x128xf32, #tpu.memory_space<vmem_shared>> -> memref<32x128xf32, #tpu.memory_space<vmem_shared>>
      %dma_wait3A_79 = arith.constant 0 : i32
      %dma_wait3A_80 = tpu.memref_slice %arg10[%add3A_16, %dma_wait3A_79] : memref<10240x128xf32, #tpu.memory_space<vmem_shared>> -> memref<32x128xf32, #tpu.memory_space<vmem_shared>>
      %dma_wait3A_81 = arith.constant 0 : i32
      %dma_wait3A_82 = arith.constant 0 : i32
      %dma_wait3A_83 = tpu.memref_slice %arg8[%dma_wait3A_81, %dma_wait3A_82] : memref<32x128xf32, #tpu.memory_space<vmem>> -> memref<32x128xf32, #tpu.memory_space<vmem>>
      tpu.wait_dma2 semaphore(%run_scoped3A_63 : memref<!tpu.dma_semaphore, #tpu.memory_space<semaphore_mem>>) src(%dma_wait3A_83 : memref<32x128xf32, #tpu.memory_space<vmem>>) dst(%dma_wait3A_80 : memref<32x128xf32, #tpu.memory_space<vmem_shared>>)
      tpu.yield
    }) : () -> ()
    %add3A_17 = arith.constant 192 : i32
    %add3A_18 = arith.addi %mul3A_0, %add3A_17 : i32
    "tpu.region"() ({
      %run_scoped3A_63 = tpu.sem_alloc : memref<!tpu.dma_semaphore, #tpu.memory_space<semaphore_mem>>
      %dma_start3A_64 = arith.constant 0 : i32
      %dma_start3A_65 = arith.constant 0 : i32
      %dma_start3A_66 = tpu.memref_slice %arg8[%dma_start3A_64, %dma_start3A_65] : memref<32x128xf32, #tpu.memory_space<vmem>> -> memref<32x128xf32, #tpu.memory_space<vmem>>
      %dma_start3A_67 = arith.constant 0 : i32
      %dma_start3A_68 = tpu.memref_slice %arg10[%add3A_18, %dma_start3A_67] : memref<10240x128xf32, #tpu.memory_space<vmem_shared>> -> memref<32x128xf32, #tpu.memory_space<vmem_shared>>
      %dma_start3A_69 = arith.constant 0 : i32
      %dma_start3A_70 = tpu.memref_slice %arg10[%add3A_18, %dma_start3A_69] : memref<10240x128xf32, #tpu.memory_space<vmem_shared>> -> memref<32x128xf32, #tpu.memory_space<vmem_shared>>
      %dma_start3A_71 = arith.constant 0 : i32
      %dma_start3A_72 = arith.constant 0 : i32
      %dma_start3A_73 = tpu.memref_slice %arg8[%dma_start3A_71, %dma_start3A_72] : memref<32x128xf32, #tpu.memory_space<vmem>> -> memref<32x128xf32, #tpu.memory_space<vmem>>
      tpu.enqueue_dma source(%dma_start3A_73 : memref<32x128xf32, #tpu.memory_space<vmem>>) target(%dma_start3A_70 : memref<32x128xf32, #tpu.memory_space<vmem_shared>>) target_semaphore(%run_scoped3A_63 : memref<!tpu.dma_semaphore, #tpu.memory_space<semaphore_mem>>)
      %dma_wait3A_74 = arith.constant 0 : i32
      %dma_wait3A_75 = arith.constant 0 : i32
      %dma_wait3A_76 = tpu.memref_slice %arg8[%dma_wait3A_74, %dma_wait3A_75] : memref<32x128xf32, #tpu.memory_space<vmem>> -> memref<32x128xf32, #tpu.memory_space<vmem>>
      %dma_wait3A_77 = arith.constant 0 : i32
      %dma_wait3A_78 = tpu.memref_slice %arg10[%add3A_18, %dma_wait3A_77] : memref<10240x128xf32, #tpu.memory_space<vmem_shared>> -> memref<32x128xf32, #tpu.memory_space<vmem_shared>>
      %dma_wait3A_79 = arith.constant 0 : i32
      %dma_wait3A_80 = tpu.memref_slice %arg10[%add3A_18, %dma_wait3A_79] : memref<10240x128xf32, #tpu.memory_space<vmem_shared>> -> memref<32x128xf32, #tpu.memory_space<vmem_shared>>
      %dma_wait3A_81 = arith.constant 0 : i32
      %dma_wait3A_82 = arith.constant 0 : i32
      %dma_wait3A_83 = tpu.memref_slice %arg8[%dma_wait3A_81, %dma_wait3A_82] : memref<32x128xf32, #tpu.memory_space<vmem>> -> memref<32x128xf32, #tpu.memory_space<vmem>>
      tpu.wait_dma2 semaphore(%run_scoped3A_63 : memref<!tpu.dma_semaphore, #tpu.memory_space<semaphore_mem>>) src(%dma_wait3A_83 : memref<32x128xf32, #tpu.memory_space<vmem>>) dst(%dma_wait3A_80 : memref<32x128xf32, #tpu.memory_space<vmem_shared>>)
      tpu.yield
    }) : () -> ()
    %add3A_19 = arith.constant 224 : i32
    %add3A_20 = arith.addi %mul3A_0, %add3A_19 : i32
    "tpu.region"() ({
      %run_scoped3A_63 = tpu.sem_alloc : memref<!tpu.dma_semaphore, #tpu.memory_space<semaphore_mem>>
      %dma_start3A_64 = arith.constant 0 : i32
      %dma_start3A_65 = arith.constant 0 : i32
      %dma_start3A_66 = tpu.memref_slice %arg8[%dma_start3A_64, %dma_start3A_65] : memref<32x128xf32, #tpu.memory_space<vmem>> -> memref<32x128xf32, #tpu.memory_space<vmem>>
      %dma_start3A_67 = arith.constant 0 : i32
      %dma_start3A_68 = tpu.memref_slice %arg10[%add3A_20, %dma_start3A_67] : memref<10240x128xf32, #tpu.memory_space<vmem_shared>> -> memref<32x128xf32, #tpu.memory_space<vmem_shared>>
      %dma_start3A_69 = arith.constant 0 : i32
      %dma_start3A_70 = tpu.memref_slice %arg10[%add3A_20, %dma_start3A_69] : memref<10240x128xf32, #tpu.memory_space<vmem_shared>> -> memref<32x128xf32, #tpu.memory_space<vmem_shared>>
      %dma_start3A_71 = arith.constant 0 : i32
      %dma_start3A_72 = arith.constant 0 : i32
      %dma_start3A_73 = tpu.memref_slice %arg8[%dma_start3A_71, %dma_start3A_72] : memref<32x128xf32, #tpu.memory_space<vmem>> -> memref<32x128xf32, #tpu.memory_space<vmem>>
      tpu.enqueue_dma source(%dma_start3A_73 : memref<32x128xf32, #tpu.memory_space<vmem>>) target(%dma_start3A_70 : memref<32x128xf32, #tpu.memory_space<vmem_shared>>) target_semaphore(%run_scoped3A_63 : memref<!tpu.dma_semaphore, #tpu.memory_space<semaphore_mem>>)
      %dma_wait3A_74 = arith.constant 0 : i32
      %dma_wait3A_75 = arith.constant 0 : i32
      %dma_wait3A_76 = tpu.memref_slice %arg8[%dma_wait3A_74, %dma_wait3A_75] : memref<32x128xf32, #tpu.memory_space<vmem>> -> memref<32x128xf32, #tpu.memory_space<vmem>>
      %dma_wait3A_77 = arith.constant 0 : i32
      %dma_wait3A_78 = tpu.memref_slice %arg10[%add3A_20, %dma_wait3A_77] : memref<10240x128xf32, #tpu.memory_space<vmem_shared>> -> memref<32x128xf32, #tpu.memory_space<vmem_shared>>
      %dma_wait3A_79 = arith.constant 0 : i32
      %dma_wait3A_80 = tpu.memref_slice %arg10[%add3A_20, %dma_wait3A_79] : memref<10240x128xf32, #tpu.memory_space<vmem_shared>> -> memref<32x128xf32, #tpu.memory_space<vmem_shared>>
      %dma_wait3A_81 = arith.constant 0 : i32
      %dma_wait3A_82 = arith.constant 0 : i32
      %dma_wait3A_83 = tpu.memref_slice %arg8[%dma_wait3A_81, %dma_wait3A_82] : memref<32x128xf32, #tpu.memory_space<vmem>> -> memref<32x128xf32, #tpu.memory_space<vmem>>
      tpu.wait_dma2 semaphore(%run_scoped3A_63 : memref<!tpu.dma_semaphore, #tpu.memory_space<semaphore_mem>>) src(%dma_wait3A_83 : memref<32x128xf32, #tpu.memory_space<vmem>>) dst(%dma_wait3A_80 : memref<32x128xf32, #tpu.memory_space<vmem_shared>>)
      tpu.yield
    }) : () -> ()
    %add3A_21 = arith.constant 256 : i32
    %add3A_22 = arith.addi %mul3A_0, %add3A_21 : i32
    "tpu.region"() ({
      %run_scoped3A_63 = tpu.sem_alloc : memref<!tpu.dma_semaphore, #tpu.memory_space<semaphore_mem>>
      %dma_start3A_64 = arith.constant 0 : i32
      %dma_start3A_65 = arith.constant 0 : i32
      %dma_start3A_66 = tpu.memref_slice %arg8[%dma_start3A_64, %dma_start3A_65] : memref<32x128xf32, #tpu.memory_space<vmem>> -> memref<32x128xf32, #tpu.memory_space<vmem>>
      %dma_start3A_67 = arith.constant 0 : i32
      %dma_start3A_68 = tpu.memref_slice %arg10[%add3A_22, %dma_start3A_67] : memref<10240x128xf32, #tpu.memory_space<vmem_shared>> -> memref<32x128xf32, #tpu.memory_space<vmem_shared>>
      %dma_start3A_69 = arith.constant 0 : i32
      %dma_start3A_70 = tpu.memref_slice %arg10[%add3A_22, %dma_start3A_69] : memref<10240x128xf32, #tpu.memory_space<vmem_shared>> -> memref<32x128xf32, #tpu.memory_space<vmem_shared>>
      %dma_start3A_71 = arith.constant 0 : i32
      %dma_start3A_72 = arith.constant 0 : i32
      %dma_start3A_73 = tpu.memref_slice %arg8[%dma_start3A_71, %dma_start3A_72] : memref<32x128xf32, #tpu.memory_space<vmem>> -> memref<32x128xf32, #tpu.memory_space<vmem>>
      tpu.enqueue_dma source(%dma_start3A_73 : memref<32x128xf32, #tpu.memory_space<vmem>>) target(%dma_start3A_70 : memref<32x128xf32, #tpu.memory_space<vmem_shared>>) target_semaphore(%run_scoped3A_63 : memref<!tpu.dma_semaphore, #tpu.memory_space<semaphore_mem>>)
      %dma_wait3A_74 = arith.constant 0 : i32
      %dma_wait3A_75 = arith.constant 0 : i32
      %dma_wait3A_76 = tpu.memref_slice %arg8[%dma_wait3A_74, %dma_wait3A_75] : memref<32x128xf32, #tpu.memory_space<vmem>> -> memref<32x128xf32, #tpu.memory_space<vmem>>
      %dma_wait3A_77 = arith.constant 0 : i32
      %dma_wait3A_78 = tpu.memref_slice %arg10[%add3A_22, %dma_wait3A_77] : memref<10240x128xf32, #tpu.memory_space<vmem_shared>> -> memref<32x128xf32, #tpu.memory_space<vmem_shared>>
      %dma_wait3A_79 = arith.constant 0 : i32
      %dma_wait3A_80 = tpu.memref_slice %arg10[%add3A_22, %dma_wait3A_79] : memref<10240x128xf32, #tpu.memory_space<vmem_shared>> -> memref<32x128xf32, #tpu.memory_space<vmem_shared>>
      %dma_wait3A_81 = arith.constant 0 : i32
      %dma_wait3A_82 = arith.constant 0 : i32
      %dma_wait3A_83 = tpu.memref_slice %arg8[%dma_wait3A_81, %dma_wait3A_82] : memref<32x128xf32, #tpu.memory_space<vmem>> -> memref<32x128xf32, #tpu.memory_space<vmem>>
      tpu.wait_dma2 semaphore(%run_scoped3A_63 : memref<!tpu.dma_semaphore, #tpu.memory_space<semaphore_mem>>) src(%dma_wait3A_83 : memref<32x128xf32, #tpu.memory_space<vmem>>) dst(%dma_wait3A_80 : memref<32x128xf32, #tpu.memory_space<vmem_shared>>)
      tpu.yield
    }) : () -> ()
    %add3A_23 = arith.constant 288 : i32
    %add3A_24 = arith.addi %mul3A_0, %add3A_23 : i32
    "tpu.region"() ({
      %run_scoped3A_63 = tpu.sem_alloc : memref<!tpu.dma_semaphore, #tpu.memory_space<semaphore_mem>>
      %dma_start3A_64 = arith.constant 0 : i32
      %dma_start3A_65 = arith.constant 0 : i32
      %dma_start3A_66 = tpu.memref_slice %arg8[%dma_start3A_64, %dma_start3A_65] : memref<32x128xf32, #tpu.memory_space<vmem>> -> memref<32x128xf32, #tpu.memory_space<vmem>>
      %dma_start3A_67 = arith.constant 0 : i32
      %dma_start3A_68 = tpu.memref_slice %arg10[%add3A_24, %dma_start3A_67] : memref<10240x128xf32, #tpu.memory_space<vmem_shared>> -> memref<32x128xf32, #tpu.memory_space<vmem_shared>>
      %dma_start3A_69 = arith.constant 0 : i32
      %dma_start3A_70 = tpu.memref_slice %arg10[%add3A_24, %dma_start3A_69] : memref<10240x128xf32, #tpu.memory_space<vmem_shared>> -> memref<32x128xf32, #tpu.memory_space<vmem_shared>>
      %dma_start3A_71 = arith.constant 0 : i32
      %dma_start3A_72 = arith.constant 0 : i32
      %dma_start3A_73 = tpu.memref_slice %arg8[%dma_start3A_71, %dma_start3A_72] : memref<32x128xf32, #tpu.memory_space<vmem>> -> memref<32x128xf32, #tpu.memory_space<vmem>>
      tpu.enqueue_dma source(%dma_start3A_73 : memref<32x128xf32, #tpu.memory_space<vmem>>) target(%dma_start3A_70 : memref<32x128xf32, #tpu.memory_space<vmem_shared>>) target_semaphore(%run_scoped3A_63 : memref<!tpu.dma_semaphore, #tpu.memory_space<semaphore_mem>>)
      %dma_wait3A_74 = arith.constant 0 : i32
      %dma_wait3A_75 = arith.constant 0 : i32
      %dma_wait3A_76 = tpu.memref_slice %arg8[%dma_wait3A_74, %dma_wait3A_75] : memref<32x128xf32, #tpu.memory_space<vmem>> -> memref<32x128xf32, #tpu.memory_space<vmem>>
      %dma_wait3A_77 = arith.constant 0 : i32
      %dma_wait3A_78 = tpu.memref_slice %arg10[%add3A_24, %dma_wait3A_77] : memref<10240x128xf32, #tpu.memory_space<vmem_shared>> -> memref<32x128xf32, #tpu.memory_space<vmem_shared>>
      %dma_wait3A_79 = arith.constant 0 : i32
      %dma_wait3A_80 = tpu.memref_slice %arg10[%add3A_24, %dma_wait3A_79] : memref<10240x128xf32, #tpu.memory_space<vmem_shared>> -> memref<32x128xf32, #tpu.memory_space<vmem_shared>>
      %dma_wait3A_81 = arith.constant 0 : i32
      %dma_wait3A_82 = arith.constant 0 : i32
      %dma_wait3A_83 = tpu.memref_slice %arg8[%dma_wait3A_81, %dma_wait3A_82] : memref<32x128xf32, #tpu.memory_space<vmem>> -> memref<32x128xf32, #tpu.memory_space<vmem>>
      tpu.wait_dma2 semaphore(%run_scoped3A_63 : memref<!tpu.dma_semaphore, #tpu.memory_space<semaphore_mem>>) src(%dma_wait3A_83 : memref<32x128xf32, #tpu.memory_space<vmem>>) dst(%dma_wait3A_80 : memref<32x128xf32, #tpu.memory_space<vmem_shared>>)
      tpu.yield
    }) : () -> ()
    %add3A_25 = arith.constant 320 : i32
    %add3A_26 = arith.addi %mul3A_0, %add3A_25 : i32
    "tpu.region"() ({
      %run_scoped3A_63 = tpu.sem_alloc : memref<!tpu.dma_semaphore, #tpu.memory_space<semaphore_mem>>
      %dma_start3A_64 = arith.constant 0 : i32
      %dma_start3A_65 = arith.constant 0 : i32
      %dma_start3A_66 = tpu.memref_slice %arg8[%dma_start3A_64, %dma_start3A_65] : memref<32x128xf32, #tpu.memory_space<vmem>> -> memref<32x128xf32, #tpu.memory_space<vmem>>
      %dma_start3A_67 = arith.constant 0 : i32
      %dma_start3A_68 = tpu.memref_slice %arg10[%add3A_26, %dma_start3A_67] : memref<10240x128xf32, #tpu.memory_space<vmem_shared>> -> memref<32x128xf32, #tpu.memory_space<vmem_shared>>
      %dma_start3A_69 = arith.constant 0 : i32
      %dma_start3A_70 = tpu.memref_slice %arg10[%add3A_26, %dma_start3A_69] : memref<10240x128xf32, #tpu.memory_space<vmem_shared>> -> memref<32x128xf32, #tpu.memory_space<vmem_shared>>
      %dma_start3A_71 = arith.constant 0 : i32
      %dma_start3A_72 = arith.constant 0 : i32
      %dma_start3A_73 = tpu.memref_slice %arg8[%dma_start3A_71, %dma_start3A_72] : memref<32x128xf32, #tpu.memory_space<vmem>> -> memref<32x128xf32, #tpu.memory_space<vmem>>
      tpu.enqueue_dma source(%dma_start3A_73 : memref<32x128xf32, #tpu.memory_space<vmem>>) target(%dma_start3A_70 : memref<32x128xf32, #tpu.memory_space<vmem_shared>>) target_semaphore(%run_scoped3A_63 : memref<!tpu.dma_semaphore, #tpu.memory_space<semaphore_mem>>)
      %dma_wait3A_74 = arith.constant 0 : i32
      %dma_wait3A_75 = arith.constant 0 : i32
      %dma_wait3A_76 = tpu.memref_slice %arg8[%dma_wait3A_74, %dma_wait3A_75] : memref<32x128xf32, #tpu.memory_space<vmem>> -> memref<32x128xf32, #tpu.memory_space<vmem>>
      %dma_wait3A_77 = arith.constant 0 : i32
      %dma_wait3A_78 = tpu.memref_slice %arg10[%add3A_26, %dma_wait3A_77] : memref<10240x128xf32, #tpu.memory_space<vmem_shared>> -> memref<32x128xf32, #tpu.memory_space<vmem_shared>>
      %dma_wait3A_79 = arith.constant 0 : i32
      %dma_wait3A_80 = tpu.memref_slice %arg10[%add3A_26, %dma_wait3A_79] : memref<10240x128xf32, #tpu.memory_space<vmem_shared>> -> memref<32x128xf32, #tpu.memory_space<vmem_shared>>
      %dma_wait3A_81 = arith.constant 0 : i32
      %dma_wait3A_82 = arith.constant 0 : i32
      %dma_wait3A_83 = tpu.memref_slice %arg8[%dma_wait3A_81, %dma_wait3A_82] : memref<32x128xf32, #tpu.memory_space<vmem>> -> memref<32x128xf32, #tpu.memory_space<vmem>>
      tpu.wait_dma2 semaphore(%run_scoped3A_63 : memref<!tpu.dma_semaphore, #tpu.memory_space<semaphore_mem>>) src(%dma_wait3A_83 : memref<32x128xf32, #tpu.memory_space<vmem>>) dst(%dma_wait3A_80 : memref<32x128xf32, #tpu.memory_space<vmem_shared>>)
      tpu.yield
    }) : () -> ()
    %add3A_27 = arith.constant 352 : i32
    %add3A_28 = arith.addi %mul3A_0, %add3A_27 : i32
    "tpu.region"() ({
      %run_scoped3A_63 = tpu.sem_alloc : memref<!tpu.dma_semaphore, #tpu.memory_space<semaphore_mem>>
      %dma_start3A_64 = arith.constant 0 : i32
      %dma_start3A_65 = arith.constant 0 : i32
      %dma_start3A_66 = tpu.memref_slice %arg8[%dma_start3A_64, %dma_start3A_65] : memref<32x128xf32, #tpu.memory_space<vmem>> -> memref<32x128xf32, #tpu.memory_space<vmem>>
      %dma_start3A_67 = arith.constant 0 : i32
      %dma_start3A_68 = tpu.memref_slice %arg10[%add3A_28, %dma_start3A_67] : memref<10240x128xf32, #tpu.memory_space<vmem_shared>> -> memref<32x128xf32, #tpu.memory_space<vmem_shared>>
      %dma_start3A_69 = arith.constant 0 : i32
      %dma_start3A_70 = tpu.memref_slice %arg10[%add3A_28, %dma_start3A_69] : memref<10240x128xf32, #tpu.memory_space<vmem_shared>> -> memref<32x128xf32, #tpu.memory_space<vmem_shared>>
      %dma_start3A_71 = arith.constant 0 : i32
      %dma_start3A_72 = arith.constant 0 : i32
      %dma_start3A_73 = tpu.memref_slice %arg8[%dma_start3A_71, %dma_start3A_72] : memref<32x128xf32, #tpu.memory_space<vmem>> -> memref<32x128xf32, #tpu.memory_space<vmem>>
      tpu.enqueue_dma source(%dma_start3A_73 : memref<32x128xf32, #tpu.memory_space<vmem>>) target(%dma_start3A_70 : memref<32x128xf32, #tpu.memory_space<vmem_shared>>) target_semaphore(%run_scoped3A_63 : memref<!tpu.dma_semaphore, #tpu.memory_space<semaphore_mem>>)
      %dma_wait3A_74 = arith.constant 0 : i32
      %dma_wait3A_75 = arith.constant 0 : i32
      %dma_wait3A_76 = tpu.memref_slice %arg8[%dma_wait3A_74, %dma_wait3A_75] : memref<32x128xf32, #tpu.memory_space<vmem>> -> memref<32x128xf32, #tpu.memory_space<vmem>>
      %dma_wait3A_77 = arith.constant 0 : i32
      %dma_wait3A_78 = tpu.memref_slice %arg10[%add3A_28, %dma_wait3A_77] : memref<10240x128xf32, #tpu.memory_space<vmem_shared>> -> memref<32x128xf32, #tpu.memory_space<vmem_shared>>
      %dma_wait3A_79 = arith.constant 0 : i32
      %dma_wait3A_80 = tpu.memref_slice %arg10[%add3A_28, %dma_wait3A_79] : memref<10240x128xf32, #tpu.memory_space<vmem_shared>> -> memref<32x128xf32, #tpu.memory_space<vmem_shared>>
      %dma_wait3A_81 = arith.constant 0 : i32
      %dma_wait3A_82 = arith.constant 0 : i32
      %dma_wait3A_83 = tpu.memref_slice %arg8[%dma_wait3A_81, %dma_wait3A_82] : memref<32x128xf32, #tpu.memory_space<vmem>> -> memref<32x128xf32, #tpu.memory_space<vmem>>
      tpu.wait_dma2 semaphore(%run_scoped3A_63 : memref<!tpu.dma_semaphore, #tpu.memory_space<semaphore_mem>>) src(%dma_wait3A_83 : memref<32x128xf32, #tpu.memory_space<vmem>>) dst(%dma_wait3A_80 : memref<32x128xf32, #tpu.memory_space<vmem_shared>>)
      tpu.yield
    }) : () -> ()
    %add3A_29 = arith.constant 384 : i32
    %add3A_30 = arith.addi %mul3A_0, %add3A_29 : i32
    "tpu.region"() ({
      %run_scoped3A_63 = tpu.sem_alloc : memref<!tpu.dma_semaphore, #tpu.memory_space<semaphore_mem>>
      %dma_start3A_64 = arith.constant 0 : i32
      %dma_start3A_65 = arith.constant 0 : i32
      %dma_start3A_66 = tpu.memref_slice %arg8[%dma_start3A_64, %dma_start3A_65] : memref<32x128xf32, #tpu.memory_space<vmem>> -> memref<32x128xf32, #tpu.memory_space<vmem>>
      %dma_start3A_67 = arith.constant 0 : i32
      %dma_start3A_68 = tpu.memref_slice %arg10[%add3A_30, %dma_start3A_67] : memref<10240x128xf32, #tpu.memory_space<vmem_shared>> -> memref<32x128xf32, #tpu.memory_space<vmem_shared>>
      %dma_start3A_69 = arith.constant 0 : i32
      %dma_start3A_70 = tpu.memref_slice %arg10[%add3A_30, %dma_start3A_69] : memref<10240x128xf32, #tpu.memory_space<vmem_shared>> -> memref<32x128xf32, #tpu.memory_space<vmem_shared>>
      %dma_start3A_71 = arith.constant 0 : i32
      %dma_start3A_72 = arith.constant 0 : i32
      %dma_start3A_73 = tpu.memref_slice %arg8[%dma_start3A_71, %dma_start3A_72] : memref<32x128xf32, #tpu.memory_space<vmem>> -> memref<32x128xf32, #tpu.memory_space<vmem>>
      tpu.enqueue_dma source(%dma_start3A_73 : memref<32x128xf32, #tpu.memory_space<vmem>>) target(%dma_start3A_70 : memref<32x128xf32, #tpu.memory_space<vmem_shared>>) target_semaphore(%run_scoped3A_63 : memref<!tpu.dma_semaphore, #tpu.memory_space<semaphore_mem>>)
      %dma_wait3A_74 = arith.constant 0 : i32
      %dma_wait3A_75 = arith.constant 0 : i32
      %dma_wait3A_76 = tpu.memref_slice %arg8[%dma_wait3A_74, %dma_wait3A_75] : memref<32x128xf32, #tpu.memory_space<vmem>> -> memref<32x128xf32, #tpu.memory_space<vmem>>
      %dma_wait3A_77 = arith.constant 0 : i32
      %dma_wait3A_78 = tpu.memref_slice %arg10[%add3A_30, %dma_wait3A_77] : memref<10240x128xf32, #tpu.memory_space<vmem_shared>> -> memref<32x128xf32, #tpu.memory_space<vmem_shared>>
      %dma_wait3A_79 = arith.constant 0 : i32
      %dma_wait3A_80 = tpu.memref_slice %arg10[%add3A_30, %dma_wait3A_79] : memref<10240x128xf32, #tpu.memory_space<vmem_shared>> -> memref<32x128xf32, #tpu.memory_space<vmem_shared>>
      %dma_wait3A_81 = arith.constant 0 : i32
      %dma_wait3A_82 = arith.constant 0 : i32
      %dma_wait3A_83 = tpu.memref_slice %arg8[%dma_wait3A_81, %dma_wait3A_82] : memref<32x128xf32, #tpu.memory_space<vmem>> -> memref<32x128xf32, #tpu.memory_space<vmem>>
      tpu.wait_dma2 semaphore(%run_scoped3A_63 : memref<!tpu.dma_semaphore, #tpu.memory_space<semaphore_mem>>) src(%dma_wait3A_83 : memref<32x128xf32, #tpu.memory_space<vmem>>) dst(%dma_wait3A_80 : memref<32x128xf32, #tpu.memory_space<vmem_shared>>)
      tpu.yield
    }) : () -> ()
    %add3A_31 = arith.constant 416 : i32
    %add3A_32 = arith.addi %mul3A_0, %add3A_31 : i32
    "tpu.region"() ({
      %run_scoped3A_63 = tpu.sem_alloc : memref<!tpu.dma_semaphore, #tpu.memory_space<semaphore_mem>>
      %dma_start3A_64 = arith.constant 0 : i32
      %dma_start3A_65 = arith.constant 0 : i32
      %dma_start3A_66 = tpu.memref_slice %arg8[%dma_start3A_64, %dma_start3A_65] : memref<32x128xf32, #tpu.memory_space<vmem>> -> memref<32x128xf32, #tpu.memory_space<vmem>>
      %dma_start3A_67 = arith.constant 0 : i32
      %dma_start3A_68 = tpu.memref_slice %arg10[%add3A_32, %dma_start3A_67] : memref<10240x128xf32, #tpu.memory_space<vmem_shared>> -> memref<32x128xf32, #tpu.memory_space<vmem_shared>>
      %dma_start3A_69 = arith.constant 0 : i32
      %dma_start3A_70 = tpu.memref_slice %arg10[%add3A_32, %dma_start3A_69] : memref<10240x128xf32, #tpu.memory_space<vmem_shared>> -> memref<32x128xf32, #tpu.memory_space<vmem_shared>>
      %dma_start3A_71 = arith.constant 0 : i32
      %dma_start3A_72 = arith.constant 0 : i32
      %dma_start3A_73 = tpu.memref_slice %arg8[%dma_start3A_71, %dma_start3A_72] : memref<32x128xf32, #tpu.memory_space<vmem>> -> memref<32x128xf32, #tpu.memory_space<vmem>>
      tpu.enqueue_dma source(%dma_start3A_73 : memref<32x128xf32, #tpu.memory_space<vmem>>) target(%dma_start3A_70 : memref<32x128xf32, #tpu.memory_space<vmem_shared>>) target_semaphore(%run_scoped3A_63 : memref<!tpu.dma_semaphore, #tpu.memory_space<semaphore_mem>>)
      %dma_wait3A_74 = arith.constant 0 : i32
      %dma_wait3A_75 = arith.constant 0 : i32
      %dma_wait3A_76 = tpu.memref_slice %arg8[%dma_wait3A_74, %dma_wait3A_75] : memref<32x128xf32, #tpu.memory_space<vmem>> -> memref<32x128xf32, #tpu.memory_space<vmem>>
      %dma_wait3A_77 = arith.constant 0 : i32
      %dma_wait3A_78 = tpu.memref_slice %arg10[%add3A_32, %dma_wait3A_77] : memref<10240x128xf32, #tpu.memory_space<vmem_shared>> -> memref<32x128xf32, #tpu.memory_space<vmem_shared>>
      %dma_wait3A_79 = arith.constant 0 : i32
      %dma_wait3A_80 = tpu.memref_slice %arg10[%add3A_32, %dma_wait3A_79] : memref<10240x128xf32, #tpu.memory_space<vmem_shared>> -> memref<32x128xf32, #tpu.memory_space<vmem_shared>>
      %dma_wait3A_81 = arith.constant 0 : i32
      %dma_wait3A_82 = arith.constant 0 : i32
      %dma_wait3A_83 = tpu.memref_slice %arg8[%dma_wait3A_81, %dma_wait3A_82] : memref<32x128xf32, #tpu.memory_space<vmem>> -> memref<32x128xf32, #tpu.memory_space<vmem>>
      tpu.wait_dma2 semaphore(%run_scoped3A_63 : memref<!tpu.dma_semaphore, #tpu.memory_space<semaphore_mem>>) src(%dma_wait3A_83 : memref<32x128xf32, #tpu.memory_space<vmem>>) dst(%dma_wait3A_80 : memref<32x128xf32, #tpu.memory_space<vmem_shared>>)
      tpu.yield
    }) : () -> ()
    %add3A_33 = arith.constant 448 : i32
    %add3A_34 = arith.addi %mul3A_0, %add3A_33 : i32
    "tpu.region"() ({
      %run_scoped3A_63 = tpu.sem_alloc : memref<!tpu.dma_semaphore, #tpu.memory_space<semaphore_mem>>
      %dma_start3A_64 = arith.constant 0 : i32
      %dma_start3A_65 = arith.constant 0 : i32
      %dma_start3A_66 = tpu.memref_slice %arg8[%dma_start3A_64, %dma_start3A_65] : memref<32x128xf32, #tpu.memory_space<vmem>> -> memref<32x128xf32, #tpu.memory_space<vmem>>
      %dma_start3A_67 = arith.constant 0 : i32
      %dma_start3A_68 = tpu.memref_slice %arg10[%add3A_34, %dma_start3A_67] : memref<10240x128xf32, #tpu.memory_space<vmem_shared>> -> memref<32x128xf32, #tpu.memory_space<vmem_shared>>
      %dma_start3A_69 = arith.constant 0 : i32
      %dma_start3A_70 = tpu.memref_slice %arg10[%add3A_34, %dma_start3A_69] : memref<10240x128xf32, #tpu.memory_space<vmem_shared>> -> memref<32x128xf32, #tpu.memory_space<vmem_shared>>
      %dma_start3A_71 = arith.constant 0 : i32
      %dma_start3A_72 = arith.constant 0 : i32
      %dma_start3A_73 = tpu.memref_slice %arg8[%dma_start3A_71, %dma_start3A_72] : memref<32x128xf32, #tpu.memory_space<vmem>> -> memref<32x128xf32, #tpu.memory_space<vmem>>
      tpu.enqueue_dma source(%dma_start3A_73 : memref<32x128xf32, #tpu.memory_space<vmem>>) target(%dma_start3A_70 : memref<32x128xf32, #tpu.memory_space<vmem_shared>>) target_semaphore(%run_scoped3A_63 : memref<!tpu.dma_semaphore, #tpu.memory_space<semaphore_mem>>)
      %dma_wait3A_74 = arith.constant 0 : i32
      %dma_wait3A_75 = arith.constant 0 : i32
      %dma_wait3A_76 = tpu.memref_slice %arg8[%dma_wait3A_74, %dma_wait3A_75] : memref<32x128xf32, #tpu.memory_space<vmem>> -> memref<32x128xf32, #tpu.memory_space<vmem>>
      %dma_wait3A_77 = arith.constant 0 : i32
      %dma_wait3A_78 = tpu.memref_slice %arg10[%add3A_34, %dma_wait3A_77] : memref<10240x128xf32, #tpu.memory_space<vmem_shared>> -> memref<32x128xf32, #tpu.memory_space<vmem_shared>>
      %dma_wait3A_79 = arith.constant 0 : i32
      %dma_wait3A_80 = tpu.memref_slice %arg10[%add3A_34, %dma_wait3A_79] : memref<10240x128xf32, #tpu.memory_space<vmem_shared>> -> memref<32x128xf32, #tpu.memory_space<vmem_shared>>
      %dma_wait3A_81 = arith.constant 0 : i32
      %dma_wait3A_82 = arith.constant 0 : i32
      %dma_wait3A_83 = tpu.memref_slice %arg8[%dma_wait3A_81, %dma_wait3A_82] : memref<32x128xf32, #tpu.memory_space<vmem>> -> memref<32x128xf32, #tpu.memory_space<vmem>>
      tpu.wait_dma2 semaphore(%run_scoped3A_63 : memref<!tpu.dma_semaphore, #tpu.memory_space<semaphore_mem>>) src(%dma_wait3A_83 : memref<32x128xf32, #tpu.memory_space<vmem>>) dst(%dma_wait3A_80 : memref<32x128xf32, #tpu.memory_space<vmem_shared>>)
      tpu.yield
    }) : () -> ()
    %add3A_35 = arith.constant 480 : i32
    %add3A_36 = arith.addi %mul3A_0, %add3A_35 : i32
    "tpu.region"() ({
      %run_scoped3A_63 = tpu.sem_alloc : memref<!tpu.dma_semaphore, #tpu.memory_space<semaphore_mem>>
      %dma_start3A_64 = arith.constant 0 : i32
      %dma_start3A_65 = arith.constant 0 : i32
      %dma_start3A_66 = tpu.memref_slice %arg8[%dma_start3A_64, %dma_start3A_65] : memref<32x128xf32, #tpu.memory_space<vmem>> -> memref<32x128xf32, #tpu.memory_space<vmem>>
      %dma_start3A_67 = arith.constant 0 : i32
      %dma_start3A_68 = tpu.memref_slice %arg10[%add3A_36, %dma_start3A_67] : memref<10240x128xf32, #tpu.memory_space<vmem_shared>> -> memref<32x128xf32, #tpu.memory_space<vmem_shared>>
      %dma_start3A_69 = arith.constant 0 : i32
      %dma_start3A_70 = tpu.memref_slice %arg10[%add3A_36, %dma_start3A_69] : memref<10240x128xf32, #tpu.memory_space<vmem_shared>> -> memref<32x128xf32, #tpu.memory_space<vmem_shared>>
      %dma_start3A_71 = arith.constant 0 : i32
      %dma_start3A_72 = arith.constant 0 : i32
      %dma_start3A_73 = tpu.memref_slice %arg8[%dma_start3A_71, %dma_start3A_72] : memref<32x128xf32, #tpu.memory_space<vmem>> -> memref<32x128xf32, #tpu.memory_space<vmem>>
      tpu.enqueue_dma source(%dma_start3A_73 : memref<32x128xf32, #tpu.memory_space<vmem>>) target(%dma_start3A_70 : memref<32x128xf32, #tpu.memory_space<vmem_shared>>) target_semaphore(%run_scoped3A_63 : memref<!tpu.dma_semaphore, #tpu.memory_space<semaphore_mem>>)
      %dma_wait3A_74 = arith.constant 0 : i32
      %dma_wait3A_75 = arith.constant 0 : i32
      %dma_wait3A_76 = tpu.memref_slice %arg8[%dma_wait3A_74, %dma_wait3A_75] : memref<32x128xf32, #tpu.memory_space<vmem>> -> memref<32x128xf32, #tpu.memory_space<vmem>>
      %dma_wait3A_77 = arith.constant 0 : i32
      %dma_wait3A_78 = tpu.memref_slice %arg10[%add3A_36, %dma_wait3A_77] : memref<10240x128xf32, #tpu.memory_space<vmem_shared>> -> memref<32x128xf32, #tpu.memory_space<vmem_shared>>
      %dma_wait3A_79 = arith.constant 0 : i32
      %dma_wait3A_80 = tpu.memref_slice %arg10[%add3A_36, %dma_wait3A_79] : memref<10240x128xf32, #tpu.memory_space<vmem_shared>> -> memref<32x128xf32, #tpu.memory_space<vmem_shared>>
      %dma_wait3A_81 = arith.constant 0 : i32
      %dma_wait3A_82 = arith.constant 0 : i32
      %dma_wait3A_83 = tpu.memref_slice %arg8[%dma_wait3A_81, %dma_wait3A_82] : memref<32x128xf32, #tpu.memory_space<vmem>> -> memref<32x128xf32, #tpu.memory_space<vmem>>
      tpu.wait_dma2 semaphore(%run_scoped3A_63 : memref<!tpu.dma_semaphore, #tpu.memory_space<semaphore_mem>>) src(%dma_wait3A_83 : memref<32x128xf32, #tpu.memory_space<vmem>>) dst(%dma_wait3A_80 : memref<32x128xf32, #tpu.memory_space<vmem_shared>>)
      tpu.yield
    }) : () -> ()
    %add3A_37 = arith.constant 512 : i32
    %add3A_38 = arith.addi %mul3A_0, %add3A_37 : i32
    "tpu.region"() ({
      %run_scoped3A_63 = tpu.sem_alloc : memref<!tpu.dma_semaphore, #tpu.memory_space<semaphore_mem>>
      %dma_start3A_64 = arith.constant 0 : i32
      %dma_start3A_65 = arith.constant 0 : i32
      %dma_start3A_66 = tpu.memref_slice %arg8[%dma_start3A_64, %dma_start3A_65] : memref<32x128xf32, #tpu.memory_space<vmem>> -> memref<32x128xf32, #tpu.memory_space<vmem>>
      %dma_start3A_67 = arith.constant 0 : i32
      %dma_start3A_68 = tpu.memref_slice %arg10[%add3A_38, %dma_start3A_67] : memref<10240x128xf32, #tpu.memory_space<vmem_shared>> -> memref<32x128xf32, #tpu.memory_space<vmem_shared>>
      %dma_start3A_69 = arith.constant 0 : i32
      %dma_start3A_70 = tpu.memref_slice %arg10[%add3A_38, %dma_start3A_69] : memref<10240x128xf32, #tpu.memory_space<vmem_shared>> -> memref<32x128xf32, #tpu.memory_space<vmem_shared>>
      %dma_start3A_71 = arith.constant 0 : i32
      %dma_start3A_72 = arith.constant 0 : i32
      %dma_start3A_73 = tpu.memref_slice %arg8[%dma_start3A_71, %dma_start3A_72] : memref<32x128xf32, #tpu.memory_space<vmem>> -> memref<32x128xf32, #tpu.memory_space<vmem>>
      tpu.enqueue_dma source(%dma_start3A_73 : memref<32x128xf32, #tpu.memory_space<vmem>>) target(%dma_start3A_70 : memref<32x128xf32, #tpu.memory_space<vmem_shared>>) target_semaphore(%run_scoped3A_63 : memref<!tpu.dma_semaphore, #tpu.memory_space<semaphore_mem>>)
      %dma_wait3A_74 = arith.constant 0 : i32
      %dma_wait3A_75 = arith.constant 0 : i32
      %dma_wait3A_76 = tpu.memref_slice %arg8[%dma_wait3A_74, %dma_wait3A_75] : memref<32x128xf32, #tpu.memory_space<vmem>> -> memref<32x128xf32, #tpu.memory_space<vmem>>
      %dma_wait3A_77 = arith.constant 0 : i32
      %dma_wait3A_78 = tpu.memref_slice %arg10[%add3A_38, %dma_wait3A_77] : memref<10240x128xf32, #tpu.memory_space<vmem_shared>> -> memref<32x128xf32, #tpu.memory_space<vmem_shared>>
      %dma_wait3A_79 = arith.constant 0 : i32
      %dma_wait3A_80 = tpu.memref_slice %arg10[%add3A_38, %dma_wait3A_79] : memref<10240x128xf32, #tpu.memory_space<vmem_shared>> -> memref<32x128xf32, #tpu.memory_space<vmem_shared>>
      %dma_wait3A_81 = arith.constant 0 : i32
      %dma_wait3A_82 = arith.constant 0 : i32
      %dma_wait3A_83 = tpu.memref_slice %arg8[%dma_wait3A_81, %dma_wait3A_82] : memref<32x128xf32, #tpu.memory_space<vmem>> -> memref<32x128xf32, #tpu.memory_space<vmem>>
      tpu.wait_dma2 semaphore(%run_scoped3A_63 : memref<!tpu.dma_semaphore, #tpu.memory_space<semaphore_mem>>) src(%dma_wait3A_83 : memref<32x128xf32, #tpu.memory_space<vmem>>) dst(%dma_wait3A_80 : memref<32x128xf32, #tpu.memory_space<vmem_shared>>)
      tpu.yield
    }) : () -> ()
    %add3A_39 = arith.constant 544 : i32
    %add3A_40 = arith.addi %mul3A_0, %add3A_39 : i32
    "tpu.region"() ({
      %run_scoped3A_63 = tpu.sem_alloc : memref<!tpu.dma_semaphore, #tpu.memory_space<semaphore_mem>>
      %dma_start3A_64 = arith.constant 0 : i32
      %dma_start3A_65 = arith.constant 0 : i32
      %dma_start3A_66 = tpu.memref_slice %arg8[%dma_start3A_64, %dma_start3A_65] : memref<32x128xf32, #tpu.memory_space<vmem>> -> memref<32x128xf32, #tpu.memory_space<vmem>>
      %dma_start3A_67 = arith.constant 0 : i32
      %dma_start3A_68 = tpu.memref_slice %arg10[%add3A_40, %dma_start3A_67] : memref<10240x128xf32, #tpu.memory_space<vmem_shared>> -> memref<32x128xf32, #tpu.memory_space<vmem_shared>>
      %dma_start3A_69 = arith.constant 0 : i32
      %dma_start3A_70 = tpu.memref_slice %arg10[%add3A_40, %dma_start3A_69] : memref<10240x128xf32, #tpu.memory_space<vmem_shared>> -> memref<32x128xf32, #tpu.memory_space<vmem_shared>>
      %dma_start3A_71 = arith.constant 0 : i32
      %dma_start3A_72 = arith.constant 0 : i32
      %dma_start3A_73 = tpu.memref_slice %arg8[%dma_start3A_71, %dma_start3A_72] : memref<32x128xf32, #tpu.memory_space<vmem>> -> memref<32x128xf32, #tpu.memory_space<vmem>>
      tpu.enqueue_dma source(%dma_start3A_73 : memref<32x128xf32, #tpu.memory_space<vmem>>) target(%dma_start3A_70 : memref<32x128xf32, #tpu.memory_space<vmem_shared>>) target_semaphore(%run_scoped3A_63 : memref<!tpu.dma_semaphore, #tpu.memory_space<semaphore_mem>>)
      %dma_wait3A_74 = arith.constant 0 : i32
      %dma_wait3A_75 = arith.constant 0 : i32
      %dma_wait3A_76 = tpu.memref_slice %arg8[%dma_wait3A_74, %dma_wait3A_75] : memref<32x128xf32, #tpu.memory_space<vmem>> -> memref<32x128xf32, #tpu.memory_space<vmem>>
      %dma_wait3A_77 = arith.constant 0 : i32
      %dma_wait3A_78 = tpu.memref_slice %arg10[%add3A_40, %dma_wait3A_77] : memref<10240x128xf32, #tpu.memory_space<vmem_shared>> -> memref<32x128xf32, #tpu.memory_space<vmem_shared>>
      %dma_wait3A_79 = arith.constant 0 : i32
      %dma_wait3A_80 = tpu.memref_slice %arg10[%add3A_40, %dma_wait3A_79] : memref<10240x128xf32, #tpu.memory_space<vmem_shared>> -> memref<32x128xf32, #tpu.memory_space<vmem_shared>>
      %dma_wait3A_81 = arith.constant 0 : i32
      %dma_wait3A_82 = arith.constant 0 : i32
      %dma_wait3A_83 = tpu.memref_slice %arg8[%dma_wait3A_81, %dma_wait3A_82] : memref<32x128xf32, #tpu.memory_space<vmem>> -> memref<32x128xf32, #tpu.memory_space<vmem>>
      tpu.wait_dma2 semaphore(%run_scoped3A_63 : memref<!tpu.dma_semaphore, #tpu.memory_space<semaphore_mem>>) src(%dma_wait3A_83 : memref<32x128xf32, #tpu.memory_space<vmem>>) dst(%dma_wait3A_80 : memref<32x128xf32, #tpu.memory_space<vmem_shared>>)
      tpu.yield
    }) : () -> ()
    %add3A_41 = arith.constant 576 : i32
    %add3A_42 = arith.addi %mul3A_0, %add3A_41 : i32
    "tpu.region"() ({
      %run_scoped3A_63 = tpu.sem_alloc : memref<!tpu.dma_semaphore, #tpu.memory_space<semaphore_mem>>
      %dma_start3A_64 = arith.constant 0 : i32
      %dma_start3A_65 = arith.constant 0 : i32
      %dma_start3A_66 = tpu.memref_slice %arg8[%dma_start3A_64, %dma_start3A_65] : memref<32x128xf32, #tpu.memory_space<vmem>> -> memref<32x128xf32, #tpu.memory_space<vmem>>
      %dma_start3A_67 = arith.constant 0 : i32
      %dma_start3A_68 = tpu.memref_slice %arg10[%add3A_42, %dma_start3A_67] : memref<10240x128xf32, #tpu.memory_space<vmem_shared>> -> memref<32x128xf32, #tpu.memory_space<vmem_shared>>
      %dma_start3A_69 = arith.constant 0 : i32
      %dma_start3A_70 = tpu.memref_slice %arg10[%add3A_42, %dma_start3A_69] : memref<10240x128xf32, #tpu.memory_space<vmem_shared>> -> memref<32x128xf32, #tpu.memory_space<vmem_shared>>
      %dma_start3A_71 = arith.constant 0 : i32
      %dma_start3A_72 = arith.constant 0 : i32
      %dma_start3A_73 = tpu.memref_slice %arg8[%dma_start3A_71, %dma_start3A_72] : memref<32x128xf32, #tpu.memory_space<vmem>> -> memref<32x128xf32, #tpu.memory_space<vmem>>
      tpu.enqueue_dma source(%dma_start3A_73 : memref<32x128xf32, #tpu.memory_space<vmem>>) target(%dma_start3A_70 : memref<32x128xf32, #tpu.memory_space<vmem_shared>>) target_semaphore(%run_scoped3A_63 : memref<!tpu.dma_semaphore, #tpu.memory_space<semaphore_mem>>)
      %dma_wait3A_74 = arith.constant 0 : i32
      %dma_wait3A_75 = arith.constant 0 : i32
      %dma_wait3A_76 = tpu.memref_slice %arg8[%dma_wait3A_74, %dma_wait3A_75] : memref<32x128xf32, #tpu.memory_space<vmem>> -> memref<32x128xf32, #tpu.memory_space<vmem>>
      %dma_wait3A_77 = arith.constant 0 : i32
      %dma_wait3A_78 = tpu.memref_slice %arg10[%add3A_42, %dma_wait3A_77] : memref<10240x128xf32, #tpu.memory_space<vmem_shared>> -> memref<32x128xf32, #tpu.memory_space<vmem_shared>>
      %dma_wait3A_79 = arith.constant 0 : i32
      %dma_wait3A_80 = tpu.memref_slice %arg10[%add3A_42, %dma_wait3A_79] : memref<10240x128xf32, #tpu.memory_space<vmem_shared>> -> memref<32x128xf32, #tpu.memory_space<vmem_shared>>
      %dma_wait3A_81 = arith.constant 0 : i32
      %dma_wait3A_82 = arith.constant 0 : i32
      %dma_wait3A_83 = tpu.memref_slice %arg8[%dma_wait3A_81, %dma_wait3A_82] : memref<32x128xf32, #tpu.memory_space<vmem>> -> memref<32x128xf32, #tpu.memory_space<vmem>>
      tpu.wait_dma2 semaphore(%run_scoped3A_63 : memref<!tpu.dma_semaphore, #tpu.memory_space<semaphore_mem>>) src(%dma_wait3A_83 : memref<32x128xf32, #tpu.memory_space<vmem>>) dst(%dma_wait3A_80 : memref<32x128xf32, #tpu.memory_space<vmem_shared>>)
      tpu.yield
    }) : () -> ()
    %add3A_43 = arith.constant 608 : i32
    %add3A_44 = arith.addi %mul3A_0, %add3A_43 : i32
    "tpu.region"() ({
      %run_scoped3A_63 = tpu.sem_alloc : memref<!tpu.dma_semaphore, #tpu.memory_space<semaphore_mem>>
      %dma_start3A_64 = arith.constant 0 : i32
      %dma_start3A_65 = arith.constant 0 : i32
      %dma_start3A_66 = tpu.memref_slice %arg8[%dma_start3A_64, %dma_start3A_65] : memref<32x128xf32, #tpu.memory_space<vmem>> -> memref<32x128xf32, #tpu.memory_space<vmem>>
      %dma_start3A_67 = arith.constant 0 : i32
      %dma_start3A_68 = tpu.memref_slice %arg10[%add3A_44, %dma_start3A_67] : memref<10240x128xf32, #tpu.memory_space<vmem_shared>> -> memref<32x128xf32, #tpu.memory_space<vmem_shared>>
      %dma_start3A_69 = arith.constant 0 : i32
      %dma_start3A_70 = tpu.memref_slice %arg10[%add3A_44, %dma_start3A_69] : memref<10240x128xf32, #tpu.memory_space<vmem_shared>> -> memref<32x128xf32, #tpu.memory_space<vmem_shared>>
      %dma_start3A_71 = arith.constant 0 : i32
      %dma_start3A_72 = arith.constant 0 : i32
      %dma_start3A_73 = tpu.memref_slice %arg8[%dma_start3A_71, %dma_start3A_72] : memref<32x128xf32, #tpu.memory_space<vmem>> -> memref<32x128xf32, #tpu.memory_space<vmem>>
      tpu.enqueue_dma source(%dma_start3A_73 : memref<32x128xf32, #tpu.memory_space<vmem>>) target(%dma_start3A_70 : memref<32x128xf32, #tpu.memory_space<vmem_shared>>) target_semaphore(%run_scoped3A_63 : memref<!tpu.dma_semaphore, #tpu.memory_space<semaphore_mem>>)
      %dma_wait3A_74 = arith.constant 0 : i32
      %dma_wait3A_75 = arith.constant 0 : i32
      %dma_wait3A_76 = tpu.memref_slice %arg8[%dma_wait3A_74, %dma_wait3A_75] : memref<32x128xf32, #tpu.memory_space<vmem>> -> memref<32x128xf32, #tpu.memory_space<vmem>>
      %dma_wait3A_77 = arith.constant 0 : i32
      %dma_wait3A_78 = tpu.memref_slice %arg10[%add3A_44, %dma_wait3A_77] : memref<10240x128xf32, #tpu.memory_space<vmem_shared>> -> memref<32x128xf32, #tpu.memory_space<vmem_shared>>
      %dma_wait3A_79 = arith.constant 0 : i32
      %dma_wait3A_80 = tpu.memref_slice %arg10[%add3A_44, %dma_wait3A_79] : memref<10240x128xf32, #tpu.memory_space<vmem_shared>> -> memref<32x128xf32, #tpu.memory_space<vmem_shared>>
      %dma_wait3A_81 = arith.constant 0 : i32
      %dma_wait3A_82 = arith.constant 0 : i32
      %dma_wait3A_83 = tpu.memref_slice %arg8[%dma_wait3A_81, %dma_wait3A_82] : memref<32x128xf32, #tpu.memory_space<vmem>> -> memref<32x128xf32, #tpu.memory_space<vmem>>
      tpu.wait_dma2 semaphore(%run_scoped3A_63 : memref<!tpu.dma_semaphore, #tpu.memory_space<semaphore_mem>>) src(%dma_wait3A_83 : memref<32x128xf32, #tpu.memory_space<vmem>>) dst(%dma_wait3A_80 : memref<32x128xf32, #tpu.memory_space<vmem_shared>>)
      tpu.yield
    }) : () -> ()
    "tpu.region"() ({
      %run_scoped3A_63 = tpu.sem_alloc : memref<!tpu.dma_semaphore, #tpu.memory_space<semaphore_mem>>
      %dma_start3A_64 = arith.constant 0 : i32
      %dma_start3A_65 = arith.constant 0 : i32
      %dma_start3A_66 = tpu.memref_slice %arg3[%arg0, %arg1, %dma_start3A_64, %dma_start3A_65] : memref<2x16x313x32xi32, #tpu.memory_space<hbm>> -> memref<1x1x313x32xi32, #tpu.memory_space<hbm>>
      %dma_start3A_67 = tpu.memref_squeeze %dma_start3A_66 : memref<1x1x313x32xi32, #tpu.memory_space<hbm>> -> memref<313x32xi32, #tpu.memory_space<hbm>>
      %dma_start3A_68 = arith.constant 0 : i32
      %dma_start3A_69 = arith.constant 0 : i32
      %dma_start3A_70 = tpu.memref_slice %arg3[%arg0, %arg1, %dma_start3A_68, %dma_start3A_69] : memref<2x16x313x32xi32, #tpu.memory_space<hbm>> -> memref<1x1x313x32xi32, #tpu.memory_space<hbm>>
      %dma_start3A_71 = tpu.memref_squeeze %dma_start3A_70 : memref<1x1x313x32xi32, #tpu.memory_space<hbm>> -> memref<313x32xi32, #tpu.memory_space<hbm>>
      tpu.enqueue_dma source(%dma_start3A_71 : memref<313x32xi32, #tpu.memory_space<hbm>>) target(%arg6 : memref<313x32xi32, #tpu.memory_space<vmem>>) target_semaphore(%run_scoped3A_63 : memref<!tpu.dma_semaphore, #tpu.memory_space<semaphore_mem>>)
      %dma_wait3A_72 = arith.constant 0 : i32
      %dma_wait3A_73 = arith.constant 0 : i32
      %dma_wait3A_74 = tpu.memref_slice %arg3[%arg0, %arg1, %dma_wait3A_72, %dma_wait3A_73] : memref<2x16x313x32xi32, #tpu.memory_space<hbm>> -> memref<1x1x313x32xi32, #tpu.memory_space<hbm>>
      %dma_wait3A_75 = tpu.memref_squeeze %dma_wait3A_74 : memref<1x1x313x32xi32, #tpu.memory_space<hbm>> -> memref<313x32xi32, #tpu.memory_space<hbm>>
      %dma_wait3A_76 = arith.constant 0 : i32
      %dma_wait3A_77 = arith.constant 0 : i32
      %dma_wait3A_78 = tpu.memref_slice %arg3[%arg0, %arg1, %dma_wait3A_76, %dma_wait3A_77] : memref<2x16x313x32xi32, #tpu.memory_space<hbm>> -> memref<1x1x313x32xi32, #tpu.memory_space<hbm>>
      %dma_wait3A_79 = tpu.memref_squeeze %dma_wait3A_78 : memref<1x1x313x32xi32, #tpu.memory_space<hbm>> -> memref<313x32xi32, #tpu.memory_space<hbm>>
      tpu.wait_dma2 semaphore(%run_scoped3A_63 : memref<!tpu.dma_semaphore, #tpu.memory_space<semaphore_mem>>) src(%dma_wait3A_79 : memref<313x32xi32, #tpu.memory_space<hbm>>) dst(%arg6 : memref<313x32xi32, #tpu.memory_space<vmem>>)
      tpu.yield
    }) : () -> ()
    "tpu.region"() ({
      %run_scoped3A_63 = tpu.sem_alloc : memref<!tpu.dma_semaphore, #tpu.memory_space<semaphore_mem>>
      %dma_start3A_64 = arith.constant 0 : i32
      %dma_start3A_65 = arith.constant 0 : i32
      %dma_start3A_66 = tpu.memref_slice %arg4[%arg0, %arg1, %dma_start3A_64, %dma_start3A_65] : memref<2x16x313x32xi32, #tpu.memory_space<hbm>> -> memref<1x1x313x32xi32, #tpu.memory_space<hbm>>
      %dma_start3A_67 = tpu.memref_squeeze %dma_start3A_66 : memref<1x1x313x32xi32, #tpu.memory_space<hbm>> -> memref<313x32xi32, #tpu.memory_space<hbm>>
      %dma_start3A_68 = arith.constant 0 : i32
      %dma_start3A_69 = arith.constant 0 : i32
      %dma_start3A_70 = tpu.memref_slice %arg4[%arg0, %arg1, %dma_start3A_68, %dma_start3A_69] : memref<2x16x313x32xi32, #tpu.memory_space<hbm>> -> memref<1x1x313x32xi32, #tpu.memory_space<hbm>>
      %dma_start3A_71 = tpu.memref_squeeze %dma_start3A_70 : memref<1x1x313x32xi32, #tpu.memory_space<hbm>> -> memref<313x32xi32, #tpu.memory_space<hbm>>
      tpu.enqueue_dma source(%dma_start3A_71 : memref<313x32xi32, #tpu.memory_space<hbm>>) target(%arg7 : memref<313x32xi32, #tpu.memory_space<vmem>>) target_semaphore(%run_scoped3A_63 : memref<!tpu.dma_semaphore, #tpu.memory_space<semaphore_mem>>)
      %dma_wait3A_72 = arith.constant 0 : i32
      %dma_wait3A_73 = arith.constant 0 : i32
      %dma_wait3A_74 = tpu.memref_slice %arg4[%arg0, %arg1, %dma_wait3A_72, %dma_wait3A_73] : memref<2x16x313x32xi32, #tpu.memory_space<hbm>> -> memref<1x1x313x32xi32, #tpu.memory_space<hbm>>
      %dma_wait3A_75 = tpu.memref_squeeze %dma_wait3A_74 : memref<1x1x313x32xi32, #tpu.memory_space<hbm>> -> memref<313x32xi32, #tpu.memory_space<hbm>>
      %dma_wait3A_76 = arith.constant 0 : i32
      %dma_wait3A_77 = arith.constant 0 : i32
      %dma_wait3A_78 = tpu.memref_slice %arg4[%arg0, %arg1, %dma_wait3A_76, %dma_wait3A_77] : memref<2x16x313x32xi32, #tpu.memory_space<hbm>> -> memref<1x1x313x32xi32, #tpu.memory_space<hbm>>
      %dma_wait3A_79 = tpu.memref_squeeze %dma_wait3A_78 : memref<1x1x313x32xi32, #tpu.memory_space<hbm>> -> memref<313x32xi32, #tpu.memory_space<hbm>>
      tpu.wait_dma2 semaphore(%run_scoped3A_63 : memref<!tpu.dma_semaphore, #tpu.memory_space<semaphore_mem>>) src(%dma_wait3A_79 : memref<313x32xi32, #tpu.memory_space<hbm>>) dst(%arg7 : memref<313x32xi32, #tpu.memory_space<vmem>>)
      tpu.yield
    }) : () -> ()
    %barrier3A = arith.constant 0 : index
    tpu.barrier barrier_id(%barrier3A)
    %dma_start3A = arith.constant 0 : i32
    %dma_start3A_45 = arith.constant 0 : i32
    %dma_start3A_46 = tpu.memref_slice %arg6[%dma_start3A, %dma_start3A_45] : memref<313x32xi32, #tpu.memory_space<vmem>> -> memref<1x32xi32, #tpu.memory_space<vmem>>
    %dma_start3A_47 = tpu.memref_squeeze %dma_start3A_46 : memref<1x32xi32, #tpu.memory_space<vmem>> -> memref<32xi32, #tpu.memory_space<vmem>>
    %dma_start3A_48 = arith.constant 0 : i32
    %dma_start3A_49 = arith.constant 0 : i32
    %dma_start3A_50 = tpu.memref_slice %arg2[%dma_start3A_48, %dma_start3A_49] : memref<10240x128xf32, #tpu.memory_space<hbm>> -> memref<10240x128xf32, #tpu.memory_space<hbm>>
    tpu.enqueue_indirect_dma source(%dma_start3A_50 : memref<10240x128xf32, #tpu.memory_space<hbm>>) target(%arg8 : memref<32x128xf32, #tpu.memory_space<vmem>>) offsets(%dma_start3A_47 : memref<32xi32, #tpu.memory_space<vmem>>) semaphore(%arg11 : memref<!tpu.dma_semaphore, #tpu.memory_space<semaphore_mem>>)
    %scan3A_51 = arith.constant 0 : i32
    %scan3A_52 = arith.constant 0 : i32
    %scan3A_53 = arith.constant 156 : i32
    %scan3A_54 = arith.addi %scan3A_52, %scan3A_53 : i32
    %scan3A_55 = arith.constant 1 : i32
    scf.for %scan3A_63 = %scan3A_52 to %scan3A_54 step %scan3A_55  : i32 {
      %mul3A_64 = arith.constant 2 : i32
      %mul3A_65 = arith.muli %mul3A_64, %scan3A_63 : i32
      %add3A_66 = arith.constant 1 : i32
      %add3A_67 = arith.addi %mul3A_65, %add3A_66 : i32
      %dma_start3A_68 = arith.constant 0 : i32
      %dma_start3A_69 = tpu.memref_slice %arg6[%add3A_67, %dma_start3A_68] : memref<313x32xi32, #tpu.memory_space<vmem>> -> memref<1x32xi32, #tpu.memory_space<vmem>>
      %dma_start3A_70 = tpu.memref_squeeze %dma_start3A_69 : memref<1x32xi32, #tpu.memory_space<vmem>> -> memref<32xi32, #tpu.memory_space<vmem>>
      %dma_start3A_71 = arith.constant 0 : i32
      %dma_start3A_72 = arith.constant 0 : i32
      %dma_start3A_73 = tpu.memref_slice %arg2[%dma_start3A_71, %dma_start3A_72] : memref<10240x128xf32, #tpu.memory_space<hbm>> -> memref<10240x128xf32, #tpu.memory_space<hbm>>
      tpu.enqueue_indirect_dma source(%dma_start3A_73 : memref<10240x128xf32, #tpu.memory_space<hbm>>) target(%arg9 : memref<32x128xf32, #tpu.memory_space<vmem>>) offsets(%dma_start3A_70 : memref<32xi32, #tpu.memory_space<vmem>>) semaphore(%arg12 : memref<!tpu.dma_semaphore, #tpu.memory_space<semaphore_mem>>)
      %dma_wait3A_74 = arith.constant 0 : i32
      %dma_wait3A_75 = arith.constant 0 : i32
      %dma_wait3A_76 = tpu.memref_slice %arg2[%dma_wait3A_74, %dma_wait3A_75] : memref<10240x128xf32, #tpu.memory_space<hbm>> -> memref<32x128xf32, #tpu.memory_space<hbm>>
      %dma_wait3A_77 = arith.constant 0 : i32
      %dma_wait3A_78 = arith.constant 0 : i32
      %dma_wait3A_79 = tpu.memref_slice %arg2[%dma_wait3A_77, %dma_wait3A_78] : memref<10240x128xf32, #tpu.memory_space<hbm>> -> memref<32x128xf32, #tpu.memory_space<hbm>>
      tpu.wait_dma2 semaphore(%arg11 : memref<!tpu.dma_semaphore, #tpu.memory_space<semaphore_mem>>) src(%dma_wait3A_79 : memref<32x128xf32, #tpu.memory_space<hbm>>) dst(%arg8 : memref<32x128xf32, #tpu.memory_space<vmem>>)
      %mul3A_80 = arith.constant 2 : i32
      %mul3A_81 = arith.muli %mul3A_80, %scan3A_63 : i32
      "tpu.region"() ({
        %run_scoped3A_102 = tpu.sem_alloc : memref<!tpu.dma_semaphore, #tpu.memory_space<semaphore_mem>>
        %dma_start3A_103 = arith.constant 0 : i32
        %dma_start3A_104 = tpu.memref_slice %arg7[%mul3A_81, %dma_start3A_103] : memref<313x32xi32, #tpu.memory_space<vmem>> -> memref<1x32xi32, #tpu.memory_space<vmem>>
        %dma_start3A_105 = tpu.memref_squeeze %dma_start3A_104 : memref<1x32xi32, #tpu.memory_space<vmem>> -> memref<32xi32, #tpu.memory_space<vmem>>
        %dma_start3A_106 = arith.constant 0 : i32
        %dma_start3A_107 = arith.constant 0 : i32
        %dma_start3A_108 = tpu.memref_slice %arg10[%dma_start3A_106, %dma_start3A_107] : memref<10240x128xf32, #tpu.memory_space<vmem_shared>> -> memref<10240x128xf32, #tpu.memory_space<vmem_shared>>
        tpu.enqueue_indirect_dma source(%arg8 : memref<32x128xf32, #tpu.memory_space<vmem>>) target(%dma_start3A_108 : memref<10240x128xf32, #tpu.memory_space<vmem_shared>>) offsets(%dma_start3A_105 : memref<32xi32, #tpu.memory_space<vmem>>) semaphore(%run_scoped3A_102 : memref<!tpu.dma_semaphore, #tpu.memory_space<semaphore_mem>>) {add = true}
        %dma_wait3A_109 = arith.constant 0 : i32
        %dma_wait3A_110 = tpu.memref_slice %arg7[%mul3A_81, %dma_wait3A_109] : memref<313x32xi32, #tpu.memory_space<vmem>> -> memref<1x32xi32, #tpu.memory_space<vmem>>
        %dma_wait3A_111 = tpu.memref_squeeze %dma_wait3A_110 : memref<1x32xi32, #tpu.memory_space<vmem>> -> memref<32xi32, #tpu.memory_space<vmem>>
        %dma_wait3A_112 = arith.constant 0 : i32
        %dma_wait3A_113 = arith.constant 0 : i32
        %dma_wait3A_114 = tpu.memref_slice %arg10[%dma_wait3A_112, %dma_wait3A_113] : memref<10240x128xf32, #tpu.memory_space<vmem_shared>> -> memref<10240x128xf32, #tpu.memory_space<vmem_shared>>
        tpu.wait_indirect_dma semaphore(%run_scoped3A_102 : memref<!tpu.dma_semaphore, #tpu.memory_space<semaphore_mem>>) src(%arg8 : memref<32x128xf32, #tpu.memory_space<vmem>>) dst(%dma_wait3A_114 : memref<10240x128xf32, #tpu.memory_space<vmem_shared>>)
        tpu.yield
      }) : () -> ()
      %mul3A_82 = arith.constant 2 : i32
      %mul3A_83 = arith.muli %mul3A_82, %scan3A_63 : i32
      %add3A_84 = arith.constant 2 : i32
      %add3A_85 = arith.addi %mul3A_83, %add3A_84 : i32
      %dma_start3A_86 = arith.constant 0 : i32
      %dma_start3A_87 = tpu.memref_slice %arg6[%add3A_85, %dma_start3A_86] : memref<313x32xi32, #tpu.memory_space<vmem>> -> memref<1x32xi32, #tpu.memory_space<vmem>>
      %dma_start3A_88 = tpu.memref_squeeze %dma_start3A_87 : memref<1x32xi32, #tpu.memory_space<vmem>> -> memref<32xi32, #tpu.memory_space<vmem>>
      %dma_start3A_89 = arith.constant 0 : i32
      %dma_start3A_90 = arith.constant 0 : i32
      %dma_start3A_91 = tpu.memref_slice %arg2[%dma_start3A_89, %dma_start3A_90] : memref<10240x128xf32, #tpu.memory_space<hbm>> -> memref<10240x128xf32, #tpu.memory_space<hbm>>
      tpu.enqueue_indirect_dma source(%dma_start3A_91 : memref<10240x128xf32, #tpu.memory_space<hbm>>) target(%arg8 : memref<32x128xf32, #tpu.memory_space<vmem>>) offsets(%dma_start3A_88 : memref<32xi32, #tpu.memory_space<vmem>>) semaphore(%arg11 : memref<!tpu.dma_semaphore, #tpu.memory_space<semaphore_mem>>)
      %dma_wait3A_92 = arith.constant 0 : i32
      %dma_wait3A_93 = arith.constant 0 : i32
      %dma_wait3A_94 = tpu.memref_slice %arg2[%dma_wait3A_92, %dma_wait3A_93] : memref<10240x128xf32, #tpu.memory_space<hbm>> -> memref<32x128xf32, #tpu.memory_space<hbm>>
      %dma_wait3A_95 = arith.constant 0 : i32
      %dma_wait3A_96 = arith.constant 0 : i32
      %dma_wait3A_97 = tpu.memref_slice %arg2[%dma_wait3A_95, %dma_wait3A_96] : memref<10240x128xf32, #tpu.memory_space<hbm>> -> memref<32x128xf32, #tpu.memory_space<hbm>>
      tpu.wait_dma2 semaphore(%arg12 : memref<!tpu.dma_semaphore, #tpu.memory_space<semaphore_mem>>) src(%dma_wait3A_97 : memref<32x128xf32, #tpu.memory_space<hbm>>) dst(%arg9 : memref<32x128xf32, #tpu.memory_space<vmem>>)
      %mul3A_98 = arith.constant 2 : i32
      %mul3A_99 = arith.muli %mul3A_98, %scan3A_63 : i32
      %add3A_100 = arith.constant 1 : i32
      %add3A_101 = arith.addi %mul3A_99, %add3A_100 : i32
      "tpu.region"() ({
        %run_scoped3A_102 = tpu.sem_alloc : memref<!tpu.dma_semaphore, #tpu.memory_space<semaphore_mem>>
        %dma_start3A_103 = arith.constant 0 : i32
        %dma_start3A_104 = tpu.memref_slice %arg7[%add3A_101, %dma_start3A_103] : memref<313x32xi32, #tpu.memory_space<vmem>> -> memref<1x32xi32, #tpu.memory_space<vmem>>
        %dma_start3A_105 = tpu.memref_squeeze %dma_start3A_104 : memref<1x32xi32, #tpu.memory_space<vmem>> -> memref<32xi32, #tpu.memory_space<vmem>>
        %dma_start3A_106 = arith.constant 0 : i32
        %dma_start3A_107 = arith.constant 0 : i32
        %dma_start3A_108 = tpu.memref_slice %arg10[%dma_start3A_106, %dma_start3A_107] : memref<10240x128xf32, #tpu.memory_space<vmem_shared>> -> memref<10240x128xf32, #tpu.memory_space<vmem_shared>>
        tpu.enqueue_indirect_dma source(%arg9 : memref<32x128xf32, #tpu.memory_space<vmem>>) target(%dma_start3A_108 : memref<10240x128xf32, #tpu.memory_space<vmem_shared>>) offsets(%dma_start3A_105 : memref<32xi32, #tpu.memory_space<vmem>>) semaphore(%run_scoped3A_102 : memref<!tpu.dma_semaphore, #tpu.memory_space<semaphore_mem>>) {add = true}
        %dma_wait3A_109 = arith.constant 0 : i32
        %dma_wait3A_110 = tpu.memref_slice %arg7[%add3A_101, %dma_wait3A_109] : memref<313x32xi32, #tpu.memory_space<vmem>> -> memref<1x32xi32, #tpu.memory_space<vmem>>
        %dma_wait3A_111 = tpu.memref_squeeze %dma_wait3A_110 : memref<1x32xi32, #tpu.memory_space<vmem>> -> memref<32xi32, #tpu.memory_space<vmem>>
        %dma_wait3A_112 = arith.constant 0 : i32
        %dma_wait3A_113 = arith.constant 0 : i32
        %dma_wait3A_114 = tpu.memref_slice %arg10[%dma_wait3A_112, %dma_wait3A_113] : memref<10240x128xf32, #tpu.memory_space<vmem_shared>> -> memref<10240x128xf32, #tpu.memory_space<vmem_shared>>
        tpu.wait_indirect_dma semaphore(%run_scoped3A_102 : memref<!tpu.dma_semaphore, #tpu.memory_space<semaphore_mem>>) src(%arg9 : memref<32x128xf32, #tpu.memory_space<vmem>>) dst(%dma_wait3A_114 : memref<10240x128xf32, #tpu.memory_space<vmem_shared>>)
        tpu.yield
      }) : () -> ()
    }
    %scan3A_56 = arith.constant 156 : i32
    %dma_wait3A = arith.constant 0 : i32
    %dma_wait3A_57 = arith.constant 0 : i32
    %dma_wait3A_58 = tpu.memref_slice %arg2[%dma_wait3A, %dma_wait3A_57] : memref<10240x128xf32, #tpu.memory_space<hbm>> -> memref<32x128xf32, #tpu.memory_space<hbm>>
    %dma_wait3A_59 = arith.constant 0 : i32
    %dma_wait3A_60 = arith.constant 0 : i32
    %dma_wait3A_61 = tpu.memref_slice %arg2[%dma_wait3A_59, %dma_wait3A_60] : memref<10240x128xf32, #tpu.memory_space<hbm>> -> memref<32x128xf32, #tpu.memory_space<hbm>>
    tpu.wait_dma2 semaphore(%arg11 : memref<!tpu.dma_semaphore, #tpu.memory_space<semaphore_mem>>) src(%dma_wait3A_61 : memref<32x128xf32, #tpu.memory_space<hbm>>) dst(%arg8 : memref<32x128xf32, #tpu.memory_space<vmem>>)
    %run_scoped3A = arith.constant 312 : i32
    "tpu.region"() ({
      %run_scoped3A_63 = tpu.sem_alloc : memref<!tpu.dma_semaphore, #tpu.memory_space<semaphore_mem>>
      %dma_start3A_64 = arith.constant 0 : i32
      %dma_start3A_65 = tpu.memref_slice %arg7[%run_scoped3A, %dma_start3A_64] : memref<313x32xi32, #tpu.memory_space<vmem>> -> memref<1x32xi32, #tpu.memory_space<vmem>>
      %dma_start3A_66 = tpu.memref_squeeze %dma_start3A_65 : memref<1x32xi32, #tpu.memory_space<vmem>> -> memref<32xi32, #tpu.memory_space<vmem>>
      %dma_start3A_67 = arith.constant 0 : i32
      %dma_start3A_68 = arith.constant 0 : i32
      %dma_start3A_69 = tpu.memref_slice %arg10[%dma_start3A_67, %dma_start3A_68] : memref<10240x128xf32, #tpu.memory_space<vmem_shared>> -> memref<10240x128xf32, #tpu.memory_space<vmem_shared>>
      tpu.enqueue_indirect_dma source(%arg8 : memref<32x128xf32, #tpu.memory_space<vmem>>) target(%dma_start3A_69 : memref<10240x128xf32, #tpu.memory_space<vmem_shared>>) offsets(%dma_start3A_66 : memref<32xi32, #tpu.memory_space<vmem>>) semaphore(%run_scoped3A_63 : memref<!tpu.dma_semaphore, #tpu.memory_space<semaphore_mem>>) {add = true}
      %dma_wait3A_70 = arith.constant 0 : i32
      %dma_wait3A_71 = tpu.memref_slice %arg7[%run_scoped3A, %dma_wait3A_70] : memref<313x32xi32, #tpu.memory_space<vmem>> -> memref<1x32xi32, #tpu.memory_space<vmem>>
      %dma_wait3A_72 = tpu.memref_squeeze %dma_wait3A_71 : memref<1x32xi32, #tpu.memory_space<vmem>> -> memref<32xi32, #tpu.memory_space<vmem>>
      %dma_wait3A_73 = arith.constant 0 : i32
      %dma_wait3A_74 = arith.constant 0 : i32
      %dma_wait3A_75 = tpu.memref_slice %arg10[%dma_wait3A_73, %dma_wait3A_74] : memref<10240x128xf32, #tpu.memory_space<vmem_shared>> -> memref<10240x128xf32, #tpu.memory_space<vmem_shared>>
      tpu.wait_indirect_dma semaphore(%run_scoped3A_63 : memref<!tpu.dma_semaphore, #tpu.memory_space<semaphore_mem>>) src(%arg8 : memref<32x128xf32, #tpu.memory_space<vmem>>) dst(%dma_wait3A_75 : memref<10240x128xf32, #tpu.memory_space<vmem_shared>>)
      tpu.yield
    }) : () -> ()
    %barrier3A_62 = arith.constant 0 : index
    tpu.barrier barrier_id(%barrier3A_62)
    "tpu.region"() ({
      %run_scoped3A_63 = tpu.sem_alloc : memref<!tpu.dma_semaphore, #tpu.memory_space<semaphore_mem>>
      %dma_start3A_64 = arith.constant 0 : i32
      %dma_start3A_65 = tpu.memref_slice %arg5[%arg0, %mul3A_0, %dma_start3A_64] : memref<2x10240x128xf32, #tpu.memory_space<hbm>> -> memref<1x640x128xf32, #tpu.memory_space<hbm>>
      %dma_start3A_66 = tpu.memref_squeeze %dma_start3A_65 : memref<1x640x128xf32, #tpu.memory_space<hbm>> -> memref<640x128xf32, #tpu.memory_space<hbm>>
      %dma_start3A_67 = arith.constant 0 : i32
      %dma_start3A_68 = tpu.memref_slice %arg10[%mul3A_0, %dma_start3A_67] : memref<10240x128xf32, #tpu.memory_space<vmem_shared>> -> memref<640x128xf32, #tpu.memory_space<vmem_shared>>
      tpu.enqueue_dma source(%dma_start3A_68 : memref<640x128xf32, #tpu.memory_space<vmem_shared>>) target(%dma_start3A_66 : memref<640x128xf32, #tpu.memory_space<hbm>>) target_semaphore(%run_scoped3A_63 : memref<!tpu.dma_semaphore, #tpu.memory_space<semaphore_mem>>)
      %dma_wait3A_69 = arith.constant 0 : i32
      %dma_wait3A_70 = tpu.memref_slice %arg5[%arg0, %mul3A_0, %dma_wait3A_69] : memref<2x10240x128xf32, #tpu.memory_space<hbm>> -> memref<1x640x128xf32, #tpu.memory_space<hbm>>
      %dma_wait3A_71 = tpu.memref_squeeze %dma_wait3A_70 : memref<1x640x128xf32, #tpu.memory_space<hbm>> -> memref<640x128xf32, #tpu.memory_space<hbm>>
      %dma_wait3A_72 = arith.constant 0 : i32
      %dma_wait3A_73 = tpu.memref_slice %arg10[%mul3A_0, %dma_wait3A_72] : memref<10240x128xf32, #tpu.memory_space<vmem_shared>> -> memref<640x128xf32, #tpu.memory_space<vmem_shared>>
      tpu.wait_dma2 semaphore(%run_scoped3A_63 : memref<!tpu.dma_semaphore, #tpu.memory_space<semaphore_mem>>) src(%dma_wait3A_73 : memref<640x128xf32, #tpu.memory_space<vmem_shared>>) dst(%dma_wait3A_71 : memref<640x128xf32, #tpu.memory_space<hbm>>)
      tpu.yield
    }) : () -> ()
    return
  }
}

#map = affine_map<(d0, d1) -> (0, 0)>
#map1 = affine_map<(d0, d1) -> (0, 0, 0, 0)>
#map2 = affine_map<(d0, d1) -> (0, 0, 0)>
module attributes {stable_mosaic.version = 14 : i64} {
  func.func @body(%arg0: i32, %arg1: i32, %arg2: memref<10240x128xf32, #tpu.memory_space<hbm>>, %arg3: memref<2x16x313x32xi32, #tpu.memory_space<hbm>>, %arg4: memref<2x16x313x32xi32, #tpu.memory_space<hbm>>, %arg5: memref<2x10240x128xf32, #tpu.memory_space<hbm>>, %arg6: memref<313x32xi32, #tpu.memory_space<vmem>>, %arg7: memref<313x32xi32, #tpu.memory_space<vmem>>, %arg8: memref<32x128xf32, #tpu.memory_space<vmem>>, %arg9: memref<32x128xf32, #tpu.memory_space<vmem>>, %arg10: memref<10240x128xf32, #tpu.memory_space<vmem_shared>>, %arg11: memref<!tpu.dma_semaphore, #tpu.memory_space<semaphore_mem>>, %arg12: memref<!tpu.dma_semaphore, #tpu.memory_space<semaphore_mem>>) attributes {dimension_semantics = [#tpu.dimension_semantics<core_parallel>, #tpu.dimension_semantics<subcore_parallel>], iteration_bounds = array<i64: 2, 16>, scalar_prefetch = 0 : i64, scratch_operands = 7 : i64, tpu.core_type = #tpu.core_type<sc_vector_subcore>, window_params = [{transform_indices = #map}, {transform_indices = #map1}, {transform_indices = #map1}, {transform_indices = #map2}]} {
    %mul3A = arith.constant 640 : i32
    %mul3A_0 = arith.muli %arg1, %mul3A : i32
    %scan3A = arith.constant 0 : i32
    %scan3A_1 = arith.constant 0 : i32
    %scan3A_2 = arith.constant 32 : i32
    %scan3A_3 = arith.addi %scan3A_1, %scan3A_2 : i32
    %scan3A_4 = arith.constant 1 : i32
    scf.for %scan3A_63 = %scan3A_1 to %scan3A_3 step %scan3A_4  : i32 {
      %broadcast_in_dim3A = arith.constant 0.000000e+00 : f32
      %broadcast_in_dim3A_64 = vector.broadcast %broadcast_in_dim3A : f32 to vector<16xf32>
      %swap3A = arith.index_cast %scan3A_63 : i32 to index
      %swap3A_65 = arith.constant 0 : index
      %swap3A_66 = tpu.vector_load %arg8[%swap3A, %swap3A_65] {strides = array<i32>} : memref<32x128xf32, #tpu.memory_space<vmem>>, vector<1x16xf32>,
      %swap3A_67 = vector.shape_cast %swap3A_66 : vector<1x16xf32> to vector<16xf32>
      %swap3A_68 = vector.shape_cast %broadcast_in_dim3A_64 : vector<16xf32> to vector<1x16xf32>
      tpu.vector_store %arg8[%swap3A, %swap3A_65], %swap3A_68 {strides = array<i32>} : memref<32x128xf32, #tpu.memory_space<vmem>>, vector<1x16xf32>,
      %broadcast_in_dim3A_69 = arith.constant 0.000000e+00 : f32
      %broadcast_in_dim3A_70 = vector.broadcast %broadcast_in_dim3A_69 : f32 to vector<16xf32>
      %swap3A_71 = arith.index_cast %scan3A_63 : i32 to index
      %swap3A_72 = arith.constant 16 : index
      %swap3A_73 = tpu.vector_load %arg8[%swap3A_71, %swap3A_72] {strides = array<i32>} : memref<32x128xf32, #tpu.memory_space<vmem>>, vector<1x16xf32>,
      %swap3A_74 = vector.shape_cast %swap3A_73 : vector<1x16xf32> to vector<16xf32>
      %swap3A_75 = vector.shape_cast %broadcast_in_dim3A_70 : vector<16xf32> to vector<1x16xf32>
      tpu.vector_store %arg8[%swap3A_71, %swap3A_72], %swap3A_75 {strides = array<i32>} : memref<32x128xf32, #tpu.memory_space<vmem>>, vector<1x16xf32>,
      %broadcast_in_dim3A_76 = arith.constant 0.000000e+00 : f32
      %broadcast_in_dim3A_77 = vector.broadcast %broadcast_in_dim3A_76 : f32 to vector<16xf32>
      %swap3A_78 = arith.index_cast %scan3A_63 : i32 to index
      %swap3A_79 = arith.constant 32 : index
      %swap3A_80 = tpu.vector_load %arg8[%swap3A_78, %swap3A_79] {strides = array<i32>} : memref<32x128xf32, #tpu.memory_space<vmem>>, vector<1x16xf32>,
      %swap3A_81 = vector.shape_cast %swap3A_80 : vector<1x16xf32> to vector<16xf32>
      %swap3A_82 = vector.shape_cast %broadcast_in_dim3A_77 : vector<16xf32> to vector<1x16xf32>
      tpu.vector_store %arg8[%swap3A_78, %swap3A_79], %swap3A_82 {strides = array<i32>} : memref<32x128xf32, #tpu.memory_space<vmem>>, vector<1x16xf32>,
      %broadcast_in_dim3A_83 = arith.constant 0.000000e+00 : f32
      %broadcast_in_dim3A_84 = vector.broadcast %broadcast_in_dim3A_83 : f32 to vector<16xf32>
      %swap3A_85 = arith.index_cast %scan3A_63 : i32 to index
      %swap3A_86 = arith.constant 48 : index
      %swap3A_87 = tpu.vector_load %arg8[%swap3A_85, %swap3A_86] {strides = array<i32>} : memref<32x128xf32, #tpu.memory_space<vmem>>, vector<1x16xf32>,
      %swap3A_88 = vector.shape_cast %swap3A_87 : vector<1x16xf32> to vector<16xf32>
      %swap3A_89 = vector.shape_cast %broadcast_in_dim3A_84 : vector<16xf32> to vector<1x16xf32>
      tpu.vector_store %arg8[%swap3A_85, %swap3A_86], %swap3A_89 {strides = array<i32>} : memref<32x128xf32, #tpu.memory_space<vmem>>, vector<1x16xf32>,
      %broadcast_in_dim3A_90 = arith.constant 0.000000e+00 : f32
      %broadcast_in_dim3A_91 = vector.broadcast %broadcast_in_dim3A_90 : f32 to vector<16xf32>
      %swap3A_92 = arith.index_cast %scan3A_63 : i32 to index
      %swap3A_93 = arith.constant 64 : index
      %swap3A_94 = tpu.vector_load %arg8[%swap3A_92, %swap3A_93] {strides = array<i32>} : memref<32x128xf32, #tpu.memory_space<vmem>>, vector<1x16xf32>,
      %swap3A_95 = vector.shape_cast %swap3A_94 : vector<1x16xf32> to vector<16xf32>
      %swap3A_96 = vector.shape_cast %broadcast_in_dim3A_91 : vector<16xf32> to vector<1x16xf32>
      tpu.vector_store %arg8[%swap3A_92, %swap3A_93], %swap3A_96 {strides = array<i32>} : memref<32x128xf32, #tpu.memory_space<vmem>>, vector<1x16xf32>,
      %broadcast_in_dim3A_97 = arith.constant 0.000000e+00 : f32
      %broadcast_in_dim3A_98 = vector.broadcast %broadcast_in_dim3A_97 : f32 to vector<16xf32>
      %swap3A_99 = arith.index_cast %scan3A_63 : i32 to index
      %swap3A_100 = arith.constant 80 : index
      %swap3A_101 = tpu.vector_load %arg8[%swap3A_99, %swap3A_100] {strides = array<i32>} : memref<32x128xf32, #tpu.memory_space<vmem>>, vector<1x16xf32>,
      %swap3A_102 = vector.shape_cast %swap3A_101 : vector<1x16xf32> to vector<16xf32>
      %swap3A_103 = vector.shape_cast %broadcast_in_dim3A_98 : vector<16xf32> to vector<1x16xf32>
      tpu.vector_store %arg8[%swap3A_99, %swap3A_100], %swap3A_103 {strides = array<i32>} : memref<32x128xf32, #tpu.memory_space<vmem>>, vector<1x16xf32>,
      %broadcast_in_dim3A_104 = arith.constant 0.000000e+00 : f32
      %broadcast_in_dim3A_105 = vector.broadcast %broadcast_in_dim3A_104 : f32 to vector<16xf32>
      %swap3A_106 = arith.index_cast %scan3A_63 : i32 to index
      %swap3A_107 = arith.constant 96 : index
      %swap3A_108 = tpu.vector_load %arg8[%swap3A_106, %swap3A_107] {strides = array<i32>} : memref<32x128xf32, #tpu.memory_space<vmem>>, vector<1x16xf32>,
      %swap3A_109 = vector.shape_cast %swap3A_108 : vector<1x16xf32> to vector<16xf32>
      %swap3A_110 = vector.shape_cast %broadcast_in_dim3A_105 : vector<16xf32> to vector<1x16xf32>
      tpu.vector_store %arg8[%swap3A_106, %swap3A_107], %swap3A_110 {strides = array<i32>} : memref<32x128xf32, #tpu.memory_space<vmem>>, vector<1x16xf32>,
      %broadcast_in_dim3A_111 = arith.constant 0.000000e+00 : f32
      %broadcast_in_dim3A_112 = vector.broadcast %broadcast_in_dim3A_111 : f32 to vector<16xf32>
      %swap3A_113 = arith.index_cast %scan3A_63 : i32 to index
      %swap3A_114 = arith.constant 112 : index
      %swap3A_115 = tpu.vector_load %arg8[%swap3A_113, %swap3A_114] {strides = array<i32>} : memref<32x128xf32, #tpu.memory_space<vmem>>, vector<1x16xf32>,
      %swap3A_116 = vector.shape_cast %swap3A_115 : vector<1x16xf32> to vector<16xf32>
      %swap3A_117 = vector.shape_cast %broadcast_in_dim3A_112 : vector<16xf32> to vector<1x16xf32>
      tpu.vector_store %arg8[%swap3A_113, %swap3A_114], %swap3A_117 {strides = array<i32>} : memref<32x128xf32, #tpu.memory_space<vmem>>, vector<1x16xf32>,
    }
    %scan3A_5 = arith.constant 32 : i32
    %add3A = arith.constant 0 : i32
    %add3A_6 = arith.addi %mul3A_0, %add3A : i32
    "tpu.region"() ({
      %run_scoped3A_63 = tpu.sem_alloc : memref<!tpu.dma_semaphore, #tpu.memory_space<semaphore_mem>>
      %dma_start3A_64 = arith.constant 0 : i32
      %dma_start3A_65 = arith.constant 0 : i32
      %dma_start3A_66 = tpu.memref_slice %arg8[%dma_start3A_64, %dma_start3A_65] : memref<32x128xf32, #tpu.memory_space<vmem>> -> memref<32x128xf32, #tpu.memory_space<vmem>>
      %dma_start3A_67 = arith.constant 0 : i32
      %dma_start3A_68 = tpu.memref_slice %arg10[%add3A_6, %dma_start3A_67] : memref<10240x128xf32, #tpu.memory_space<vmem_shared>> -> memref<32x128xf32, #tpu.memory_space<vmem_shared>>
      %dma_start3A_69 = arith.constant 0 : i32
      %dma_start3A_70 = tpu.memref_slice %arg10[%add3A_6, %dma_start3A_69] : memref<10240x128xf32, #tpu.memory_space<vmem_shared>> -> memref<32x128xf32, #tpu.memory_space<vmem_shared>>
      %dma_start3A_71 = arith.constant 0 : i32
      %dma_start3A_72 = arith.constant 0 : i32
      %dma_start3A_73 = tpu.memref_slice %arg8[%dma_start3A_71, %dma_start3A_72] : memref<32x128xf32, #tpu.memory_space<vmem>> -> memref<32x128xf32, #tpu.memory_space<vmem>>
      tpu.enqueue_dma source(%dma_start3A_73 : memref<32x128xf32, #tpu.memory_space<vmem>>) target(%dma_start3A_70 : memref<32x128xf32, #tpu.memory_space<vmem_shared>>) target_semaphore(%run_scoped3A_63 : memref<!tpu.dma_semaphore, #tpu.memory_space<semaphore_mem>>)
      %dma_wait3A_74 = arith.constant 0 : i32
      %dma_wait3A_75 = arith.constant 0 : i32
      %dma_wait3A_76 = tpu.memref_slice %arg8[%dma_wait3A_74, %dma_wait3A_75] : memref<32x128xf32, #tpu.memory_space<vmem>> -> memref<32x128xf32, #tpu.memory_space<vmem>>
      %dma_wait3A_77 = arith.constant 0 : i32
      %dma_wait3A_78 = tpu.memref_slice %arg10[%add3A_6, %dma_wait3A_77] : memref<10240x128xf32, #tpu.memory_space<vmem_shared>> -> memref<32x128xf32, #tpu.memory_space<vmem_shared>>
      %dma_wait3A_79 = arith.constant 0 : i32
      %dma_wait3A_80 = tpu.memref_slice %arg10[%add3A_6, %dma_wait3A_79] : memref<10240x128xf32, #tpu.memory_space<vmem_shared>> -> memref<32x128xf32, #tpu.memory_space<vmem_shared>>
      %dma_wait3A_81 = arith.constant 0 : i32
      %dma_wait3A_82 = arith.constant 0 : i32
      %dma_wait3A_83 = tpu.memref_slice %arg8[%dma_wait3A_81, %dma_wait3A_82] : memref<32x128xf32, #tpu.memory_space<vmem>> -> memref<32x128xf32, #tpu.memory_space<vmem>>
      tpu.wait_dma2 semaphore(%run_scoped3A_63 : memref<!tpu.dma_semaphore, #tpu.memory_space<semaphore_mem>>) src(%dma_wait3A_83 : memref<32x128xf32, #tpu.memory_space<vmem>>) dst(%dma_wait3A_80 : memref<32x128xf32, #tpu.memory_space<vmem_shared>>)
      tpu.yield
    }) : () -> ()
    %add3A_7 = arith.constant 32 : i32
    %add3A_8 = arith.addi %mul3A_0, %add3A_7 : i32
    "tpu.region"() ({
      %run_scoped3A_63 = tpu.sem_alloc : memref<!tpu.dma_semaphore, #tpu.memory_space<semaphore_mem>>
      %dma_start3A_64 = arith.constant 0 : i32
      %dma_start3A_65 = arith.constant 0 : i32
      %dma_start3A_66 = tpu.memref_slice %arg8[%dma_start3A_64, %dma_start3A_65] : memref<32x128xf32, #tpu.memory_space<vmem>> -> memref<32x128xf32, #tpu.memory_space<vmem>>
      %dma_start3A_67 = arith.constant 0 : i32
      %dma_start3A_68 = tpu.memref_slice %arg10[%add3A_8, %dma_start3A_67] : memref<10240x128xf32, #tpu.memory_space<vmem_shared>> -> memref<32x128xf32, #tpu.memory_space<vmem_shared>>
      %dma_start3A_69 = arith.constant 0 : i32
      %dma_start3A_70 = tpu.memref_slice %arg10[%add3A_8, %dma_start3A_69] : memref<10240x128xf32, #tpu.memory_space<vmem_shared>> -> memref<32x128xf32, #tpu.memory_space<vmem_shared>>
      %dma_start3A_71 = arith.constant 0 : i32
      %dma_start3A_72 = arith.constant 0 : i32
      %dma_start3A_73 = tpu.memref_slice %arg8[%dma_start3A_71, %dma_start3A_72] : memref<32x128xf32, #tpu.memory_space<vmem>> -> memref<32x128xf32, #tpu.memory_space<vmem>>
      tpu.enqueue_dma source(%dma_start3A_73 : memref<32x128xf32, #tpu.memory_space<vmem>>) target(%dma_start3A_70 : memref<32x128xf32, #tpu.memory_space<vmem_shared>>) target_semaphore(%run_scoped3A_63 : memref<!tpu.dma_semaphore, #tpu.memory_space<semaphore_mem>>)
      %dma_wait3A_74 = arith.constant 0 : i32
      %dma_wait3A_75 = arith.constant 0 : i32
      %dma_wait3A_76 = tpu.memref_slice %arg8[%dma_wait3A_74, %dma_wait3A_75] : memref<32x128xf32, #tpu.memory_space<vmem>> -> memref<32x128xf32, #tpu.memory_space<vmem>>
      %dma_wait3A_77 = arith.constant 0 : i32
      %dma_wait3A_78 = tpu.memref_slice %arg10[%add3A_8, %dma_wait3A_77] : memref<10240x128xf32, #tpu.memory_space<vmem_shared>> -> memref<32x128xf32, #tpu.memory_space<vmem_shared>>
      %dma_wait3A_79 = arith.constant 0 : i32
      %dma_wait3A_80 = tpu.memref_slice %arg10[%add3A_8, %dma_wait3A_79] : memref<10240x128xf32, #tpu.memory_space<vmem_shared>> -> memref<32x128xf32, #tpu.memory_space<vmem_shared>>
      %dma_wait3A_81 = arith.constant 0 : i32
      %dma_wait3A_82 = arith.constant 0 : i32
      %dma_wait3A_83 = tpu.memref_slice %arg8[%dma_wait3A_81, %dma_wait3A_82] : memref<32x128xf32, #tpu.memory_space<vmem>> -> memref<32x128xf32, #tpu.memory_space<vmem>>
      tpu.wait_dma2 semaphore(%run_scoped3A_63 : memref<!tpu.dma_semaphore, #tpu.memory_space<semaphore_mem>>) src(%dma_wait3A_83 : memref<32x128xf32, #tpu.memory_space<vmem>>) dst(%dma_wait3A_80 : memref<32x128xf32, #tpu.memory_space<vmem_shared>>)
      tpu.yield
    }) : () -> ()
    %add3A_9 = arith.constant 64 : i32
    %add3A_10 = arith.addi %mul3A_0, %add3A_9 : i32
    "tpu.region"() ({
      %run_scoped3A_63 = tpu.sem_alloc : memref<!tpu.dma_semaphore, #tpu.memory_space<semaphore_mem>>
      %dma_start3A_64 = arith.constant 0 : i32
      %dma_start3A_65 = arith.constant 0 : i32
      %dma_start3A_66 = tpu.memref_slice %arg8[%dma_start3A_64, %dma_start3A_65] : memref<32x128xf32, #tpu.memory_space<vmem>> -> memref<32x128xf32, #tpu.memory_space<vmem>>
      %dma_start3A_67 = arith.constant 0 : i32
      %dma_start3A_68 = tpu.memref_slice %arg10[%add3A_10, %dma_start3A_67] : memref<10240x128xf32, #tpu.memory_space<vmem_shared>> -> memref<32x128xf32, #tpu.memory_space<vmem_shared>>
      %dma_start3A_69 = arith.constant 0 : i32
      %dma_start3A_70 = tpu.memref_slice %arg10[%add3A_10, %dma_start3A_69] : memref<10240x128xf32, #tpu.memory_space<vmem_shared>> -> memref<32x128xf32, #tpu.memory_space<vmem_shared>>
      %dma_start3A_71 = arith.constant 0 : i32
      %dma_start3A_72 = arith.constant 0 : i32
      %dma_start3A_73 = tpu.memref_slice %arg8[%dma_start3A_71, %dma_start3A_72] : memref<32x128xf32, #tpu.memory_space<vmem>> -> memref<32x128xf32, #tpu.memory_space<vmem>>
      tpu.enqueue_dma source(%dma_start3A_73 : memref<32x128xf32, #tpu.memory_space<vmem>>) target(%dma_start3A_70 : memref<32x128xf32, #tpu.memory_space<vmem_shared>>) target_semaphore(%run_scoped3A_63 : memref<!tpu.dma_semaphore, #tpu.memory_space<semaphore_mem>>)
      %dma_wait3A_74 = arith.constant 0 : i32
      %dma_wait3A_75 = arith.constant 0 : i32
      %dma_wait3A_76 = tpu.memref_slice %arg8[%dma_wait3A_74, %dma_wait3A_75] : memref<32x128xf32, #tpu.memory_space<vmem>> -> memref<32x128xf32, #tpu.memory_space<vmem>>
      %dma_wait3A_77 = arith.constant 0 : i32
      %dma_wait3A_78 = tpu.memref_slice %arg10[%add3A_10, %dma_wait3A_77] : memref<10240x128xf32, #tpu.memory_space<vmem_shared>> -> memref<32x128xf32, #tpu.memory_space<vmem_shared>>
      %dma_wait3A_79 = arith.constant 0 : i32
      %dma_wait3A_80 = tpu.memref_slice %arg10[%add3A_10, %dma_wait3A_79] : memref<10240x128xf32, #tpu.memory_space<vmem_shared>> -> memref<32x128xf32, #tpu.memory_space<vmem_shared>>
      %dma_wait3A_81 = arith.constant 0 : i32
      %dma_wait3A_82 = arith.constant 0 : i32
      %dma_wait3A_83 = tpu.memref_slice %arg8[%dma_wait3A_81, %dma_wait3A_82] : memref<32x128xf32, #tpu.memory_space<vmem>> -> memref<32x128xf32, #tpu.memory_space<vmem>>
      tpu.wait_dma2 semaphore(%run_scoped3A_63 : memref<!tpu.dma_semaphore, #tpu.memory_space<semaphore_mem>>) src(%dma_wait3A_83 : memref<32x128xf32, #tpu.memory_space<vmem>>) dst(%dma_wait3A_80 : memref<32x128xf32, #tpu.memory_space<vmem_shared>>)
      tpu.yield
    }) : () -> ()
    %add3A_11 = arith.constant 96 : i32
    %add3A_12 = arith.addi %mul3A_0, %add3A_11 : i32
    "tpu.region"() ({
      %run_scoped3A_63 = tpu.sem_alloc : memref<!tpu.dma_semaphore, #tpu.memory_space<semaphore_mem>>
      %dma_start3A_64 = arith.constant 0 : i32
      %dma_start3A_65 = arith.constant 0 : i32
      %dma_start3A_66 = tpu.memref_slice %arg8[%dma_start3A_64, %dma_start3A_65] : memref<32x128xf32, #tpu.memory_space<vmem>> -> memref<32x128xf32, #tpu.memory_space<vmem>>
      %dma_start3A_67 = arith.constant 0 : i32
      %dma_start3A_68 = tpu.memref_slice %arg10[%add3A_12, %dma_start3A_67] : memref<10240x128xf32, #tpu.memory_space<vmem_shared>> -> memref<32x128xf32, #tpu.memory_space<vmem_shared>>
      %dma_start3A_69 = arith.constant 0 : i32
      %dma_start3A_70 = tpu.memref_slice %arg10[%add3A_12, %dma_start3A_69] : memref<10240x128xf32, #tpu.memory_space<vmem_shared>> -> memref<32x128xf32, #tpu.memory_space<vmem_shared>>
      %dma_start3A_71 = arith.constant 0 : i32
      %dma_start3A_72 = arith.constant 0 : i32
      %dma_start3A_73 = tpu.memref_slice %arg8[%dma_start3A_71, %dma_start3A_72] : memref<32x128xf32, #tpu.memory_space<vmem>> -> memref<32x128xf32, #tpu.memory_space<vmem>>
      tpu.enqueue_dma source(%dma_start3A_73 : memref<32x128xf32, #tpu.memory_space<vmem>>) target(%dma_start3A_70 : memref<32x128xf32, #tpu.memory_space<vmem_shared>>) target_semaphore(%run_scoped3A_63 : memref<!tpu.dma_semaphore, #tpu.memory_space<semaphore_mem>>)
      %dma_wait3A_74 = arith.constant 0 : i32
      %dma_wait3A_75 = arith.constant 0 : i32
      %dma_wait3A_76 = tpu.memref_slice %arg8[%dma_wait3A_74, %dma_wait3A_75] : memref<32x128xf32, #tpu.memory_space<vmem>> -> memref<32x128xf32, #tpu.memory_space<vmem>>
      %dma_wait3A_77 = arith.constant 0 : i32
      %dma_wait3A_78 = tpu.memref_slice %arg10[%add3A_12, %dma_wait3A_77] : memref<10240x128xf32, #tpu.memory_space<vmem_shared>> -> memref<32x128xf32, #tpu.memory_space<vmem_shared>>
      %dma_wait3A_79 = arith.constant 0 : i32
      %dma_wait3A_80 = tpu.memref_slice %arg10[%add3A_12, %dma_wait3A_79] : memref<10240x128xf32, #tpu.memory_space<vmem_shared>> -> memref<32x128xf32, #tpu.memory_space<vmem_shared>>
      %dma_wait3A_81 = arith.constant 0 : i32
      %dma_wait3A_82 = arith.constant 0 : i32
      %dma_wait3A_83 = tpu.memref_slice %arg8[%dma_wait3A_81, %dma_wait3A_82] : memref<32x128xf32, #tpu.memory_space<vmem>> -> memref<32x128xf32, #tpu.memory_space<vmem>>
      tpu.wait_dma2 semaphore(%run_scoped3A_63 : memref<!tpu.dma_semaphore, #tpu.memory_space<semaphore_mem>>) src(%dma_wait3A_83 : memref<32x128xf32, #tpu.memory_space<vmem>>) dst(%dma_wait3A_80 : memref<32x128xf32, #tpu.memory_space<vmem_shared>>)
      tpu.yield
    }) : () -> ()
    %add3A_13 = arith.constant 128 : i32
    %add3A_14 = arith.addi %mul3A_0, %add3A_13 : i32
    "tpu.region"() ({
      %run_scoped3A_63 = tpu.sem_alloc : memref<!tpu.dma_semaphore, #tpu.memory_space<semaphore_mem>>
      %dma_start3A_64 = arith.constant 0 : i32
      %dma_start3A_65 = arith.constant 0 : i32
      %dma_start3A_66 = tpu.memref_slice %arg8[%dma_start3A_64, %dma_start3A_65] : memref<32x128xf32, #tpu.memory_space<vmem>> -> memref<32x128xf32, #tpu.memory_space<vmem>>
      %dma_start3A_67 = arith.constant 0 : i32
      %dma_start3A_68 = tpu.memref_slice %arg10[%add3A_14, %dma_start3A_67] : memref<10240x128xf32, #tpu.memory_space<vmem_shared>> -> memref<32x128xf32, #tpu.memory_space<vmem_shared>>
      %dma_start3A_69 = arith.constant 0 : i32
      %dma_start3A_70 = tpu.memref_slice %arg10[%add3A_14, %dma_start3A_69] : memref<10240x128xf32, #tpu.memory_space<vmem_shared>> -> memref<32x128xf32, #tpu.memory_space<vmem_shared>>
      %dma_start3A_71 = arith.constant 0 : i32
      %dma_start3A_72 = arith.constant 0 : i32
      %dma_start3A_73 = tpu.memref_slice %arg8[%dma_start3A_71, %dma_start3A_72] : memref<32x128xf32, #tpu.memory_space<vmem>> -> memref<32x128xf32, #tpu.memory_space<vmem>>
      tpu.enqueue_dma source(%dma_start3A_73 : memref<32x128xf32, #tpu.memory_space<vmem>>) target(%dma_start3A_70 : memref<32x128xf32, #tpu.memory_space<vmem_shared>>) target_semaphore(%run_scoped3A_63 : memref<!tpu.dma_semaphore, #tpu.memory_space<semaphore_mem>>)
      %dma_wait3A_74 = arith.constant 0 : i32
      %dma_wait3A_75 = arith.constant 0 : i32
      %dma_wait3A_76 = tpu.memref_slice %arg8[%dma_wait3A_74, %dma_wait3A_75] : memref<32x128xf32, #tpu.memory_space<vmem>> -> memref<32x128xf32, #tpu.memory_space<vmem>>
      %dma_wait3A_77 = arith.constant 0 : i32
      %dma_wait3A_78 = tpu.memref_slice %arg10[%add3A_14, %dma_wait3A_77] : memref<10240x128xf32, #tpu.memory_space<vmem_shared>> -> memref<32x128xf32, #tpu.memory_space<vmem_shared>>
      %dma_wait3A_79 = arith.constant 0 : i32
      %dma_wait3A_80 = tpu.memref_slice %arg10[%add3A_14, %dma_wait3A_79] : memref<10240x128xf32, #tpu.memory_space<vmem_shared>> -> memref<32x128xf32, #tpu.memory_space<vmem_shared>>
      %dma_wait3A_81 = arith.constant 0 : i32
      %dma_wait3A_82 = arith.constant 0 : i32
      %dma_wait3A_83 = tpu.memref_slice %arg8[%dma_wait3A_81, %dma_wait3A_82] : memref<32x128xf32, #tpu.memory_space<vmem>> -> memref<32x128xf32, #tpu.memory_space<vmem>>
      tpu.wait_dma2 semaphore(%run_scoped3A_63 : memref<!tpu.dma_semaphore, #tpu.memory_space<semaphore_mem>>) src(%dma_wait3A_83 : memref<32x128xf32, #tpu.memory_space<vmem>>) dst(%dma_wait3A_80 : memref<32x128xf32, #tpu.memory_space<vmem_shared>>)
      tpu.yield
    }) : () -> ()
    %add3A_15 = arith.constant 160 : i32
    %add3A_16 = arith.addi %mul3A_0, %add3A_15 : i32
    "tpu.region"() ({
      %run_scoped3A_63 = tpu.sem_alloc : memref<!tpu.dma_semaphore, #tpu.memory_space<semaphore_mem>>
      %dma_start3A_64 = arith.constant 0 : i32
      %dma_start3A_65 = arith.constant 0 : i32
      %dma_start3A_66 = tpu.memref_slice %arg8[%dma_start3A_64, %dma_start3A_65] : memref<32x128xf32, #tpu.memory_space<vmem>> -> memref<32x128xf32, #tpu.memory_space<vmem>>
      %dma_start3A_67 = arith.constant 0 : i32
      %dma_start3A_68 = tpu.memref_slice %arg10[%add3A_16, %dma_start3A_67] : memref<10240x128xf32, #tpu.memory_space<vmem_shared>> -> memref<32x128xf32, #tpu.memory_space<vmem_shared>>
      %dma_start3A_69 = arith.constant 0 : i32
      %dma_start3A_70 = tpu.memref_slice %arg10[%add3A_16, %dma_start3A_69] : memref<10240x128xf32, #tpu.memory_space<vmem_shared>> -> memref<32x128xf32, #tpu.memory_space<vmem_shared>>
      %dma_start3A_71 = arith.constant 0 : i32
      %dma_start3A_72 = arith.constant 0 : i32
      %dma_start3A_73 = tpu.memref_slice %arg8[%dma_start3A_71, %dma_start3A_72] : memref<32x128xf32, #tpu.memory_space<vmem>> -> memref<32x128xf32, #tpu.memory_space<vmem>>
      tpu.enqueue_dma source(%dma_start3A_73 : memref<32x128xf32, #tpu.memory_space<vmem>>) target(%dma_start3A_70 : memref<32x128xf32, #tpu.memory_space<vmem_shared>>) target_semaphore(%run_scoped3A_63 : memref<!tpu.dma_semaphore, #tpu.memory_space<semaphore_mem>>)
      %dma_wait3A_74 = arith.constant 0 : i32
      %dma_wait3A_75 = arith.constant 0 : i32
      %dma_wait3A_76 = tpu.memref_slice %arg8[%dma_wait3A_74, %dma_wait3A_75] : memref<32x128xf32, #tpu.memory_space<vmem>> -> memref<32x128xf32, #tpu.memory_space<vmem>>
      %dma_wait3A_77 = arith.constant 0 : i32
      %dma_wait3A_78 = tpu.memref_slice %arg10[%add3A_16, %dma_wait3A_77] : memref<10240x128xf32, #tpu.memory_space<vmem_shared>> -> memref<32x128xf32, #tpu.memory_space<vmem_shared>>
      %dma_wait3A_79 = arith.constant 0 : i32
      %dma_wait3A_80 = tpu.memref_slice %arg10[%add3A_16, %dma_wait3A_79] : memref<10240x128xf32, #tpu.memory_space<vmem_shared>> -> memref<32x128xf32, #tpu.memory_space<vmem_shared>>
      %dma_wait3A_81 = arith.constant 0 : i32
      %dma_wait3A_82 = arith.constant 0 : i32
      %dma_wait3A_83 = tpu.memref_slice %arg8[%dma_wait3A_81, %dma_wait3A_82] : memref<32x128xf32, #tpu.memory_space<vmem>> -> memref<32x128xf32, #tpu.memory_space<vmem>>
      tpu.wait_dma2 semaphore(%run_scoped3A_63 : memref<!tpu.dma_semaphore, #tpu.memory_space<semaphore_mem>>) src(%dma_wait3A_83 : memref<32x128xf32, #tpu.memory_space<vmem>>) dst(%dma_wait3A_80 : memref<32x128xf32, #tpu.memory_space<vmem_shared>>)
      tpu.yield
    }) : () -> ()
    %add3A_17 = arith.constant 192 : i32
    %add3A_18 = arith.addi %mul3A_0, %add3A_17 : i32
    "tpu.region"() ({
      %run_scoped3A_63 = tpu.sem_alloc : memref<!tpu.dma_semaphore, #tpu.memory_space<semaphore_mem>>
      %dma_start3A_64 = arith.constant 0 : i32
      %dma_start3A_65 = arith.constant 0 : i32
      %dma_start3A_66 = tpu.memref_slice %arg8[%dma_start3A_64, %dma_start3A_65] : memref<32x128xf32, #tpu.memory_space<vmem>> -> memref<32x128xf32, #tpu.memory_space<vmem>>
      %dma_start3A_67 = arith.constant 0 : i32
      %dma_start3A_68 = tpu.memref_slice %arg10[%add3A_18, %dma_start3A_67] : memref<10240x128xf32, #tpu.memory_space<vmem_shared>> -> memref<32x128xf32, #tpu.memory_space<vmem_shared>>
      %dma_start3A_69 = arith.constant 0 : i32
      %dma_start3A_70 = tpu.memref_slice %arg10[%add3A_18, %dma_start3A_69] : memref<10240x128xf32, #tpu.memory_space<vmem_shared>> -> memref<32x128xf32, #tpu.memory_space<vmem_shared>>
      %dma_start3A_71 = arith.constant 0 : i32
      %dma_start3A_72 = arith.constant 0 : i32
      %dma_start3A_73 = tpu.memref_slice %arg8[%dma_start3A_71, %dma_start3A_72] : memref<32x128xf32, #tpu.memory_space<vmem>> -> memref<32x128xf32, #tpu.memory_space<vmem>>
      tpu.enqueue_dma source(%dma_start3A_73 : memref<32x128xf32, #tpu.memory_space<vmem>>) target(%dma_start3A_70 : memref<32x128xf32, #tpu.memory_space<vmem_shared>>) target_semaphore(%run_scoped3A_63 : memref<!tpu.dma_semaphore, #tpu.memory_space<semaphore_mem>>)
      %dma_wait3A_74 = arith.constant 0 : i32
      %dma_wait3A_75 = arith.constant 0 : i32
      %dma_wait3A_76 = tpu.memref_slice %arg8[%dma_wait3A_74, %dma_wait3A_75] : memref<32x128xf32, #tpu.memory_space<vmem>> -> memref<32x128xf32, #tpu.memory_space<vmem>>
      %dma_wait3A_77 = arith.constant 0 : i32
      %dma_wait3A_78 = tpu.memref_slice %arg10[%add3A_18, %dma_wait3A_77] : memref<10240x128xf32, #tpu.memory_space<vmem_shared>> -> memref<32x128xf32, #tpu.memory_space<vmem_shared>>
      %dma_wait3A_79 = arith.constant 0 : i32
      %dma_wait3A_80 = tpu.memref_slice %arg10[%add3A_18, %dma_wait3A_79] : memref<10240x128xf32, #tpu.memory_space<vmem_shared>> -> memref<32x128xf32, #tpu.memory_space<vmem_shared>>
      %dma_wait3A_81 = arith.constant 0 : i32
      %dma_wait3A_82 = arith.constant 0 : i32
      %dma_wait3A_83 = tpu.memref_slice %arg8[%dma_wait3A_81, %dma_wait3A_82] : memref<32x128xf32, #tpu.memory_space<vmem>> -> memref<32x128xf32, #tpu.memory_space<vmem>>
      tpu.wait_dma2 semaphore(%run_scoped3A_63 : memref<!tpu.dma_semaphore, #tpu.memory_space<semaphore_mem>>) src(%dma_wait3A_83 : memref<32x128xf32, #tpu.memory_space<vmem>>) dst(%dma_wait3A_80 : memref<32x128xf32, #tpu.memory_space<vmem_shared>>)
      tpu.yield
    }) : () -> ()
    %add3A_19 = arith.constant 224 : i32
    %add3A_20 = arith.addi %mul3A_0, %add3A_19 : i32
    "tpu.region"() ({
      %run_scoped3A_63 = tpu.sem_alloc : memref<!tpu.dma_semaphore, #tpu.memory_space<semaphore_mem>>
      %dma_start3A_64 = arith.constant 0 : i32
      %dma_start3A_65 = arith.constant 0 : i32
      %dma_start3A_66 = tpu.memref_slice %arg8[%dma_start3A_64, %dma_start3A_65] : memref<32x128xf32, #tpu.memory_space<vmem>> -> memref<32x128xf32, #tpu.memory_space<vmem>>
      %dma_start3A_67 = arith.constant 0 : i32
      %dma_start3A_68 = tpu.memref_slice %arg10[%add3A_20, %dma_start3A_67] : memref<10240x128xf32, #tpu.memory_space<vmem_shared>> -> memref<32x128xf32, #tpu.memory_space<vmem_shared>>
      %dma_start3A_69 = arith.constant 0 : i32
      %dma_start3A_70 = tpu.memref_slice %arg10[%add3A_20, %dma_start3A_69] : memref<10240x128xf32, #tpu.memory_space<vmem_shared>> -> memref<32x128xf32, #tpu.memory_space<vmem_shared>>
      %dma_start3A_71 = arith.constant 0 : i32
      %dma_start3A_72 = arith.constant 0 : i32
      %dma_start3A_73 = tpu.memref_slice %arg8[%dma_start3A_71, %dma_start3A_72] : memref<32x128xf32, #tpu.memory_space<vmem>> -> memref<32x128xf32, #tpu.memory_space<vmem>>
      tpu.enqueue_dma source(%dma_start3A_73 : memref<32x128xf32, #tpu.memory_space<vmem>>) target(%dma_start3A_70 : memref<32x128xf32, #tpu.memory_space<vmem_shared>>) target_semaphore(%run_scoped3A_63 : memref<!tpu.dma_semaphore, #tpu.memory_space<semaphore_mem>>)
      %dma_wait3A_74 = arith.constant 0 : i32
      %dma_wait3A_75 = arith.constant 0 : i32
      %dma_wait3A_76 = tpu.memref_slice %arg8[%dma_wait3A_74, %dma_wait3A_75] : memref<32x128xf32, #tpu.memory_space<vmem>> -> memref<32x128xf32, #tpu.memory_space<vmem>>
      %dma_wait3A_77 = arith.constant 0 : i32
      %dma_wait3A_78 = tpu.memref_slice %arg10[%add3A_20, %dma_wait3A_77] : memref<10240x128xf32, #tpu.memory_space<vmem_shared>> -> memref<32x128xf32, #tpu.memory_space<vmem_shared>>
      %dma_wait3A_79 = arith.constant 0 : i32
      %dma_wait3A_80 = tpu.memref_slice %arg10[%add3A_20, %dma_wait3A_79] : memref<10240x128xf32, #tpu.memory_space<vmem_shared>> -> memref<32x128xf32, #tpu.memory_space<vmem_shared>>
      %dma_wait3A_81 = arith.constant 0 : i32
      %dma_wait3A_82 = arith.constant 0 : i32
      %dma_wait3A_83 = tpu.memref_slice %arg8[%dma_wait3A_81, %dma_wait3A_82] : memref<32x128xf32, #tpu.memory_space<vmem>> -> memref<32x128xf32, #tpu.memory_space<vmem>>
      tpu.wait_dma2 semaphore(%run_scoped3A_63 : memref<!tpu.dma_semaphore, #tpu.memory_space<semaphore_mem>>) src(%dma_wait3A_83 : memref<32x128xf32, #tpu.memory_space<vmem>>) dst(%dma_wait3A_80 : memref<32x128xf32, #tpu.memory_space<vmem_shared>>)
      tpu.yield
    }) : () -> ()
    %add3A_21 = arith.constant 256 : i32
    %add3A_22 = arith.addi %mul3A_0, %add3A_21 : i32
    "tpu.region"() ({
      %run_scoped3A_63 = tpu.sem_alloc : memref<!tpu.dma_semaphore, #tpu.memory_space<semaphore_mem>>
      %dma_start3A_64 = arith.constant 0 : i32
      %dma_start3A_65 = arith.constant 0 : i32
      %dma_start3A_66 = tpu.memref_slice %arg8[%dma_start3A_64, %dma_start3A_65] : memref<32x128xf32, #tpu.memory_space<vmem>> -> memref<32x128xf32, #tpu.memory_space<vmem>>
      %dma_start3A_67 = arith.constant 0 : i32
      %dma_start3A_68 = tpu.memref_slice %arg10[%add3A_22, %dma_start3A_67] : memref<10240x128xf32, #tpu.memory_space<vmem_shared>> -> memref<32x128xf32, #tpu.memory_space<vmem_shared>>
      %dma_start3A_69 = arith.constant 0 : i32
      %dma_start3A_70 = tpu.memref_slice %arg10[%add3A_22, %dma_start3A_69] : memref<10240x128xf32, #tpu.memory_space<vmem_shared>> -> memref<32x128xf32, #tpu.memory_space<vmem_shared>>
      %dma_start3A_71 = arith.constant 0 : i32
      %dma_start3A_72 = arith.constant 0 : i32
      %dma_start3A_73 = tpu.memref_slice %arg8[%dma_start3A_71, %dma_start3A_72] : memref<32x128xf32, #tpu.memory_space<vmem>> -> memref<32x128xf32, #tpu.memory_space<vmem>>
      tpu.enqueue_dma source(%dma_start3A_73 : memref<32x128xf32, #tpu.memory_space<vmem>>) target(%dma_start3A_70 : memref<32x128xf32, #tpu.memory_space<vmem_shared>>) target_semaphore(%run_scoped3A_63 : memref<!tpu.dma_semaphore, #tpu.memory_space<semaphore_mem>>)
      %dma_wait3A_74 = arith.constant 0 : i32
      %dma_wait3A_75 = arith.constant 0 : i32
      %dma_wait3A_76 = tpu.memref_slice %arg8[%dma_wait3A_74, %dma_wait3A_75] : memref<32x128xf32, #tpu.memory_space<vmem>> -> memref<32x128xf32, #tpu.memory_space<vmem>>
      %dma_wait3A_77 = arith.constant 0 : i32
      %dma_wait3A_78 = tpu.memref_slice %arg10[%add3A_22, %dma_wait3A_77] : memref<10240x128xf32, #tpu.memory_space<vmem_shared>> -> memref<32x128xf32, #tpu.memory_space<vmem_shared>>
      %dma_wait3A_79 = arith.constant 0 : i32
      %dma_wait3A_80 = tpu.memref_slice %arg10[%add3A_22, %dma_wait3A_79] : memref<10240x128xf32, #tpu.memory_space<vmem_shared>> -> memref<32x128xf32, #tpu.memory_space<vmem_shared>>
      %dma_wait3A_81 = arith.constant 0 : i32
      %dma_wait3A_82 = arith.constant 0 : i32
      %dma_wait3A_83 = tpu.memref_slice %arg8[%dma_wait3A_81, %dma_wait3A_82] : memref<32x128xf32, #tpu.memory_space<vmem>> -> memref<32x128xf32, #tpu.memory_space<vmem>>
      tpu.wait_dma2 semaphore(%run_scoped3A_63 : memref<!tpu.dma_semaphore, #tpu.memory_space<semaphore_mem>>) src(%dma_wait3A_83 : memref<32x128xf32, #tpu.memory_space<vmem>>) dst(%dma_wait3A_80 : memref<32x128xf32, #tpu.memory_space<vmem_shared>>)
      tpu.yield
    }) : () -> ()
    %add3A_23 = arith.constant 288 : i32
    %add3A_24 = arith.addi %mul3A_0, %add3A_23 : i32
    "tpu.region"() ({
      %run_scoped3A_63 = tpu.sem_alloc : memref<!tpu.dma_semaphore, #tpu.memory_space<semaphore_mem>>
      %dma_start3A_64 = arith.constant 0 : i32
      %dma_start3A_65 = arith.constant 0 : i32
      %dma_start3A_66 = tpu.memref_slice %arg8[%dma_start3A_64, %dma_start3A_65] : memref<32x128xf32, #tpu.memory_space<vmem>> -> memref<32x128xf32, #tpu.memory_space<vmem>>
      %dma_start3A_67 = arith.constant 0 : i32
      %dma_start3A_68 = tpu.memref_slice %arg10[%add3A_24, %dma_start3A_67] : memref<10240x128xf32, #tpu.memory_space<vmem_shared>> -> memref<32x128xf32, #tpu.memory_space<vmem_shared>>
      %dma_start3A_69 = arith.constant 0 : i32
      %dma_start3A_70 = tpu.memref_slice %arg10[%add3A_24, %dma_start3A_69] : memref<10240x128xf32, #tpu.memory_space<vmem_shared>> -> memref<32x128xf32, #tpu.memory_space<vmem_shared>>
      %dma_start3A_71 = arith.constant 0 : i32
      %dma_start3A_72 = arith.constant 0 : i32
      %dma_start3A_73 = tpu.memref_slice %arg8[%dma_start3A_71, %dma_start3A_72] : memref<32x128xf32, #tpu.memory_space<vmem>> -> memref<32x128xf32, #tpu.memory_space<vmem>>
      tpu.enqueue_dma source(%dma_start3A_73 : memref<32x128xf32, #tpu.memory_space<vmem>>) target(%dma_start3A_70 : memref<32x128xf32, #tpu.memory_space<vmem_shared>>) target_semaphore(%run_scoped3A_63 : memref<!tpu.dma_semaphore, #tpu.memory_space<semaphore_mem>>)
      %dma_wait3A_74 = arith.constant 0 : i32
      %dma_wait3A_75 = arith.constant 0 : i32
      %dma_wait3A_76 = tpu.memref_slice %arg8[%dma_wait3A_74, %dma_wait3A_75] : memref<32x128xf32, #tpu.memory_space<vmem>> -> memref<32x128xf32, #tpu.memory_space<vmem>>
      %dma_wait3A_77 = arith.constant 0 : i32
      %dma_wait3A_78 = tpu.memref_slice %arg10[%add3A_24, %dma_wait3A_77] : memref<10240x128xf32, #tpu.memory_space<vmem_shared>> -> memref<32x128xf32, #tpu.memory_space<vmem_shared>>
      %dma_wait3A_79 = arith.constant 0 : i32
      %dma_wait3A_80 = tpu.memref_slice %arg10[%add3A_24, %dma_wait3A_79] : memref<10240x128xf32, #tpu.memory_space<vmem_shared>> -> memref<32x128xf32, #tpu.memory_space<vmem_shared>>
      %dma_wait3A_81 = arith.constant 0 : i32
      %dma_wait3A_82 = arith.constant 0 : i32
      %dma_wait3A_83 = tpu.memref_slice %arg8[%dma_wait3A_81, %dma_wait3A_82] : memref<32x128xf32, #tpu.memory_space<vmem>> -> memref<32x128xf32, #tpu.memory_space<vmem>>
      tpu.wait_dma2 semaphore(%run_scoped3A_63 : memref<!tpu.dma_semaphore, #tpu.memory_space<semaphore_mem>>) src(%dma_wait3A_83 : memref<32x128xf32, #tpu.memory_space<vmem>>) dst(%dma_wait3A_80 : memref<32x128xf32, #tpu.memory_space<vmem_shared>>)
      tpu.yield
    }) : () -> ()
    %add3A_25 = arith.constant 320 : i32
    %add3A_26 = arith.addi %mul3A_0, %add3A_25 : i32
    "tpu.region"() ({
      %run_scoped3A_63 = tpu.sem_alloc : memref<!tpu.dma_semaphore, #tpu.memory_space<semaphore_mem>>
      %dma_start3A_64 = arith.constant 0 : i32
      %dma_start3A_65 = arith.constant 0 : i32
      %dma_start3A_66 = tpu.memref_slice %arg8[%dma_start3A_64, %dma_start3A_65] : memref<32x128xf32, #tpu.memory_space<vmem>> -> memref<32x128xf32, #tpu.memory_space<vmem>>
      %dma_start3A_67 = arith.constant 0 : i32
      %dma_start3A_68 = tpu.memref_slice %arg10[%add3A_26, %dma_start3A_67] : memref<10240x128xf32, #tpu.memory_space<vmem_shared>> -> memref<32x128xf32, #tpu.memory_space<vmem_shared>>
      %dma_start3A_69 = arith.constant 0 : i32
      %dma_start3A_70 = tpu.memref_slice %arg10[%add3A_26, %dma_start3A_69] : memref<10240x128xf32, #tpu.memory_space<vmem_shared>> -> memref<32x128xf32, #tpu.memory_space<vmem_shared>>
      %dma_start3A_71 = arith.constant 0 : i32
      %dma_start3A_72 = arith.constant 0 : i32
      %dma_start3A_73 = tpu.memref_slice %arg8[%dma_start3A_71, %dma_start3A_72] : memref<32x128xf32, #tpu.memory_space<vmem>> -> memref<32x128xf32, #tpu.memory_space<vmem>>
      tpu.enqueue_dma source(%dma_start3A_73 : memref<32x128xf32, #tpu.memory_space<vmem>>) target(%dma_start3A_70 : memref<32x128xf32, #tpu.memory_space<vmem_shared>>) target_semaphore(%run_scoped3A_63 : memref<!tpu.dma_semaphore, #tpu.memory_space<semaphore_mem>>)
      %dma_wait3A_74 = arith.constant 0 : i32
      %dma_wait3A_75 = arith.constant 0 : i32
      %dma_wait3A_76 = tpu.memref_slice %arg8[%dma_wait3A_74, %dma_wait3A_75] : memref<32x128xf32, #tpu.memory_space<vmem>> -> memref<32x128xf32, #tpu.memory_space<vmem>>
      %dma_wait3A_77 = arith.constant 0 : i32
      %dma_wait3A_78 = tpu.memref_slice %arg10[%add3A_26, %dma_wait3A_77] : memref<10240x128xf32, #tpu.memory_space<vmem_shared>> -> memref<32x128xf32, #tpu.memory_space<vmem_shared>>
      %dma_wait3A_79 = arith.constant 0 : i32
      %dma_wait3A_80 = tpu.memref_slice %arg10[%add3A_26, %dma_wait3A_79] : memref<10240x128xf32, #tpu.memory_space<vmem_shared>> -> memref<32x128xf32, #tpu.memory_space<vmem_shared>>
      %dma_wait3A_81 = arith.constant 0 : i32
      %dma_wait3A_82 = arith.constant 0 : i32
      %dma_wait3A_83 = tpu.memref_slice %arg8[%dma_wait3A_81, %dma_wait3A_82] : memref<32x128xf32, #tpu.memory_space<vmem>> -> memref<32x128xf32, #tpu.memory_space<vmem>>
      tpu.wait_dma2 semaphore(%run_scoped3A_63 : memref<!tpu.dma_semaphore, #tpu.memory_space<semaphore_mem>>) src(%dma_wait3A_83 : memref<32x128xf32, #tpu.memory_space<vmem>>) dst(%dma_wait3A_80 : memref<32x128xf32, #tpu.memory_space<vmem_shared>>)
      tpu.yield
    }) : () -> ()
    %add3A_27 = arith.constant 352 : i32
    %add3A_28 = arith.addi %mul3A_0, %add3A_27 : i32
    "tpu.region"() ({
      %run_scoped3A_63 = tpu.sem_alloc : memref<!tpu.dma_semaphore, #tpu.memory_space<semaphore_mem>>
      %dma_start3A_64 = arith.constant 0 : i32
      %dma_start3A_65 = arith.constant 0 : i32
      %dma_start3A_66 = tpu.memref_slice %arg8[%dma_start3A_64, %dma_start3A_65] : memref<32x128xf32, #tpu.memory_space<vmem>> -> memref<32x128xf32, #tpu.memory_space<vmem>>
      %dma_start3A_67 = arith.constant 0 : i32
      %dma_start3A_68 = tpu.memref_slice %arg10[%add3A_28, %dma_start3A_67] : memref<10240x128xf32, #tpu.memory_space<vmem_shared>> -> memref<32x128xf32, #tpu.memory_space<vmem_shared>>
      %dma_start3A_69 = arith.constant 0 : i32
      %dma_start3A_70 = tpu.memref_slice %arg10[%add3A_28, %dma_start3A_69] : memref<10240x128xf32, #tpu.memory_space<vmem_shared>> -> memref<32x128xf32, #tpu.memory_space<vmem_shared>>
      %dma_start3A_71 = arith.constant 0 : i32
      %dma_start3A_72 = arith.constant 0 : i32
      %dma_start3A_73 = tpu.memref_slice %arg8[%dma_start3A_71, %dma_start3A_72] : memref<32x128xf32, #tpu.memory_space<vmem>> -> memref<32x128xf32, #tpu.memory_space<vmem>>
      tpu.enqueue_dma source(%dma_start3A_73 : memref<32x128xf32, #tpu.memory_space<vmem>>) target(%dma_start3A_70 : memref<32x128xf32, #tpu.memory_space<vmem_shared>>) target_semaphore(%run_scoped3A_63 : memref<!tpu.dma_semaphore, #tpu.memory_space<semaphore_mem>>)
      %dma_wait3A_74 = arith.constant 0 : i32
      %dma_wait3A_75 = arith.constant 0 : i32
      %dma_wait3A_76 = tpu.memref_slice %arg8[%dma_wait3A_74, %dma_wait3A_75] : memref<32x128xf32, #tpu.memory_space<vmem>> -> memref<32x128xf32, #tpu.memory_space<vmem>>
      %dma_wait3A_77 = arith.constant 0 : i32
      %dma_wait3A_78 = tpu.memref_slice %arg10[%add3A_28, %dma_wait3A_77] : memref<10240x128xf32, #tpu.memory_space<vmem_shared>> -> memref<32x128xf32, #tpu.memory_space<vmem_shared>>
      %dma_wait3A_79 = arith.constant 0 : i32
      %dma_wait3A_80 = tpu.memref_slice %arg10[%add3A_28, %dma_wait3A_79] : memref<10240x128xf32, #tpu.memory_space<vmem_shared>> -> memref<32x128xf32, #tpu.memory_space<vmem_shared>>
      %dma_wait3A_81 = arith.constant 0 : i32
      %dma_wait3A_82 = arith.constant 0 : i32
      %dma_wait3A_83 = tpu.memref_slice %arg8[%dma_wait3A_81, %dma_wait3A_82] : memref<32x128xf32, #tpu.memory_space<vmem>> -> memref<32x128xf32, #tpu.memory_space<vmem>>
      tpu.wait_dma2 semaphore(%run_scoped3A_63 : memref<!tpu.dma_semaphore, #tpu.memory_space<semaphore_mem>>) src(%dma_wait3A_83 : memref<32x128xf32, #tpu.memory_space<vmem>>) dst(%dma_wait3A_80 : memref<32x128xf32, #tpu.memory_space<vmem_shared>>)
      tpu.yield
    }) : () -> ()
    %add3A_29 = arith.constant 384 : i32
    %add3A_30 = arith.addi %mul3A_0, %add3A_29 : i32
    "tpu.region"() ({
      %run_scoped3A_63 = tpu.sem_alloc : memref<!tpu.dma_semaphore, #tpu.memory_space<semaphore_mem>>
      %dma_start3A_64 = arith.constant 0 : i32
      %dma_start3A_65 = arith.constant 0 : i32
      %dma_start3A_66 = tpu.memref_slice %arg8[%dma_start3A_64, %dma_start3A_65] : memref<32x128xf32, #tpu.memory_space<vmem>> -> memref<32x128xf32, #tpu.memory_space<vmem>>
      %dma_start3A_67 = arith.constant 0 : i32
      %dma_start3A_68 = tpu.memref_slice %arg10[%add3A_30, %dma_start3A_67] : memref<10240x128xf32, #tpu.memory_space<vmem_shared>> -> memref<32x128xf32, #tpu.memory_space<vmem_shared>>
      %dma_start3A_69 = arith.constant 0 : i32
      %dma_start3A_70 = tpu.memref_slice %arg10[%add3A_30, %dma_start3A_69] : memref<10240x128xf32, #tpu.memory_space<vmem_shared>> -> memref<32x128xf32, #tpu.memory_space<vmem_shared>>
      %dma_start3A_71 = arith.constant 0 : i32
      %dma_start3A_72 = arith.constant 0 : i32
      %dma_start3A_73 = tpu.memref_slice %arg8[%dma_start3A_71, %dma_start3A_72] : memref<32x128xf32, #tpu.memory_space<vmem>> -> memref<32x128xf32, #tpu.memory_space<vmem>>
      tpu.enqueue_dma source(%dma_start3A_73 : memref<32x128xf32, #tpu.memory_space<vmem>>) target(%dma_start3A_70 : memref<32x128xf32, #tpu.memory_space<vmem_shared>>) target_semaphore(%run_scoped3A_63 : memref<!tpu.dma_semaphore, #tpu.memory_space<semaphore_mem>>)
      %dma_wait3A_74 = arith.constant 0 : i32
      %dma_wait3A_75 = arith.constant 0 : i32
      %dma_wait3A_76 = tpu.memref_slice %arg8[%dma_wait3A_74, %dma_wait3A_75] : memref<32x128xf32, #tpu.memory_space<vmem>> -> memref<32x128xf32, #tpu.memory_space<vmem>>
      %dma_wait3A_77 = arith.constant 0 : i32
      %dma_wait3A_78 = tpu.memref_slice %arg10[%add3A_30, %dma_wait3A_77] : memref<10240x128xf32, #tpu.memory_space<vmem_shared>> -> memref<32x128xf32, #tpu.memory_space<vmem_shared>>
      %dma_wait3A_79 = arith.constant 0 : i32
      %dma_wait3A_80 = tpu.memref_slice %arg10[%add3A_30, %dma_wait3A_79] : memref<10240x128xf32, #tpu.memory_space<vmem_shared>> -> memref<32x128xf32, #tpu.memory_space<vmem_shared>>
      %dma_wait3A_81 = arith.constant 0 : i32
      %dma_wait3A_82 = arith.constant 0 : i32
      %dma_wait3A_83 = tpu.memref_slice %arg8[%dma_wait3A_81, %dma_wait3A_82] : memref<32x128xf32, #tpu.memory_space<vmem>> -> memref<32x128xf32, #tpu.memory_space<vmem>>
      tpu.wait_dma2 semaphore(%run_scoped3A_63 : memref<!tpu.dma_semaphore, #tpu.memory_space<semaphore_mem>>) src(%dma_wait3A_83 : memref<32x128xf32, #tpu.memory_space<vmem>>) dst(%dma_wait3A_80 : memref<32x128xf32, #tpu.memory_space<vmem_shared>>)
      tpu.yield
    }) : () -> ()
    %add3A_31 = arith.constant 416 : i32
    %add3A_32 = arith.addi %mul3A_0, %add3A_31 : i32
    "tpu.region"() ({
      %run_scoped3A_63 = tpu.sem_alloc : memref<!tpu.dma_semaphore, #tpu.memory_space<semaphore_mem>>
      %dma_start3A_64 = arith.constant 0 : i32
      %dma_start3A_65 = arith.constant 0 : i32
      %dma_start3A_66 = tpu.memref_slice %arg8[%dma_start3A_64, %dma_start3A_65] : memref<32x128xf32, #tpu.memory_space<vmem>> -> memref<32x128xf32, #tpu.memory_space<vmem>>
      %dma_start3A_67 = arith.constant 0 : i32
      %dma_start3A_68 = tpu.memref_slice %arg10[%add3A_32, %dma_start3A_67] : memref<10240x128xf32, #tpu.memory_space<vmem_shared>> -> memref<32x128xf32, #tpu.memory_space<vmem_shared>>
      %dma_start3A_69 = arith.constant 0 : i32
      %dma_start3A_70 = tpu.memref_slice %arg10[%add3A_32, %dma_start3A_69] : memref<10240x128xf32, #tpu.memory_space<vmem_shared>> -> memref<32x128xf32, #tpu.memory_space<vmem_shared>>
      %dma_start3A_71 = arith.constant 0 : i32
      %dma_start3A_72 = arith.constant 0 : i32
      %dma_start3A_73 = tpu.memref_slice %arg8[%dma_start3A_71, %dma_start3A_72] : memref<32x128xf32, #tpu.memory_space<vmem>> -> memref<32x128xf32, #tpu.memory_space<vmem>>
      tpu.enqueue_dma source(%dma_start3A_73 : memref<32x128xf32, #tpu.memory_space<vmem>>) target(%dma_start3A_70 : memref<32x128xf32, #tpu.memory_space<vmem_shared>>) target_semaphore(%run_scoped3A_63 : memref<!tpu.dma_semaphore, #tpu.memory_space<semaphore_mem>>)
      %dma_wait3A_74 = arith.constant 0 : i32
      %dma_wait3A_75 = arith.constant 0 : i32
      %dma_wait3A_76 = tpu.memref_slice %arg8[%dma_wait3A_74, %dma_wait3A_75] : memref<32x128xf32, #tpu.memory_space<vmem>> -> memref<32x128xf32, #tpu.memory_space<vmem>>
      %dma_wait3A_77 = arith.constant 0 : i32
      %dma_wait3A_78 = tpu.memref_slice %arg10[%add3A_32, %dma_wait3A_77] : memref<10240x128xf32, #tpu.memory_space<vmem_shared>> -> memref<32x128xf32, #tpu.memory_space<vmem_shared>>
      %dma_wait3A_79 = arith.constant 0 : i32
      %dma_wait3A_80 = tpu.memref_slice %arg10[%add3A_32, %dma_wait3A_79] : memref<10240x128xf32, #tpu.memory_space<vmem_shared>> -> memref<32x128xf32, #tpu.memory_space<vmem_shared>>
      %dma_wait3A_81 = arith.constant 0 : i32
      %dma_wait3A_82 = arith.constant 0 : i32
      %dma_wait3A_83 = tpu.memref_slice %arg8[%dma_wait3A_81, %dma_wait3A_82] : memref<32x128xf32, #tpu.memory_space<vmem>> -> memref<32x128xf32, #tpu.memory_space<vmem>>
      tpu.wait_dma2 semaphore(%run_scoped3A_63 : memref<!tpu.dma_semaphore, #tpu.memory_space<semaphore_mem>>) src(%dma_wait3A_83 : memref<32x128xf32, #tpu.memory_space<vmem>>) dst(%dma_wait3A_80 : memref<32x128xf32, #tpu.memory_space<vmem_shared>>)
      tpu.yield
    }) : () -> ()
    %add3A_33 = arith.constant 448 : i32
    %add3A_34 = arith.addi %mul3A_0, %add3A_33 : i32
    "tpu.region"() ({
      %run_scoped3A_63 = tpu.sem_alloc : memref<!tpu.dma_semaphore, #tpu.memory_space<semaphore_mem>>
      %dma_start3A_64 = arith.constant 0 : i32
      %dma_start3A_65 = arith.constant 0 : i32
      %dma_start3A_66 = tpu.memref_slice %arg8[%dma_start3A_64, %dma_start3A_65] : memref<32x128xf32, #tpu.memory_space<vmem>> -> memref<32x128xf32, #tpu.memory_space<vmem>>
      %dma_start3A_67 = arith.constant 0 : i32
      %dma_start3A_68 = tpu.memref_slice %arg10[%add3A_34, %dma_start3A_67] : memref<10240x128xf32, #tpu.memory_space<vmem_shared>> -> memref<32x128xf32, #tpu.memory_space<vmem_shared>>
      %dma_start3A_69 = arith.constant 0 : i32
      %dma_start3A_70 = tpu.memref_slice %arg10[%add3A_34, %dma_start3A_69] : memref<10240x128xf32, #tpu.memory_space<vmem_shared>> -> memref<32x128xf32, #tpu.memory_space<vmem_shared>>
      %dma_start3A_71 = arith.constant 0 : i32
      %dma_start3A_72 = arith.constant 0 : i32
      %dma_start3A_73 = tpu.memref_slice %arg8[%dma_start3A_71, %dma_start3A_72] : memref<32x128xf32, #tpu.memory_space<vmem>> -> memref<32x128xf32, #tpu.memory_space<vmem>>
      tpu.enqueue_dma source(%dma_start3A_73 : memref<32x128xf32, #tpu.memory_space<vmem>>) target(%dma_start3A_70 : memref<32x128xf32, #tpu.memory_space<vmem_shared>>) target_semaphore(%run_scoped3A_63 : memref<!tpu.dma_semaphore, #tpu.memory_space<semaphore_mem>>)
      %dma_wait3A_74 = arith.constant 0 : i32
      %dma_wait3A_75 = arith.constant 0 : i32
      %dma_wait3A_76 = tpu.memref_slice %arg8[%dma_wait3A_74, %dma_wait3A_75] : memref<32x128xf32, #tpu.memory_space<vmem>> -> memref<32x128xf32, #tpu.memory_space<vmem>>
      %dma_wait3A_77 = arith.constant 0 : i32
      %dma_wait3A_78 = tpu.memref_slice %arg10[%add3A_34, %dma_wait3A_77] : memref<10240x128xf32, #tpu.memory_space<vmem_shared>> -> memref<32x128xf32, #tpu.memory_space<vmem_shared>>
      %dma_wait3A_79 = arith.constant 0 : i32
      %dma_wait3A_80 = tpu.memref_slice %arg10[%add3A_34, %dma_wait3A_79] : memref<10240x128xf32, #tpu.memory_space<vmem_shared>> -> memref<32x128xf32, #tpu.memory_space<vmem_shared>>
      %dma_wait3A_81 = arith.constant 0 : i32
      %dma_wait3A_82 = arith.constant 0 : i32
      %dma_wait3A_83 = tpu.memref_slice %arg8[%dma_wait3A_81, %dma_wait3A_82] : memref<32x128xf32, #tpu.memory_space<vmem>> -> memref<32x128xf32, #tpu.memory_space<vmem>>
      tpu.wait_dma2 semaphore(%run_scoped3A_63 : memref<!tpu.dma_semaphore, #tpu.memory_space<semaphore_mem>>) src(%dma_wait3A_83 : memref<32x128xf32, #tpu.memory_space<vmem>>) dst(%dma_wait3A_80 : memref<32x128xf32, #tpu.memory_space<vmem_shared>>)
      tpu.yield
    }) : () -> ()
    %add3A_35 = arith.constant 480 : i32
    %add3A_36 = arith.addi %mul3A_0, %add3A_35 : i32
    "tpu.region"() ({
      %run_scoped3A_63 = tpu.sem_alloc : memref<!tpu.dma_semaphore, #tpu.memory_space<semaphore_mem>>
      %dma_start3A_64 = arith.constant 0 : i32
      %dma_start3A_65 = arith.constant 0 : i32
      %dma_start3A_66 = tpu.memref_slice %arg8[%dma_start3A_64, %dma_start3A_65] : memref<32x128xf32, #tpu.memory_space<vmem>> -> memref<32x128xf32, #tpu.memory_space<vmem>>
      %dma_start3A_67 = arith.constant 0 : i32
      %dma_start3A_68 = tpu.memref_slice %arg10[%add3A_36, %dma_start3A_67] : memref<10240x128xf32, #tpu.memory_space<vmem_shared>> -> memref<32x128xf32, #tpu.memory_space<vmem_shared>>
      %dma_start3A_69 = arith.constant 0 : i32
      %dma_start3A_70 = tpu.memref_slice %arg10[%add3A_36, %dma_start3A_69] : memref<10240x128xf32, #tpu.memory_space<vmem_shared>> -> memref<32x128xf32, #tpu.memory_space<vmem_shared>>
      %dma_start3A_71 = arith.constant 0 : i32
      %dma_start3A_72 = arith.constant 0 : i32
      %dma_start3A_73 = tpu.memref_slice %arg8[%dma_start3A_71, %dma_start3A_72] : memref<32x128xf32, #tpu.memory_space<vmem>> -> memref<32x128xf32, #tpu.memory_space<vmem>>
      tpu.enqueue_dma source(%dma_start3A_73 : memref<32x128xf32, #tpu.memory_space<vmem>>) target(%dma_start3A_70 : memref<32x128xf32, #tpu.memory_space<vmem_shared>>) target_semaphore(%run_scoped3A_63 : memref<!tpu.dma_semaphore, #tpu.memory_space<semaphore_mem>>)
      %dma_wait3A_74 = arith.constant 0 : i32
      %dma_wait3A_75 = arith.constant 0 : i32
      %dma_wait3A_76 = tpu.memref_slice %arg8[%dma_wait3A_74, %dma_wait3A_75] : memref<32x128xf32, #tpu.memory_space<vmem>> -> memref<32x128xf32, #tpu.memory_space<vmem>>
      %dma_wait3A_77 = arith.constant 0 : i32
      %dma_wait3A_78 = tpu.memref_slice %arg10[%add3A_36, %dma_wait3A_77] : memref<10240x128xf32, #tpu.memory_space<vmem_shared>> -> memref<32x128xf32, #tpu.memory_space<vmem_shared>>
      %dma_wait3A_79 = arith.constant 0 : i32
      %dma_wait3A_80 = tpu.memref_slice %arg10[%add3A_36, %dma_wait3A_79] : memref<10240x128xf32, #tpu.memory_space<vmem_shared>> -> memref<32x128xf32, #tpu.memory_space<vmem_shared>>
      %dma_wait3A_81 = arith.constant 0 : i32
      %dma_wait3A_82 = arith.constant 0 : i32
      %dma_wait3A_83 = tpu.memref_slice %arg8[%dma_wait3A_81, %dma_wait3A_82] : memref<32x128xf32, #tpu.memory_space<vmem>> -> memref<32x128xf32, #tpu.memory_space<vmem>>
      tpu.wait_dma2 semaphore(%run_scoped3A_63 : memref<!tpu.dma_semaphore, #tpu.memory_space<semaphore_mem>>) src(%dma_wait3A_83 : memref<32x128xf32, #tpu.memory_space<vmem>>) dst(%dma_wait3A_80 : memref<32x128xf32, #tpu.memory_space<vmem_shared>>)
      tpu.yield
    }) : () -> ()
    %add3A_37 = arith.constant 512 : i32
    %add3A_38 = arith.addi %mul3A_0, %add3A_37 : i32
    "tpu.region"() ({
      %run_scoped3A_63 = tpu.sem_alloc : memref<!tpu.dma_semaphore, #tpu.memory_space<semaphore_mem>>
      %dma_start3A_64 = arith.constant 0 : i32
      %dma_start3A_65 = arith.constant 0 : i32
      %dma_start3A_66 = tpu.memref_slice %arg8[%dma_start3A_64, %dma_start3A_65] : memref<32x128xf32, #tpu.memory_space<vmem>> -> memref<32x128xf32, #tpu.memory_space<vmem>>
      %dma_start3A_67 = arith.constant 0 : i32
      %dma_start3A_68 = tpu.memref_slice %arg10[%add3A_38, %dma_start3A_67] : memref<10240x128xf32, #tpu.memory_space<vmem_shared>> -> memref<32x128xf32, #tpu.memory_space<vmem_shared>>
      %dma_start3A_69 = arith.constant 0 : i32
      %dma_start3A_70 = tpu.memref_slice %arg10[%add3A_38, %dma_start3A_69] : memref<10240x128xf32, #tpu.memory_space<vmem_shared>> -> memref<32x128xf32, #tpu.memory_space<vmem_shared>>
      %dma_start3A_71 = arith.constant 0 : i32
      %dma_start3A_72 = arith.constant 0 : i32
      %dma_start3A_73 = tpu.memref_slice %arg8[%dma_start3A_71, %dma_start3A_72] : memref<32x128xf32, #tpu.memory_space<vmem>> -> memref<32x128xf32, #tpu.memory_space<vmem>>
      tpu.enqueue_dma source(%dma_start3A_73 : memref<32x128xf32, #tpu.memory_space<vmem>>) target(%dma_start3A_70 : memref<32x128xf32, #tpu.memory_space<vmem_shared>>) target_semaphore(%run_scoped3A_63 : memref<!tpu.dma_semaphore, #tpu.memory_space<semaphore_mem>>)
      %dma_wait3A_74 = arith.constant 0 : i32
      %dma_wait3A_75 = arith.constant 0 : i32
      %dma_wait3A_76 = tpu.memref_slice %arg8[%dma_wait3A_74, %dma_wait3A_75] : memref<32x128xf32, #tpu.memory_space<vmem>> -> memref<32x128xf32, #tpu.memory_space<vmem>>
      %dma_wait3A_77 = arith.constant 0 : i32
      %dma_wait3A_78 = tpu.memref_slice %arg10[%add3A_38, %dma_wait3A_77] : memref<10240x128xf32, #tpu.memory_space<vmem_shared>> -> memref<32x128xf32, #tpu.memory_space<vmem_shared>>
      %dma_wait3A_79 = arith.constant 0 : i32
      %dma_wait3A_80 = tpu.memref_slice %arg10[%add3A_38, %dma_wait3A_79] : memref<10240x128xf32, #tpu.memory_space<vmem_shared>> -> memref<32x128xf32, #tpu.memory_space<vmem_shared>>
      %dma_wait3A_81 = arith.constant 0 : i32
      %dma_wait3A_82 = arith.constant 0 : i32
      %dma_wait3A_83 = tpu.memref_slice %arg8[%dma_wait3A_81, %dma_wait3A_82] : memref<32x128xf32, #tpu.memory_space<vmem>> -> memref<32x128xf32, #tpu.memory_space<vmem>>
      tpu.wait_dma2 semaphore(%run_scoped3A_63 : memref<!tpu.dma_semaphore, #tpu.memory_space<semaphore_mem>>) src(%dma_wait3A_83 : memref<32x128xf32, #tpu.memory_space<vmem>>) dst(%dma_wait3A_80 : memref<32x128xf32, #tpu.memory_space<vmem_shared>>)
      tpu.yield
    }) : () -> ()
    %add3A_39 = arith.constant 544 : i32
    %add3A_40 = arith.addi %mul3A_0, %add3A_39 : i32
    "tpu.region"() ({
      %run_scoped3A_63 = tpu.sem_alloc : memref<!tpu.dma_semaphore, #tpu.memory_space<semaphore_mem>>
      %dma_start3A_64 = arith.constant 0 : i32
      %dma_start3A_65 = arith.constant 0 : i32
      %dma_start3A_66 = tpu.memref_slice %arg8[%dma_start3A_64, %dma_start3A_65] : memref<32x128xf32, #tpu.memory_space<vmem>> -> memref<32x128xf32, #tpu.memory_space<vmem>>
      %dma_start3A_67 = arith.constant 0 : i32
      %dma_start3A_68 = tpu.memref_slice %arg10[%add3A_40, %dma_start3A_67] : memref<10240x128xf32, #tpu.memory_space<vmem_shared>> -> memref<32x128xf32, #tpu.memory_space<vmem_shared>>
      %dma_start3A_69 = arith.constant 0 : i32
      %dma_start3A_70 = tpu.memref_slice %arg10[%add3A_40, %dma_start3A_69] : memref<10240x128xf32, #tpu.memory_space<vmem_shared>> -> memref<32x128xf32, #tpu.memory_space<vmem_shared>>
      %dma_start3A_71 = arith.constant 0 : i32
      %dma_start3A_72 = arith.constant 0 : i32
      %dma_start3A_73 = tpu.memref_slice %arg8[%dma_start3A_71, %dma_start3A_72] : memref<32x128xf32, #tpu.memory_space<vmem>> -> memref<32x128xf32, #tpu.memory_space<vmem>>
      tpu.enqueue_dma source(%dma_start3A_73 : memref<32x128xf32, #tpu.memory_space<vmem>>) target(%dma_start3A_70 : memref<32x128xf32, #tpu.memory_space<vmem_shared>>) target_semaphore(%run_scoped3A_63 : memref<!tpu.dma_semaphore, #tpu.memory_space<semaphore_mem>>)
      %dma_wait3A_74 = arith.constant 0 : i32
      %dma_wait3A_75 = arith.constant 0 : i32
      %dma_wait3A_76 = tpu.memref_slice %arg8[%dma_wait3A_74, %dma_wait3A_75] : memref<32x128xf32, #tpu.memory_space<vmem>> -> memref<32x128xf32, #tpu.memory_space<vmem>>
      %dma_wait3A_77 = arith.constant 0 : i32
      %dma_wait3A_78 = tpu.memref_slice %arg10[%add3A_40, %dma_wait3A_77] : memref<10240x128xf32, #tpu.memory_space<vmem_shared>> -> memref<32x128xf32, #tpu.memory_space<vmem_shared>>
      %dma_wait3A_79 = arith.constant 0 : i32
      %dma_wait3A_80 = tpu.memref_slice %arg10[%add3A_40, %dma_wait3A_79] : memref<10240x128xf32, #tpu.memory_space<vmem_shared>> -> memref<32x128xf32, #tpu.memory_space<vmem_shared>>
      %dma_wait3A_81 = arith.constant 0 : i32
      %dma_wait3A_82 = arith.constant 0 : i32
      %dma_wait3A_83 = tpu.memref_slice %arg8[%dma_wait3A_81, %dma_wait3A_82] : memref<32x128xf32, #tpu.memory_space<vmem>> -> memref<32x128xf32, #tpu.memory_space<vmem>>
      tpu.wait_dma2 semaphore(%run_scoped3A_63 : memref<!tpu.dma_semaphore, #tpu.memory_space<semaphore_mem>>) src(%dma_wait3A_83 : memref<32x128xf32, #tpu.memory_space<vmem>>) dst(%dma_wait3A_80 : memref<32x128xf32, #tpu.memory_space<vmem_shared>>)
      tpu.yield
    }) : () -> ()
    %add3A_41 = arith.constant 576 : i32
    %add3A_42 = arith.addi %mul3A_0, %add3A_41 : i32
    "tpu.region"() ({
      %run_scoped3A_63 = tpu.sem_alloc : memref<!tpu.dma_semaphore, #tpu.memory_space<semaphore_mem>>
      %dma_start3A_64 = arith.constant 0 : i32
      %dma_start3A_65 = arith.constant 0 : i32
      %dma_start3A_66 = tpu.memref_slice %arg8[%dma_start3A_64, %dma_start3A_65] : memref<32x128xf32, #tpu.memory_space<vmem>> -> memref<32x128xf32, #tpu.memory_space<vmem>>
      %dma_start3A_67 = arith.constant 0 : i32
      %dma_start3A_68 = tpu.memref_slice %arg10[%add3A_42, %dma_start3A_67] : memref<10240x128xf32, #tpu.memory_space<vmem_shared>> -> memref<32x128xf32, #tpu.memory_space<vmem_shared>>
      %dma_start3A_69 = arith.constant 0 : i32
      %dma_start3A_70 = tpu.memref_slice %arg10[%add3A_42, %dma_start3A_69] : memref<10240x128xf32, #tpu.memory_space<vmem_shared>> -> memref<32x128xf32, #tpu.memory_space<vmem_shared>>
      %dma_start3A_71 = arith.constant 0 : i32
      %dma_start3A_72 = arith.constant 0 : i32
      %dma_start3A_73 = tpu.memref_slice %arg8[%dma_start3A_71, %dma_start3A_72] : memref<32x128xf32, #tpu.memory_space<vmem>> -> memref<32x128xf32, #tpu.memory_space<vmem>>
      tpu.enqueue_dma source(%dma_start3A_73 : memref<32x128xf32, #tpu.memory_space<vmem>>) target(%dma_start3A_70 : memref<32x128xf32, #tpu.memory_space<vmem_shared>>) target_semaphore(%run_scoped3A_63 : memref<!tpu.dma_semaphore, #tpu.memory_space<semaphore_mem>>)
      %dma_wait3A_74 = arith.constant 0 : i32
      %dma_wait3A_75 = arith.constant 0 : i32
      %dma_wait3A_76 = tpu.memref_slice %arg8[%dma_wait3A_74, %dma_wait3A_75] : memref<32x128xf32, #tpu.memory_space<vmem>> -> memref<32x128xf32, #tpu.memory_space<vmem>>
      %dma_wait3A_77 = arith.constant 0 : i32
      %dma_wait3A_78 = tpu.memref_slice %arg10[%add3A_42, %dma_wait3A_77] : memref<10240x128xf32, #tpu.memory_space<vmem_shared>> -> memref<32x128xf32, #tpu.memory_space<vmem_shared>>
      %dma_wait3A_79 = arith.constant 0 : i32
      %dma_wait3A_80 = tpu.memref_slice %arg10[%add3A_42, %dma_wait3A_79] : memref<10240x128xf32, #tpu.memory_space<vmem_shared>> -> memref<32x128xf32, #tpu.memory_space<vmem_shared>>
      %dma_wait3A_81 = arith.constant 0 : i32
      %dma_wait3A_82 = arith.constant 0 : i32
      %dma_wait3A_83 = tpu.memref_slice %arg8[%dma_wait3A_81, %dma_wait3A_82] : memref<32x128xf32, #tpu.memory_space<vmem>> -> memref<32x128xf32, #tpu.memory_space<vmem>>
      tpu.wait_dma2 semaphore(%run_scoped3A_63 : memref<!tpu.dma_semaphore, #tpu.memory_space<semaphore_mem>>) src(%dma_wait3A_83 : memref<32x128xf32, #tpu.memory_space<vmem>>) dst(%dma_wait3A_80 : memref<32x128xf32, #tpu.memory_space<vmem_shared>>)
      tpu.yield
    }) : () -> ()
    %add3A_43 = arith.constant 608 : i32
    %add3A_44 = arith.addi %mul3A_0, %add3A_43 : i32
    "tpu.region"() ({
      %run_scoped3A_63 = tpu.sem_alloc : memref<!tpu.dma_semaphore, #tpu.memory_space<semaphore_mem>>
      %dma_start3A_64 = arith.constant 0 : i32
      %dma_start3A_65 = arith.constant 0 : i32
      %dma_start3A_66 = tpu.memref_slice %arg8[%dma_start3A_64, %dma_start3A_65] : memref<32x128xf32, #tpu.memory_space<vmem>> -> memref<32x128xf32, #tpu.memory_space<vmem>>
      %dma_start3A_67 = arith.constant 0 : i32
      %dma_start3A_68 = tpu.memref_slice %arg10[%add3A_44, %dma_start3A_67] : memref<10240x128xf32, #tpu.memory_space<vmem_shared>> -> memref<32x128xf32, #tpu.memory_space<vmem_shared>>
      %dma_start3A_69 = arith.constant 0 : i32
      %dma_start3A_70 = tpu.memref_slice %arg10[%add3A_44, %dma_start3A_69] : memref<10240x128xf32, #tpu.memory_space<vmem_shared>> -> memref<32x128xf32, #tpu.memory_space<vmem_shared>>
      %dma_start3A_71 = arith.constant 0 : i32
      %dma_start3A_72 = arith.constant 0 : i32
      %dma_start3A_73 = tpu.memref_slice %arg8[%dma_start3A_71, %dma_start3A_72] : memref<32x128xf32, #tpu.memory_space<vmem>> -> memref<32x128xf32, #tpu.memory_space<vmem>>
      tpu.enqueue_dma source(%dma_start3A_73 : memref<32x128xf32, #tpu.memory_space<vmem>>) target(%dma_start3A_70 : memref<32x128xf32, #tpu.memory_space<vmem_shared>>) target_semaphore(%run_scoped3A_63 : memref<!tpu.dma_semaphore, #tpu.memory_space<semaphore_mem>>)
      %dma_wait3A_74 = arith.constant 0 : i32
      %dma_wait3A_75 = arith.constant 0 : i32
      %dma_wait3A_76 = tpu.memref_slice %arg8[%dma_wait3A_74, %dma_wait3A_75] : memref<32x128xf32, #tpu.memory_space<vmem>> -> memref<32x128xf32, #tpu.memory_space<vmem>>
      %dma_wait3A_77 = arith.constant 0 : i32
      %dma_wait3A_78 = tpu.memref_slice %arg10[%add3A_44, %dma_wait3A_77] : memref<10240x128xf32, #tpu.memory_space<vmem_shared>> -> memref<32x128xf32, #tpu.memory_space<vmem_shared>>
      %dma_wait3A_79 = arith.constant 0 : i32
      %dma_wait3A_80 = tpu.memref_slice %arg10[%add3A_44, %dma_wait3A_79] : memref<10240x128xf32, #tpu.memory_space<vmem_shared>> -> memref<32x128xf32, #tpu.memory_space<vmem_shared>>
      %dma_wait3A_81 = arith.constant 0 : i32
      %dma_wait3A_82 = arith.constant 0 : i32
      %dma_wait3A_83 = tpu.memref_slice %arg8[%dma_wait3A_81, %dma_wait3A_82] : memref<32x128xf32, #tpu.memory_space<vmem>> -> memref<32x128xf32, #tpu.memory_space<vmem>>
      tpu.wait_dma2 semaphore(%run_scoped3A_63 : memref<!tpu.dma_semaphore, #tpu.memory_space<semaphore_mem>>) src(%dma_wait3A_83 : memref<32x128xf32, #tpu.memory_space<vmem>>) dst(%dma_wait3A_80 : memref<32x128xf32, #tpu.memory_space<vmem_shared>>)
      tpu.yield
    }) : () -> ()
    "tpu.region"() ({
      %run_scoped3A_63 = tpu.sem_alloc : memref<!tpu.dma_semaphore, #tpu.memory_space<semaphore_mem>>
      %dma_start3A_64 = arith.constant 0 : i32
      %dma_start3A_65 = arith.constant 0 : i32
      %dma_start3A_66 = tpu.memref_slice %arg3[%arg0, %arg1, %dma_start3A_64, %dma_start3A_65] : memref<2x16x313x32xi32, #tpu.memory_space<hbm>> -> memref<1x1x313x32xi32, #tpu.memory_space<hbm>>
      %dma_start3A_67 = tpu.memref_squeeze %dma_start3A_66 : memref<1x1x313x32xi32, #tpu.memory_space<hbm>> -> memref<313x32xi32, #tpu.memory_space<hbm>>
      %dma_start3A_68 = arith.constant 0 : i32
      %dma_start3A_69 = arith.constant 0 : i32
      %dma_start3A_70 = tpu.memref_slice %arg3[%arg0, %arg1, %dma_start3A_68, %dma_start3A_69] : memref<2x16x313x32xi32, #tpu.memory_space<hbm>> -> memref<1x1x313x32xi32, #tpu.memory_space<hbm>>
      %dma_start3A_71 = tpu.memref_squeeze %dma_start3A_70 : memref<1x1x313x32xi32, #tpu.memory_space<hbm>> -> memref<313x32xi32, #tpu.memory_space<hbm>>
      tpu.enqueue_dma source(%dma_start3A_71 : memref<313x32xi32, #tpu.memory_space<hbm>>) target(%arg6 : memref<313x32xi32, #tpu.memory_space<vmem>>) target_semaphore(%run_scoped3A_63 : memref<!tpu.dma_semaphore, #tpu.memory_space<semaphore_mem>>)
      %dma_wait3A_72 = arith.constant 0 : i32
      %dma_wait3A_73 = arith.constant 0 : i32
      %dma_wait3A_74 = tpu.memref_slice %arg3[%arg0, %arg1, %dma_wait3A_72, %dma_wait3A_73] : memref<2x16x313x32xi32, #tpu.memory_space<hbm>> -> memref<1x1x313x32xi32, #tpu.memory_space<hbm>>
      %dma_wait3A_75 = tpu.memref_squeeze %dma_wait3A_74 : memref<1x1x313x32xi32, #tpu.memory_space<hbm>> -> memref<313x32xi32, #tpu.memory_space<hbm>>
      %dma_wait3A_76 = arith.constant 0 : i32
      %dma_wait3A_77 = arith.constant 0 : i32
      %dma_wait3A_78 = tpu.memref_slice %arg3[%arg0, %arg1, %dma_wait3A_76, %dma_wait3A_77] : memref<2x16x313x32xi32, #tpu.memory_space<hbm>> -> memref<1x1x313x32xi32, #tpu.memory_space<hbm>>
      %dma_wait3A_79 = tpu.memref_squeeze %dma_wait3A_78 : memref<1x1x313x32xi32, #tpu.memory_space<hbm>> -> memref<313x32xi32, #tpu.memory_space<hbm>>
      tpu.wait_dma2 semaphore(%run_scoped3A_63 : memref<!tpu.dma_semaphore, #tpu.memory_space<semaphore_mem>>) src(%dma_wait3A_79 : memref<313x32xi32, #tpu.memory_space<hbm>>) dst(%arg6 : memref<313x32xi32, #tpu.memory_space<vmem>>)
      tpu.yield
    }) : () -> ()
    "tpu.region"() ({
      %run_scoped3A_63 = tpu.sem_alloc : memref<!tpu.dma_semaphore, #tpu.memory_space<semaphore_mem>>
      %dma_start3A_64 = arith.constant 0 : i32
      %dma_start3A_65 = arith.constant 0 : i32
      %dma_start3A_66 = tpu.memref_slice %arg4[%arg0, %arg1, %dma_start3A_64, %dma_start3A_65] : memref<2x16x313x32xi32, #tpu.memory_space<hbm>> -> memref<1x1x313x32xi32, #tpu.memory_space<hbm>>
      %dma_start3A_67 = tpu.memref_squeeze %dma_start3A_66 : memref<1x1x313x32xi32, #tpu.memory_space<hbm>> -> memref<313x32xi32, #tpu.memory_space<hbm>>
      %dma_start3A_68 = arith.constant 0 : i32
      %dma_start3A_69 = arith.constant 0 : i32
      %dma_start3A_70 = tpu.memref_slice %arg4[%arg0, %arg1, %dma_start3A_68, %dma_start3A_69] : memref<2x16x313x32xi32, #tpu.memory_space<hbm>> -> memref<1x1x313x32xi32, #tpu.memory_space<hbm>>
      %dma_start3A_71 = tpu.memref_squeeze %dma_start3A_70 : memref<1x1x313x32xi32, #tpu.memory_space<hbm>> -> memref<313x32xi32, #tpu.memory_space<hbm>>
      tpu.enqueue_dma source(%dma_start3A_71 : memref<313x32xi32, #tpu.memory_space<hbm>>) target(%arg7 : memref<313x32xi32, #tpu.memory_space<vmem>>) target_semaphore(%run_scoped3A_63 : memref<!tpu.dma_semaphore, #tpu.memory_space<semaphore_mem>>)
      %dma_wait3A_72 = arith.constant 0 : i32
      %dma_wait3A_73 = arith.constant 0 : i32
      %dma_wait3A_74 = tpu.memref_slice %arg4[%arg0, %arg1, %dma_wait3A_72, %dma_wait3A_73] : memref<2x16x313x32xi32, #tpu.memory_space<hbm>> -> memref<1x1x313x32xi32, #tpu.memory_space<hbm>>
      %dma_wait3A_75 = tpu.memref_squeeze %dma_wait3A_74 : memref<1x1x313x32xi32, #tpu.memory_space<hbm>> -> memref<313x32xi32, #tpu.memory_space<hbm>>
      %dma_wait3A_76 = arith.constant 0 : i32
      %dma_wait3A_77 = arith.constant 0 : i32
      %dma_wait3A_78 = tpu.memref_slice %arg4[%arg0, %arg1, %dma_wait3A_76, %dma_wait3A_77] : memref<2x16x313x32xi32, #tpu.memory_space<hbm>> -> memref<1x1x313x32xi32, #tpu.memory_space<hbm>>
      %dma_wait3A_79 = tpu.memref_squeeze %dma_wait3A_78 : memref<1x1x313x32xi32, #tpu.memory_space<hbm>> -> memref<313x32xi32, #tpu.memory_space<hbm>>
      tpu.wait_dma2 semaphore(%run_scoped3A_63 : memref<!tpu.dma_semaphore, #tpu.memory_space<semaphore_mem>>) src(%dma_wait3A_79 : memref<313x32xi32, #tpu.memory_space<hbm>>) dst(%arg7 : memref<313x32xi32, #tpu.memory_space<vmem>>)
      tpu.yield
    }) : () -> ()
    %barrier3A = arith.constant 0 : index
    tpu.barrier barrier_id(%barrier3A)
    %dma_start3A = arith.constant 0 : i32
    %dma_start3A_45 = arith.constant 0 : i32
    %dma_start3A_46 = tpu.memref_slice %arg6[%dma_start3A, %dma_start3A_45] : memref<313x32xi32, #tpu.memory_space<vmem>> -> memref<1x32xi32, #tpu.memory_space<vmem>>
    %dma_start3A_47 = tpu.memref_squeeze %dma_start3A_46 : memref<1x32xi32, #tpu.memory_space<vmem>> -> memref<32xi32, #tpu.memory_space<vmem>>
    %dma_start3A_48 = arith.constant 0 : i32
    %dma_start3A_49 = arith.constant 0 : i32
    %dma_start3A_50 = tpu.memref_slice %arg2[%dma_start3A_48, %dma_start3A_49] : memref<10240x128xf32, #tpu.memory_space<hbm>> -> memref<10240x128xf32, #tpu.memory_space<hbm>>
    tpu.enqueue_indirect_dma source(%dma_start3A_50 : memref<10240x128xf32, #tpu.memory_space<hbm>>) target(%arg8 : memref<32x128xf32, #tpu.memory_space<vmem>>) offsets(%dma_start3A_47 : memref<32xi32, #tpu.memory_space<vmem>>) semaphore(%arg11 : memref<!tpu.dma_semaphore, #tpu.memory_space<semaphore_mem>>)
    %scan3A_51 = arith.constant 0 : i32
    %scan3A_52 = arith.constant 0 : i32
    %scan3A_53 = arith.constant 156 : i32
    %scan3A_54 = arith.addi %scan3A_52, %scan3A_53 : i32
    %scan3A_55 = arith.constant 1 : i32
    scf.for %scan3A_63 = %scan3A_52 to %scan3A_54 step %scan3A_55  : i32 {
      %mul3A_64 = arith.constant 2 : i32
      %mul3A_65 = arith.muli %mul3A_64, %scan3A_63 : i32
      %add3A_66 = arith.constant 1 : i32
      %add3A_67 = arith.addi %mul3A_65, %add3A_66 : i32
      %dma_start3A_68 = arith.constant 0 : i32
      %dma_start3A_69 = tpu.memref_slice %arg6[%add3A_67, %dma_start3A_68] : memref<313x32xi32, #tpu.memory_space<vmem>> -> memref<1x32xi32, #tpu.memory_space<vmem>>
      %dma_start3A_70 = tpu.memref_squeeze %dma_start3A_69 : memref<1x32xi32, #tpu.memory_space<vmem>> -> memref<32xi32, #tpu.memory_space<vmem>>
      %dma_start3A_71 = arith.constant 0 : i32
      %dma_start3A_72 = arith.constant 0 : i32
      %dma_start3A_73 = tpu.memref_slice %arg2[%dma_start3A_71, %dma_start3A_72] : memref<10240x128xf32, #tpu.memory_space<hbm>> -> memref<10240x128xf32, #tpu.memory_space<hbm>>
      tpu.enqueue_indirect_dma source(%dma_start3A_73 : memref<10240x128xf32, #tpu.memory_space<hbm>>) target(%arg9 : memref<32x128xf32, #tpu.memory_space<vmem>>) offsets(%dma_start3A_70 : memref<32xi32, #tpu.memory_space<vmem>>) semaphore(%arg12 : memref<!tpu.dma_semaphore, #tpu.memory_space<semaphore_mem>>)
      %dma_wait3A_74 = arith.constant 0 : i32
      %dma_wait3A_75 = arith.constant 0 : i32
      %dma_wait3A_76 = tpu.memref_slice %arg2[%dma_wait3A_74, %dma_wait3A_75] : memref<10240x128xf32, #tpu.memory_space<hbm>> -> memref<32x128xf32, #tpu.memory_space<hbm>>
      %dma_wait3A_77 = arith.constant 0 : i32
      %dma_wait3A_78 = arith.constant 0 : i32
      %dma_wait3A_79 = tpu.memref_slice %arg2[%dma_wait3A_77, %dma_wait3A_78] : memref<10240x128xf32, #tpu.memory_space<hbm>> -> memref<32x128xf32, #tpu.memory_space<hbm>>
      tpu.wait_dma2 semaphore(%arg11 : memref<!tpu.dma_semaphore, #tpu.memory_space<semaphore_mem>>) src(%dma_wait3A_79 : memref<32x128xf32, #tpu.memory_space<hbm>>) dst(%arg8 : memref<32x128xf32, #tpu.memory_space<vmem>>)
      %mul3A_80 = arith.constant 2 : i32
      %mul3A_81 = arith.muli %mul3A_80, %scan3A_63 : i32
      "tpu.region"() ({
        %run_scoped3A_102 = tpu.sem_alloc : memref<!tpu.dma_semaphore, #tpu.memory_space<semaphore_mem>>
        %dma_start3A_103 = arith.constant 0 : i32
        %dma_start3A_104 = tpu.memref_slice %arg7[%mul3A_81, %dma_start3A_103] : memref<313x32xi32, #tpu.memory_space<vmem>> -> memref<1x32xi32, #tpu.memory_space<vmem>>
        %dma_start3A_105 = tpu.memref_squeeze %dma_start3A_104 : memref<1x32xi32, #tpu.memory_space<vmem>> -> memref<32xi32, #tpu.memory_space<vmem>>
        %dma_start3A_106 = arith.constant 0 : i32
        %dma_start3A_107 = arith.constant 0 : i32
        %dma_start3A_108 = tpu.memref_slice %arg10[%dma_start3A_106, %dma_start3A_107] : memref<10240x128xf32, #tpu.memory_space<vmem_shared>> -> memref<10240x128xf32, #tpu.memory_space<vmem_shared>>
        tpu.enqueue_indirect_dma source(%arg8 : memref<32x128xf32, #tpu.memory_space<vmem>>) target(%dma_start3A_108 : memref<10240x128xf32, #tpu.memory_space<vmem_shared>>) offsets(%dma_start3A_105 : memref<32xi32, #tpu.memory_space<vmem>>) semaphore(%run_scoped3A_102 : memref<!tpu.dma_semaphore, #tpu.memory_space<semaphore_mem>>) {add = true}
        %dma_wait3A_109 = arith.constant 0 : i32
        %dma_wait3A_110 = tpu.memref_slice %arg7[%mul3A_81, %dma_wait3A_109] : memref<313x32xi32, #tpu.memory_space<vmem>> -> memref<1x32xi32, #tpu.memory_space<vmem>>
        %dma_wait3A_111 = tpu.memref_squeeze %dma_wait3A_110 : memref<1x32xi32, #tpu.memory_space<vmem>> -> memref<32xi32, #tpu.memory_space<vmem>>
        %dma_wait3A_112 = arith.constant 0 : i32
        %dma_wait3A_113 = arith.constant 0 : i32
        %dma_wait3A_114 = tpu.memref_slice %arg10[%dma_wait3A_112, %dma_wait3A_113] : memref<10240x128xf32, #tpu.memory_space<vmem_shared>> -> memref<10240x128xf32, #tpu.memory_space<vmem_shared>>
        tpu.wait_indirect_dma semaphore(%run_scoped3A_102 : memref<!tpu.dma_semaphore, #tpu.memory_space<semaphore_mem>>) src(%arg8 : memref<32x128xf32, #tpu.memory_space<vmem>>) dst(%dma_wait3A_114 : memref<10240x128xf32, #tpu.memory_space<vmem_shared>>)
        tpu.yield
      }) : () -> ()
      %mul3A_82 = arith.constant 2 : i32
      %mul3A_83 = arith.muli %mul3A_82, %scan3A_63 : i32
      %add3A_84 = arith.constant 2 : i32
      %add3A_85 = arith.addi %mul3A_83, %add3A_84 : i32
      %dma_start3A_86 = arith.constant 0 : i32
      %dma_start3A_87 = tpu.memref_slice %arg6[%add3A_85, %dma_start3A_86] : memref<313x32xi32, #tpu.memory_space<vmem>> -> memref<1x32xi32, #tpu.memory_space<vmem>>
      %dma_start3A_88 = tpu.memref_squeeze %dma_start3A_87 : memref<1x32xi32, #tpu.memory_space<vmem>> -> memref<32xi32, #tpu.memory_space<vmem>>
      %dma_start3A_89 = arith.constant 0 : i32
      %dma_start3A_90 = arith.constant 0 : i32
      %dma_start3A_91 = tpu.memref_slice %arg2[%dma_start3A_89, %dma_start3A_90] : memref<10240x128xf32, #tpu.memory_space<hbm>> -> memref<10240x128xf32, #tpu.memory_space<hbm>>
      tpu.enqueue_indirect_dma source(%dma_start3A_91 : memref<10240x128xf32, #tpu.memory_space<hbm>>) target(%arg8 : memref<32x128xf32, #tpu.memory_space<vmem>>) offsets(%dma_start3A_88 : memref<32xi32, #tpu.memory_space<vmem>>) semaphore(%arg11 : memref<!tpu.dma_semaphore, #tpu.memory_space<semaphore_mem>>)
      %dma_wait3A_92 = arith.constant 0 : i32
      %dma_wait3A_93 = arith.constant 0 : i32
      %dma_wait3A_94 = tpu.memref_slice %arg2[%dma_wait3A_92, %dma_wait3A_93] : memref<10240x128xf32, #tpu.memory_space<hbm>> -> memref<32x128xf32, #tpu.memory_space<hbm>>
      %dma_wait3A_95 = arith.constant 0 : i32
      %dma_wait3A_96 = arith.constant 0 : i32
      %dma_wait3A_97 = tpu.memref_slice %arg2[%dma_wait3A_95, %dma_wait3A_96] : memref<10240x128xf32, #tpu.memory_space<hbm>> -> memref<32x128xf32, #tpu.memory_space<hbm>>
      tpu.wait_dma2 semaphore(%arg12 : memref<!tpu.dma_semaphore, #tpu.memory_space<semaphore_mem>>) src(%dma_wait3A_97 : memref<32x128xf32, #tpu.memory_space<hbm>>) dst(%arg9 : memref<32x128xf32, #tpu.memory_space<vmem>>)
      %mul3A_98 = arith.constant 2 : i32
      %mul3A_99 = arith.muli %mul3A_98, %scan3A_63 : i32
      %add3A_100 = arith.constant 1 : i32
      %add3A_101 = arith.addi %mul3A_99, %add3A_100 : i32
      "tpu.region"() ({
        %run_scoped3A_102 = tpu.sem_alloc : memref<!tpu.dma_semaphore, #tpu.memory_space<semaphore_mem>>
        %dma_start3A_103 = arith.constant 0 : i32
        %dma_start3A_104 = tpu.memref_slice %arg7[%add3A_101, %dma_start3A_103] : memref<313x32xi32, #tpu.memory_space<vmem>> -> memref<1x32xi32, #tpu.memory_space<vmem>>
        %dma_start3A_105 = tpu.memref_squeeze %dma_start3A_104 : memref<1x32xi32, #tpu.memory_space<vmem>> -> memref<32xi32, #tpu.memory_space<vmem>>
        %dma_start3A_106 = arith.constant 0 : i32
        %dma_start3A_107 = arith.constant 0 : i32
        %dma_start3A_108 = tpu.memref_slice %arg10[%dma_start3A_106, %dma_start3A_107] : memref<10240x128xf32, #tpu.memory_space<vmem_shared>> -> memref<10240x128xf32, #tpu.memory_space<vmem_shared>>
        tpu.enqueue_indirect_dma source(%arg9 : memref<32x128xf32, #tpu.memory_space<vmem>>) target(%dma_start3A_108 : memref<10240x128xf32, #tpu.memory_space<vmem_shared>>) offsets(%dma_start3A_105 : memref<32xi32, #tpu.memory_space<vmem>>) semaphore(%run_scoped3A_102 : memref<!tpu.dma_semaphore, #tpu.memory_space<semaphore_mem>>) {add = true}
        %dma_wait3A_109 = arith.constant 0 : i32
        %dma_wait3A_110 = tpu.memref_slice %arg7[%add3A_101, %dma_wait3A_109] : memref<313x32xi32, #tpu.memory_space<vmem>> -> memref<1x32xi32, #tpu.memory_space<vmem>>
        %dma_wait3A_111 = tpu.memref_squeeze %dma_wait3A_110 : memref<1x32xi32, #tpu.memory_space<vmem>> -> memref<32xi32, #tpu.memory_space<vmem>>
        %dma_wait3A_112 = arith.constant 0 : i32
        %dma_wait3A_113 = arith.constant 0 : i32
        %dma_wait3A_114 = tpu.memref_slice %arg10[%dma_wait3A_112, %dma_wait3A_113] : memref<10240x128xf32, #tpu.memory_space<vmem_shared>> -> memref<10240x128xf32, #tpu.memory_space<vmem_shared>>
        tpu.wait_indirect_dma semaphore(%run_scoped3A_102 : memref<!tpu.dma_semaphore, #tpu.memory_space<semaphore_mem>>) src(%arg9 : memref<32x128xf32, #tpu.memory_space<vmem>>) dst(%dma_wait3A_114 : memref<10240x128xf32, #tpu.memory_space<vmem_shared>>)
        tpu.yield
      }) : () -> ()
    }
    %scan3A_56 = arith.constant 156 : i32
    %dma_wait3A = arith.constant 0 : i32
    %dma_wait3A_57 = arith.constant 0 : i32
    %dma_wait3A_58 = tpu.memref_slice %arg2[%dma_wait3A, %dma_wait3A_57] : memref<10240x128xf32, #tpu.memory_space<hbm>> -> memref<32x128xf32, #tpu.memory_space<hbm>>
    %dma_wait3A_59 = arith.constant 0 : i32
    %dma_wait3A_60 = arith.constant 0 : i32
    %dma_wait3A_61 = tpu.memref_slice %arg2[%dma_wait3A_59, %dma_wait3A_60] : memref<10240x128xf32, #tpu.memory_space<hbm>> -> memref<32x128xf32, #tpu.memory_space<hbm>>
    tpu.wait_dma2 semaphore(%arg11 : memref<!tpu.dma_semaphore, #tpu.memory_space<semaphore_mem>>) src(%dma_wait3A_61 : memref<32x128xf32, #tpu.memory_space<hbm>>) dst(%arg8 : memref<32x128xf32, #tpu.memory_space<vmem>>)
    %run_scoped3A = arith.constant 312 : i32
    "tpu.region"() ({
      %run_scoped3A_63 = tpu.sem_alloc : memref<!tpu.dma_semaphore, #tpu.memory_space<semaphore_mem>>
      %dma_start3A_64 = arith.constant 0 : i32
      %dma_start3A_65 = tpu.memref_slice %arg7[%run_scoped3A, %dma_start3A_64] : memref<313x32xi32, #tpu.memory_space<vmem>> -> memref<1x32xi32, #tpu.memory_space<vmem>>
      %dma_start3A_66 = tpu.memref_squeeze %dma_start3A_65 : memref<1x32xi32, #tpu.memory_space<vmem>> -> memref<32xi32, #tpu.memory_space<vmem>>
      %dma_start3A_67 = arith.constant 0 : i32
      %dma_start3A_68 = arith.constant 0 : i32
      %dma_start3A_69 = tpu.memref_slice %arg10[%dma_start3A_67, %dma_start3A_68] : memref<10240x128xf32, #tpu.memory_space<vmem_shared>> -> memref<10240x128xf32, #tpu.memory_space<vmem_shared>>
      tpu.enqueue_indirect_dma source(%arg8 : memref<32x128xf32, #tpu.memory_space<vmem>>) target(%dma_start3A_69 : memref<10240x128xf32, #tpu.memory_space<vmem_shared>>) offsets(%dma_start3A_66 : memref<32xi32, #tpu.memory_space<vmem>>) semaphore(%run_scoped3A_63 : memref<!tpu.dma_semaphore, #tpu.memory_space<semaphore_mem>>) {add = true}
      %dma_wait3A_70 = arith.constant 0 : i32
      %dma_wait3A_71 = tpu.memref_slice %arg7[%run_scoped3A, %dma_wait3A_70] : memref<313x32xi32, #tpu.memory_space<vmem>> -> memref<1x32xi32, #tpu.memory_space<vmem>>
      %dma_wait3A_72 = tpu.memref_squeeze %dma_wait3A_71 : memref<1x32xi32, #tpu.memory_space<vmem>> -> memref<32xi32, #tpu.memory_space<vmem>>
      %dma_wait3A_73 = arith.constant 0 : i32
      %dma_wait3A_74 = arith.constant 0 : i32
      %dma_wait3A_75 = tpu.memref_slice %arg10[%dma_wait3A_73, %dma_wait3A_74] : memref<10240x128xf32, #tpu.memory_space<vmem_shared>> -> memref<10240x128xf32, #tpu.memory_space<vmem_shared>>
      tpu.wait_indirect_dma semaphore(%run_scoped3A_63 : memref<!tpu.dma_semaphore, #tpu.memory_space<semaphore_mem>>) src(%arg8 : memref<32x128xf32, #tpu.memory_space<vmem>>) dst(%dma_wait3A_75 : memref<10240x128xf32, #tpu.memory_space<vmem_shared>>)
      tpu.yield
    }) : () -> ()
    %barrier3A_62 = arith.constant 0 : index
    tpu.barrier barrier_id(%barrier3A_62)
    "tpu.region"() ({
      %run_scoped3A_63 = tpu.sem_alloc : memref<!tpu.dma_semaphore, #tpu.memory_space<semaphore_mem>>
      %dma_start3A_64 = arith.constant 0 : i32
      %dma_start3A_65 = tpu.memref_slice %arg5[%arg0, %mul3A_0, %dma_start3A_64] : memref<2x10240x128xf32, #tpu.memory_space<hbm>> -> memref<1x640x128xf32, #tpu.memory_space<hbm>>
      %dma_start3A_66 = tpu.memref_squeeze %dma_start3A_65 : memref<1x640x128xf32, #tpu.memory_space<hbm>> -> memref<640x128xf32, #tpu.memory_space<hbm>>
      %dma_start3A_67 = arith.constant 0 : i32
      %dma_start3A_68 = tpu.memref_slice %arg10[%mul3A_0, %dma_start3A_67] : memref<10240x128xf32, #tpu.memory_space<vmem_shared>> -> memref<640x128xf32, #tpu.memory_space<vmem_shared>>
      tpu.enqueue_dma source(%dma_start3A_68 : memref<640x128xf32, #tpu.memory_space<vmem_shared>>) target(%dma_start3A_66 : memref<640x128xf32, #tpu.memory_space<hbm>>) target_semaphore(%run_scoped3A_63 : memref<!tpu.dma_semaphore, #tpu.memory_space<semaphore_mem>>)
      %dma_wait3A_69 = arith.constant 0 : i32
      %dma_wait3A_70 = tpu.memref_slice %arg5[%arg0, %mul3A_0, %dma_wait3A_69] : memref<2x10240x128xf32, #tpu.memory_space<hbm>> -> memref<1x640x128xf32, #tpu.memory_space<hbm>>
      %dma_wait3A_71 = tpu.memref_squeeze %dma_wait3A_70 : memref<1x640x128xf32, #tpu.memory_space<hbm>> -> memref<640x128xf32, #tpu.memory_space<hbm>>
      %dma_wait3A_72 = arith.constant 0 : i32
      %dma_wait3A_73 = tpu.memref_slice %arg10[%mul3A_0, %dma_wait3A_72] : memref<10240x128xf32, #tpu.memory_space<vmem_shared>> -> memref<640x128xf32, #tpu.memory_space<vmem_shared>>
      tpu.wait_dma2 semaphore(%run_scoped3A_63 : memref<!tpu.dma_semaphore, #tpu.memory_space<semaphore_mem>>) src(%dma_wait3A_73 : memref<640x128xf32, #tpu.memory_space<vmem_shared>>) dst(%dma_wait3A_71 : memref<640x128xf32, #tpu.memory_space<hbm>>)
      tpu.yield
    }) : () -> ()
    return
  }
}

module attributes {stable_mosaic.version = 14 : i64} {
  func.func @_dense_body(%arg0: memref<2x10240x128xf32, #tpu.memory_space<vmem>>, %arg1: memref<10240x128xf32, #tpu.memory_space<vmem>>, %arg2: memref<10240x1xi32, #tpu.memory_space<vmem>>, %arg3: memref<128x128xf32, #tpu.memory_space<vmem>>, %arg4: memref<1x128xf32, #tpu.memory_space<vmem>>, %arg5: memref<128x128xf32, #tpu.memory_space<vmem>>, %arg6: memref<1x128xf32, #tpu.memory_space<vmem>>, %arg7: memref<1x128xf32, #tpu.memory_space<vmem>>, %arg8: memref<1x128xf32, #tpu.memory_space<vmem>>, %arg9: memref<10240x128xf32, #tpu.memory_space<vmem>>, %arg10: memref<16x128xf32, #tpu.memory_space<vmem>>, %arg11: memref<10240x128xf32, #tpu.memory_space<vmem>>) attributes {dimension_semantics = [], scalar_prefetch = 0 : i64, scratch_operands = 1 : i64, tpu.core_type = #tpu.core_type<tc>} {
    %get3A = arith.constant 0 : index
    %get3A_0 = arith.constant 0 : index
    %get3A_1 = vector.load %arg3[%get3A, %get3A_0] : memref<128x128xf32, #tpu.memory_space<vmem>>, vector<128x128xf32>
    %get3A_2 = arith.constant 0 : index
    %get3A_3 = arith.constant 0 : index
    %get3A_4 = vector.load %arg5[%get3A_2, %get3A_3] : memref<128x128xf32, #tpu.memory_space<vmem>>, vector<128x128xf32>
    %get3A_5 = arith.constant 0 : index
    %get3A_6 = arith.constant 0 : index
    %get3A_7 = vector.load %arg4[%get3A_5, %get3A_6] : memref<1x128xf32, #tpu.memory_space<vmem>>, vector<1x128xf32>
    %get3A_8 = arith.constant 0 : index
    %get3A_9 = arith.constant 0 : index
    %get3A_10 = vector.load %arg6[%get3A_8, %get3A_9] : memref<1x128xf32, #tpu.memory_space<vmem>>, vector<1x128xf32>
    %broadcast_in_dim3A = arith.constant 0.000000e+00 : f32
    %broadcast_in_dim3A_11 = vector.broadcast %broadcast_in_dim3A : f32 to vector<16x128xf32>
    %broadcast_in_dim3A_12 = arith.constant 0.000000e+00 : f32
    %broadcast_in_dim3A_13 = vector.broadcast %broadcast_in_dim3A_12 : f32 to vector<16x1xf32>
    %broadcast_in_dim3A_14 = arith.constant 0.000000e+00 : f32
    %broadcast_in_dim3A_15 = vector.broadcast %broadcast_in_dim3A_14 : f32 to vector<1x128xf32>
    %scan3A = arith.constant 0 : i32
    %mul3A = arith.constant 10240 : i32
    %mul3A_16 = arith.muli %scan3A, %mul3A : i32
    %get3A_17 = arith.constant 0 : index
    %get3A_18 = arith.index_cast %mul3A_16 : i32 to index
    %get3A_19 = arith.constant 0 : index
    %get3A_20 = vector.load %arg0[%get3A_17, %get3A_18, %get3A_19] : memref<2x10240x128xf32, #tpu.memory_space<vmem>>, vector<1x10240x128xf32>
    %get3A_21 = vector.shape_cast %get3A_20 : vector<1x10240x128xf32> to vector<10240x128xf32>
    %mul3A_22 = arith.constant 10240 : i32
    %mul3A_23 = arith.muli %scan3A, %mul3A_22 : i32
    %get3A_24 = arith.constant 1 : index
    %get3A_25 = arith.index_cast %mul3A_23 : i32 to index
    %get3A_26 = arith.constant 0 : index
    %get3A_27 = vector.load %arg0[%get3A_24, %get3A_25, %get3A_26] : memref<2x10240x128xf32, #tpu.memory_space<vmem>>, vector<1x10240x128xf32>
    %get3A_28 = vector.shape_cast %get3A_27 : vector<1x10240x128xf32> to vector<10240x128xf32>
    %add3A = arith.addf %get3A_21, %get3A_28 : vector<10240x128xf32>
    %mul3A_29 = arith.constant 10240 : i32
    %mul3A_30 = arith.muli %scan3A, %mul3A_29 : i32
    %get3A_31 = arith.index_cast %mul3A_30 : i32 to index
    %get3A_32 = arith.constant 0 : index
    %get3A_33 = vector.load %arg1[%get3A_31, %get3A_32] : memref<10240x128xf32, #tpu.memory_space<vmem>>, vector<10240x128xf32>
    %add3A_34 = arith.addf %add3A, %get3A_33 : vector<10240x128xf32>
    %dot_general3A = arith.constant dense<0.000000e+00> : vector<10240x128xf32>
    %dot_general3A_35 = tpu.matmul %add3A_34, %get3A_1, %dot_general3A {dimension_numbers = #tpu.dot_dimension_numbers<[1], [1], [0], [0], [0, 0, 1, 0], [], []>, transpose_lhs_hint = false} : vector<10240x128xf32>, vector<128x128xf32>, vector<10240x128xf32> -> vector<10240x128xf32>
    %add3A_36 = vector.broadcast %get3A_7 : vector<1x128xf32> to vector<10240x128xf32>
    %add3A_37 = arith.addf %dot_general3A_35, %add3A_36 : vector<10240x128xf32>
    %max3A = arith.constant 0.000000e+00 : f32
    %max3A_38 = vector.broadcast %max3A : f32 to vector<10240x128xf32>
    %max3A_39 = arith.maximumf %add3A_37, %max3A_38 : vector<10240x128xf32>
    %dot_general3A_40 = arith.constant dense<0.000000e+00> : vector<10240x128xf32>
    %dot_general3A_41 = tpu.matmul %max3A_39, %get3A_4, %dot_general3A_40 {dimension_numbers = #tpu.dot_dimension_numbers<[1], [1], [0], [0], [0, 0, 1, 0], [], []>, transpose_lhs_hint = false} : vector<10240x128xf32>, vector<128x128xf32>, vector<10240x128xf32> -> vector<10240x128xf32>
    %add3A_42 = vector.broadcast %get3A_10 : vector<1x128xf32> to vector<10240x128xf32>
    %add3A_43 = arith.addf %dot_general3A_41, %add3A_42 : vector<10240x128xf32>
    %max3A_44 = arith.constant 0.000000e+00 : f32
    %max3A_45 = vector.broadcast %max3A_44 : f32 to vector<10240x128xf32>
    %max3A_46 = arith.maximumf %add3A_43, %max3A_45 : vector<10240x128xf32>
    %mul3A_47 = arith.constant 10240 : i32
    %mul3A_48 = arith.muli %scan3A, %mul3A_47 : i32
    %get3A_49 = arith.index_cast %mul3A_48 : i32 to index
    %get3A_50 = arith.constant 0 : index
    %get3A_51 = vector.load %arg2[%get3A_49, %get3A_50] : memref<10240x1xi32, #tpu.memory_space<vmem>>, vector<10240x1xi32>
    %iota3A = tpu.iota {dimensions = array<i32: 1>} : vector<10240x16xi32>
    %eq3A = vector.broadcast %get3A_51 : vector<10240x1xi32> to vector<10240x16xi32>
    %eq3A_52 = arith.cmpi eq, %eq3A, %iota3A : vector<10240x16xi32>
    %convert_element_type3A = arith.extui %eq3A_52 : vector<10240x16xi1> to vector<10240x16xi32>
    %convert_element_type3A_53 = arith.sitofp %convert_element_type3A : vector<10240x16xi32> to vector<10240x16xf32>
    %dot_general3A_54 = arith.constant dense<0.000000e+00> : vector<16x128xf32>
    %dot_general3A_55 = tpu.matmul %convert_element_type3A_53, %max3A_46, %dot_general3A_54 {dimension_numbers = #tpu.dot_dimension_numbers<[0], [0], [1], [1], [0, 1, 1, 1], [], []>, transpose_lhs_hint = false} : vector<10240x16xf32>, vector<10240x128xf32>, vector<16x128xf32> -> vector<16x128xf32>
    %add3A_56 = arith.addf %broadcast_in_dim3A_11, %dot_general3A_55 : vector<16x128xf32>
    %broadcast_in_dim3A_57 = arith.constant 1.000000e+00 : f32
    %broadcast_in_dim3A_58 = vector.broadcast %broadcast_in_dim3A_57 : f32 to vector<10240x1xf32>
    %dot_general3A_59 = arith.constant dense<0.000000e+00> : vector<16x1xf32>
    %dot_general3A_60 = tpu.matmul %convert_element_type3A_53, %broadcast_in_dim3A_58, %dot_general3A_59 {dimension_numbers = #tpu.dot_dimension_numbers<[0], [0], [1], [1], [0, 1, 1, 1], [], []>, transpose_lhs_hint = false} : vector<10240x16xf32>, vector<10240x1xf32>, vector<16x1xf32> -> vector<16x1xf32>
    %add3A_61 = arith.addf %broadcast_in_dim3A_13, %dot_general3A_60 : vector<16x1xf32>
    %ge3A = arith.constant 0 : i32
    %ge3A_62 = vector.broadcast %ge3A : i32 to vector<10240x1xi32>
    %ge3A_63 = arith.cmpi sge, %get3A_51, %ge3A_62 : vector<10240x1xi32>
    %convert_element_type3A_64 = arith.extui %ge3A_63 : vector<10240x1xi1> to vector<10240x1xi32>
    %convert_element_type3A_65 = arith.sitofp %convert_element_type3A_64 : vector<10240x1xi32> to vector<10240x1xf32>
    %mul3A_66 = arith.mulf %max3A_46, %max3A_46 : vector<10240x128xf32>
    %mul3A_67 = vector.broadcast %convert_element_type3A_65 : vector<10240x1xf32> to vector<10240x128xf32>
    %mul3A_68 = arith.mulf %mul3A_66, %mul3A_67 : vector<10240x128xf32>
    %reduce_sum3A = arith.constant dense<0.000000e+00> : vector<128xf32>
    %reduce_sum3A_69 = vector.multi_reduction <add>, %mul3A_68, %reduce_sum3A [0] : vector<10240x128xf32> to vector<128xf32>
    %broadcast_in_dim3A_70 = vector.shape_cast %reduce_sum3A_69 : vector<128xf32> to vector<1x128xf32>
    %add3A_71 = arith.addf %broadcast_in_dim3A_15, %broadcast_in_dim3A_70 : vector<1x128xf32>
    %mul3A_72 = arith.constant 10240 : i32
    %mul3A_73 = arith.muli %scan3A, %mul3A_72 : i32
    %swap3A = arith.index_cast %mul3A_73 : i32 to index
    %swap3A_74 = arith.constant 0 : index
    %swap3A_75 = vector.load %arg11[%swap3A, %swap3A_74] : memref<10240x128xf32, #tpu.memory_space<vmem>>, vector<10240x128xf32>
    tpu.vector_store %arg11[%swap3A, %swap3A_74], %max3A_46 {strides = array<i32>} : memref<10240x128xf32, #tpu.memory_space<vmem>>, vector<10240x128xf32>,
    %scan3A_76 = arith.constant 1 : i32
    %reduce_sum3A_77 = arith.constant dense<0.000000e+00> : vector<128xf32>
    %reduce_sum3A_78 = vector.multi_reduction <add>, %add3A_56, %reduce_sum3A_77 [0] : vector<16x128xf32> to vector<128xf32>
    %broadcast_in_dim3A_79 = vector.shape_cast %reduce_sum3A_78 : vector<128xf32> to vector<1x128xf32>
    %div3A = arith.constant 1.000000e+04 : f32
    %div3A_80 = vector.broadcast %div3A : f32 to vector<1x128xf32>
    %div3A_81 = arith.divf %broadcast_in_dim3A_79, %div3A_80 : vector<1x128xf32>
    %div3A_82 = arith.constant 1.000000e+04 : f32
    %div3A_83 = vector.broadcast %div3A_82 : f32 to vector<1x128xf32>
    %div3A_84 = arith.divf %add3A_71, %div3A_83 : vector<1x128xf32>
    %mul3A_85 = arith.mulf %div3A_81, %div3A_81 : vector<1x128xf32>
    %sub3A = arith.subf %div3A_84, %mul3A_85 : vector<1x128xf32>
    %add3A_86 = arith.constant 9.99999974E-6 : f32
    %add3A_87 = vector.broadcast %add3A_86 : f32 to vector<1x128xf32>
    %add3A_88 = arith.addf %sub3A, %add3A_87 : vector<1x128xf32>
    %rsqrt3A = math.rsqrt %add3A_88 : vector<1x128xf32>
    %get3A_89 = arith.constant 0 : index
    %get3A_90 = arith.constant 0 : index
    %get3A_91 = vector.load %arg7[%get3A_89, %get3A_90] : memref<1x128xf32, #tpu.memory_space<vmem>>, vector<1x128xf32>
    %mul3A_92 = arith.mulf %get3A_91, %rsqrt3A : vector<1x128xf32>
    %get3A_93 = arith.constant 0 : index
    %get3A_94 = arith.constant 0 : index
    %get3A_95 = vector.load %arg8[%get3A_93, %get3A_94] : memref<1x128xf32, #tpu.memory_space<vmem>>, vector<1x128xf32>
    %mul3A_96 = arith.mulf %div3A_81, %mul3A_92 : vector<1x128xf32>
    %sub3A_97 = arith.subf %get3A_95, %mul3A_96 : vector<1x128xf32>
    %mul3A_98 = vector.broadcast %mul3A_92 : vector<1x128xf32> to vector<16x128xf32>
    %mul3A_99 = arith.mulf %add3A_56, %mul3A_98 : vector<16x128xf32>
    %mul3A_100 = vector.broadcast %add3A_61 : vector<16x1xf32> to vector<16x128xf32>
    %mul3A_101 = vector.broadcast %sub3A_97 : vector<1x128xf32> to vector<16x128xf32>
    %mul3A_102 = arith.mulf %mul3A_100, %mul3A_101 : vector<16x128xf32>
    %add3A_103 = arith.addf %mul3A_99, %mul3A_102 : vector<16x128xf32>
    %swap3A_104 = arith.constant 0 : index
    %swap3A_105 = arith.constant 0 : index
    %swap3A_106 = vector.load %arg10[%swap3A_104, %swap3A_105] : memref<16x128xf32, #tpu.memory_space<vmem>>, vector<16x128xf32>
    tpu.vector_store %arg10[%swap3A_104, %swap3A_105], %add3A_103 {strides = array<i32>} : memref<16x128xf32, #tpu.memory_space<vmem>>, vector<16x128xf32>,
    %scan3A_107 = arith.constant 0 : i32
    %mul3A_108 = arith.constant 10240 : i32
    %mul3A_109 = arith.muli %scan3A_107, %mul3A_108 : i32
    %get3A_110 = arith.index_cast %mul3A_109 : i32 to index
    %get3A_111 = arith.constant 0 : index
    %get3A_112 = vector.load %arg11[%get3A_110, %get3A_111] : memref<10240x128xf32, #tpu.memory_space<vmem>>, vector<10240x128xf32>
    %mul3A_113 = vector.broadcast %mul3A_92 : vector<1x128xf32> to vector<10240x128xf32>
    %mul3A_114 = arith.mulf %get3A_112, %mul3A_113 : vector<10240x128xf32>
    %add3A_115 = vector.broadcast %sub3A_97 : vector<1x128xf32> to vector<10240x128xf32>
    %add3A_116 = arith.addf %mul3A_114, %add3A_115 : vector<10240x128xf32>
    %mul3A_117 = arith.constant 10240 : i32
    %mul3A_118 = arith.muli %scan3A_107, %mul3A_117 : i32
    %swap3A_119 = arith.index_cast %mul3A_118 : i32 to index
    %swap3A_120 = arith.constant 0 : index
    %swap3A_121 = vector.load %arg9[%swap3A_119, %swap3A_120] : memref<10240x128xf32, #tpu.memory_space<vmem>>, vector<10240x128xf32>
    tpu.vector_store %arg9[%swap3A_119, %swap3A_120], %add3A_116 {strides = array<i32>} : memref<10240x128xf32, #tpu.memory_space<vmem>>, vector<10240x128xf32>,
    %scan3A_122 = arith.constant 1 : i32
    return
  }
}

</mosaic_0001>

<sc_bundles>
// kernel: kernel.6.cloned.1.call-start
scs
__scs_entry_jumppad:
0x0: {  	(pc) =	sbr.rel $0x88, $3  }
0x1: {  	(tag) =	ssettag $0x0;
	lr =	simm.s32 $0x1  }
0x2: {  	[smem:$0x3F92] =	sst lr;
	_ =	strace $0xD0000000  }
0x3: {  	_ = 	snop  }
0x4: {  	_ = 	snop  }
0x5: {  	_ = 	snop  }
0x6: {  	_ = 	snop  }
0x7: {  	_ = 	snop  }
__scs_overlays_trampoline_lowered:
0x8: {  	[smem:$0x3FA1] =	sst s0  }
0x9: {  	[smem:$0x3FA2] =	sst s1  }
0xa: {  	[smem:$0x3FA3] =	sst s2  }
0xb: {  	[smem:$0x3FA4] =	sst s3  }
0xc: {  	[smem:$0x3FA5] =	sst s4  }
0xd: {  	[smem:$0x3FA6] =	sst s5  }
0xe: {  	[smem:$0x3FA7] =	sst s6  }
0xf: {  	[smem:$0x3FA8] =	sst s7  }
0x10: {  	[smem:$0x3FA9] =	sst s8  }
0x11: {  	[smem:$0x3FAA] =	sst s9;
	s0 =	simm.s32 @!p0 $0x0  }
0x12: {  	s1 =	sld [smem:$0x3F90];
	s0 =	simm.s32 @p0 $0x1  }
0x13: {  	[smem:$0x3FAB] =	sst s0;
	s0 =	simm.s32 @!p1 $0x0  }
0x14: {  	s2 =	sld [smem:$0x3F8F];
	s0 =	simm.s32 @p1 $0x1  }
0x15: {  	[smem:$0x3FAC] =	sst s0;
	s0 =	simm.s32 @!p2 $0x0  }
0x16: {  	s3 =	sld [smem:$0x3FDB];
	s0 =	simm.s32 @p2 $0x1  }
0x17: {  	s4 =	simm.s32 $0x1BF5;
	[smem:$0x3FAE] =	sst s0  }
0x18: {  	s0 =	sld [smem:$0x3F91];
	_ =	swait.ge [sflag:s4], $0x0  }
0x19: {  	s7 =	sld [smem:$0x3F92]  }
0x1a: {  	s8 =	sadd.s32 $0xFFFFE003, lr  }
0x1b: {  	s9 =	sadd.s32 $0xFFFFFEF7, lr;
	s5 =	simm.s32 $0xFFFFFFFF;
	p2 =	slt.u32 s8, $0xFFFFF086  }
0x1c: {  	p1 =	slt.u32 s9, $0xF7A;
	s5 =	simm.s32 @!p2 $0x0  }
0x1d: {  	s5 =	simm.s32 @p1 $0x1;
	p0 =	seq.s32 s7, s2  }
0x1e: {  	s7 =	smul.u32 @!p0 $0xF7A, s2;
	p2 =	seq.s32 @!p0 s5, $0x0  }
0x1f: {  	s9 =	smul.u32 $0xF7A, s1;
	s8 =	simm.s32 @!p0 $0x1BF5;
	p2 =	por !p2, p0  }
0x20: {  	[sflag:s8] =	ssyncset.s32 @!p0 $0xFFFFF086;
	s6 =	sadd.s32 @!p0 s3, s7;
	s7 =	simm.s32 @!p0 $0x108  }
0x21: {  	s3 =	sadd.s32 s3, s9;
	s6 =	sadd.s32 @!p0 $0x88, s6;
	s7 =	simm.s32 @p2 $0x1082  }
0x22: {  	[simem:s7], [sflag:s8] =	dma.local @!p0 [hbm:s6], $0xF7A  }
0x23: {  	s9 =	sor.u32 $0xD0000000, s2;
	s6 =	simm.s32 $0x108;
	_ =	swait.ge @!p0 [sflag:s8], $0x0  }
0x24: {  	s3 =	sadd.s32 $0x88, s3;
	s6 =	simm.s32 @!p1 $0x1082;
	[sflag:s4] =	ssyncset.s32 $0xFFFFF086  }
0x25: {  	[simem:s6], [sflag:s4] =	dma.local [hbm:s3], $0xF7A  }
0x26: {  	[smem:$0x3F92] =	sst s1;
	(tag) =	ssettag s2;
	_ =	strace s9  }
0x27: {  	s1 =	sld [smem:$0x3FA2]  }
0x28: {  	s2 =	sld [smem:$0x3FA3]  }
0x29: {  	s4 =	sld [smem:$0x3FA5]  }
0x2a: {  	p0 =	seq.s32 s5, $0x0;
	s5 =	sld [smem:$0x3FA6]  }
0x2b: {  	s6 =	sld [smem:$0x3FA7]  }
0x2c: {  	s7 =	sld [smem:$0x3FA8]  }
0x2d: {  	s3 =	simm.s32 $0x108;
	s8 =	sld [smem:$0x3FA9]  }
0x2e: {  	s3 =	simm.s32 @!p0 $0x1082;
	s9 =	sld [smem:$0x3FAA]  }
0x2f: {  	lr =	sadd.s32 s0, s3;
	s0 =	sld [smem:$0x3FA1]  }
0x30: {  	s3 =	sld [smem:$0x3FA4]  }
0x31: {  	[smem:$0x3FAD] =	sst s10  }
0x32: {  	s10 =	sld [smem:$0x3FAB];
	_ =	sdelay $0x3  }
0x33: {  	p0 =	seq.s32 s10, $0x1;
	s10 =	sld [smem:$0x3FAD];
	_ =	sdelay $0x3  }
0x34: {  	[smem:$0x3FAD] =	sst s10  }
0x35: {  	s10 =	sld [smem:$0x3FAC];
	_ =	sdelay $0x3  }
0x36: {  	p1 =	seq.s32 s10, $0x1;
	s10 =	sld [smem:$0x3FAD];
	_ =	sdelay $0x3  }
0x37: {  	[smem:$0x3FAD] =	sst s10  }
0x38: {  	s10 =	sld [smem:$0x3FAE]  }
0x39: {  	_ = 	snop;
	(pc) =	sbr.ind lr, $3  }
0x3a: {  	_ = 	snop  }
0x3b: {  	_ = 	snop  }
0x3c: {  	p2 =	seq.s32 s10, $0x1;
	s10 =	sld [smem:$0x3FAD]  }
0x3d: {  	_ =	shalt  }
0x3e: {  	_ =	shalt  }
0x3f: {  	_ =	shalt  }
0x40: {  	_ =	shalt  }
0x41: {  	_ =	shalt  }
0x42: {  	_ =	shalt  }
0x43: {  	_ =	shalt  }
0x44: {  	_ =	shalt  }
0x45: {  	_ =	shalt  }
0x46: {  	_ =	shalt  }
0x47: {  	_ =	shalt  }
0x48: {  	_ =	shalt  }
0x49: {  	_ =	shalt  }
0x4a: {  	_ =	shalt  }
0x4b: {  	_ =	shalt  }
0x4c: {  	_ =	shalt  }
0x4d: {  	_ =	shalt  }
0x4e: {  	_ =	shalt  }
0x4f: {  	_ =	shalt  }
0x50: {  	_ =	shalt  }
0x51: {  	_ =	shalt  }
0x52: {  	_ =	shalt  }
0x53: {  	_ =	shalt  }
0x54: {  	_ =	shalt  }
0x55: {  	_ =	shalt  }
0x56: {  	_ =	shalt  }
0x57: {  	_ =	shalt  }
0x58: {  	_ =	shalt  }
0x59: {  	_ =	shalt  }
0x5a: {  	_ =	shalt  }
0x5b: {  	_ =	shalt  }
0x5c: {  	_ =	shalt  }
0x5d: {  	_ =	shalt  }
0x5e: {  	_ =	shalt  }
0x5f: {  	_ =	shalt  }
0x60: {  	_ =	shalt  }
0x61: {  	_ =	shalt  }
0x62: {  	_ =	shalt  }
0x63: {  	_ =	shalt  }
0x64: {  	_ =	shalt  }
0x65: {  	_ =	shalt  }
0x66: {  	_ =	shalt  }
0x67: {  	_ =	shalt  }
0x68: {  	_ =	shalt  }
0x69: {  	_ =	shalt  }
0x6a: {  	_ =	shalt  }
0x6b: {  	_ =	shalt  }
0x6c: {  	_ =	shalt  }
0x6d: {  	_ =	shalt  }
0x6e: {  	_ =	shalt  }
0x6f: {  	_ =	shalt  }
0x70: {  	_ =	shalt  }
0x71: {  	_ =	shalt  }
0x72: {  	_ =	shalt  }
0x73: {  	_ =	shalt  }
0x74: {  	_ =	shalt  }
0x75: {  	_ =	shalt  }
0x76: {  	_ =	shalt  }
0x77: {  	_ =	shalt  }
0x78: {  	_ =	shalt  }
0x79: {  	_ =	shalt  }
0x7a: {  	_ =	shalt  }
0x7b: {  	_ =	shalt  }
0x7c: {  	_ =	shalt  }
0x7d: {  	_ =	shalt  }
0x7e: {  	_ =	shalt  }
0x7f: {  	_ =	shalt  }
0x80: {  	_ =	shalt  }
0x81: {  	_ =	shalt  }
0x82: {  	_ =	shalt  }
0x83: {  	_ =	shalt  }
0x84: {  	_ =	shalt  }
0x85: {  	_ =	shalt  }
0x86: {  	_ =	shalt  }
0x87: {  	_ =	shalt  }
.Lfunc_end0:
.L_simem_size_0:
called_computation_lowered:
.L_overlay_start_0:
0x88: {  	s2 =	sld [smem:$0x3FD9]  }
0x89: {  	s3 =	sld [smem:$0x3FFE];
	_ =	sdelay $0x1  }
0x8a: {  	s1 =	srdreg.scid  }
0x8b: {  	s0 =	sand.u32 $0x1, s1  }
0x8c: {  	s14 =	sshll.u32 s0, $0xA;
	s2 =	sadd.s32 s3, s2  }
0x8d: {  	s2 =	sadd.s32 s2, s14  }
0x8e: {  	[smem:$0x3FB9] =	sst s2  }
0x8f: {  	_ = 	snop  }
0x90: {  	s2 =	sld [smem:$0x3FD0];
	_ =	sdelay $0x2  }
0x91: {  	s15 =	simm.s32 $0xA;
	s4 =	simm.s32 $0x10  }
0x92: {  	[smem:s4], [sflag:s15] =	dma.local [hbm:s2], $0x1  }
0x93: {  	_ =	swait.eq [sflag:s15], $0x1  }
0x94: {  	[sflag:s15] =	ssyncset.done $0x0  }
0x95: {  	[sflag:s15] =	ssyncadd.s32 $0xFFFFFFFF  }
0x96: {  	s16 =	sld [smem:$0x10];
	(tm) =	ssettm $0x1  }
0x97: {  	s17 =	sld [smem:$0x3FFB];
	_ =	sdelay $0x3  }
0x98: {  	_ =	strace s17  }
0x99: {  	s3 =	sld [smem:$0x3FFC];
	_ =	sdelay $0x3  }
0x9a: {  	_ =	strace s3  }
0x9b: {  	s3 =	sld [smem:$0x3FFD];
	_ =	sdelay $0x3  }
0x9c: {  	_ =	strace s3  }
0x9d: {  	_ =	strace $0x8FFFFFFF  }
0x9e: {  	s18 =	sld [smem:$0x3FDB];
	_ =	sdelay $0x1  }
0x9f: {  	s19 =	simm.s32 $_scs_section_size  }
0xa0: {  	s5 =	simm.s32 $_size__tile_overlayer_lowered;
	s6 =	simm.s32 $_tile_overlayer_lowered  }
0xa1: {  	s22 =	simm.s32 $0x1BFF;
	s21 =	sshll.u32 s6, $0x1;
	s3 =	sadd.s32 s19, s18  }
0xa2: {  	s7 =	simm.s32 $0x0;
	s20 =	sshll.u32 s5, $0x1;
	s5 =	sadd.s32 s21, s3  }
0xa3: {  	[timem:s7], [sflag:s22] =	dma.local [hbm:s5], s20  }
0xa4: {  	_ =	swait.ge [sflag:s22], s20  }
0xa5: {  	s4 =	ssub.s32 $0x0, s20;
	[sflag:s22] =	ssyncset.done $0x0  }
0xa6: {  	[sflag:s22] =	ssyncadd.s32 s4;
	_ =	sdelay $0x1  }
0xa7: {  	s23 =	simm.s32 $0x1B8B  }
0xa8: {  	_ =	swait.ge [sflag:s23], $0x1  }
0xa9: {  	[sflag:s23] =	ssyncset.done $0x0  }
0xaa: {  	s25 =	simm.s32 $0x1B8E;
	s24 =	sld [smem:$0x3FFE];
	[sflag:s23] =	ssyncadd.s32 $0xFFFFFFFF  }
0xab: {  	s26 =	simm.s32 $execute0_lowered;
	[smem:$0x3FD2] =	sst s25  }
0xac: {  	s5 =	sshll.u32 s26, $0x1;
	_ =	strace $0x80000046;
	[dreg:$0x1] =	wrdreg $0xFFFFFFFF  }
0xad: {  	s28 =	simm.s32 $_size_execute0_lowered;
	s3 =	sadd.s32 s3, s5;
	[dreg:$0x0] =	wrdreg $0x0  }
0xae: {  	s5 =	sshll.u32 s28, $0x1;
	[dreg:$0x2] =	wrdreg s3  }
0xaf: {  	[dreg:$0x3] =	wrdreg s5  }
0xb0: {  	[dreg:$0x4] =	wrdreg $0xC0  }
0xb1: {  	_ =	task [dreg:s7], $0x5FFFF  }
0xb2: {  	[dreg:$0x1] =	wrdreg $0xFFFFFFFF  }
0xb3: {  	[dreg:$0x0] =	wrdreg $0x60  }
0xb4: {  	[dreg:$0x2] =	wrdreg s16  }
0xb5: {  	[dreg:$0x3] =	wrdreg s24  }
0xb6: {  	[dreg:$0x4] =	wrdreg $0x6E400  }
0xb7: {  	[dreg:$0x5] =	wrdreg $0x9  }
0xb8: {  	_ =	task.clear_ibuf [dreg:s7], $0x6FFFF;
	_ =	strace $0x90000046  }
0xb9: {  	s29 =	simm.s32 $0x9;
	_ =	strace $0x80000048  }
0xba: {  	_ =	swait.ge [sflag:s29], $0x1  }
0xbb: {  	[sflag:s29] =	ssyncadd.s32 $0xFFFFFFFF  }
0xbc: {  	_ =	strace $0x90000048  }
0xbd: {  	_ =	sfence  }
0xbe: {  	s30 =	sld [smem:$0x0];
	_ =	sdelay $0x2  }
0xbf: {  	s31 =	sshll.u32 s1, $0xD;
	s1 =	sshrl.u32 s1, $0x2  }
0xc0: {  	s3 =	sand.u32 $0x4000, s31;
	s1 =	sadd.s32 s1, s30  }
0xc1: {  	s0 =	sor.u32 s3, s0;
	s1 =	sshll.u32 s1, $0x11  }
0xc2: {  	s0 =	sor.u32 s1, s0  }
0xc3: {  	s0 =	sadd.s32 $0x8F2B, s0  }
0xc4: {  	[sflag:s0] =	ssyncadd.remote.s32 $0x1  }
0xc5: {  	_ =	sfence.sel $0xFFFF  }
0xc6: {  	[dreg:$0x0] =	wrdreg $0xFFFFFFFF;
	(pc) =	sbr.abs _section_cstart, $3  }
0xc7: {  	[dreg:$0x1] =	wrdreg $0xFFFFFFFF  }
0xc8: {  	_ =	task.clear_ibuf [dreg:s7], $0x2FFFF;
	_ =	strace $0x9FFFFFFF  }
0xc9: {  	(tm) =	ssettm $0x7FFFFFFF  }
tec
execute0_lowered:
.L_overlay_start_1:
0x0: {  	(tag) =	ssettag $0x1  }
0x1: {  	s1 =	rddreg [dreg:$0x0]  }
0x2: {  	s0 =	srdreg.scid;
	s8 =	stileid.u32  }
0x3: {  	s2 =	rddreg [dreg:$0x1];
	s6 =	smul.u32 $0x2720, s8  }
0x4: {  	s3 =	rddreg [dreg:$0x2];
	s4 =	simm.s32 $0x0;
	s7 =	smul.u32 $0x14000, s8  }
0x5: {  	s30 =	simm.s32 $0x4E40;
	s0 =	sand.u32 $0x1, s0;
	s8 =	smul.u32 $0x50000, s8  }
0x6: {  	s31 =	simm.s32 $0x3;
	[smem:$0x7FF] =	sst s4;
	s5 =	smul.u32 $0x27200, s0  }
0x7: {  	s16 =	smul.u32 $0x140000, s0;
	_ =	strace $0x80000047;
	s0 =	ssub.s32 $0x2, s0  }
0x8: {  	s18 =	sshrl.u32 s8, $0x2;
	s19 =	sshrl.u32 s0, $0x1;
	s5 =	sadd.s32 s6, s5  }
0x9: {  	s17 =	sadd.s32 s7, s16;
	s6 =	sadd.s32 s18, s3;
	s0 =	ssub.s32 s0, s19  }
0xa: {  	s5 =	sshrl.u32 s5, $0x3;
	s20 =	sadd.s32 $0x1000, s6;
	s21 =	sadd.s32 $0x2000, s6  }
0xb: {  	s22 =	sadd.s32 $0x3000, s6;
	s23 =	sadd.s32 $0x4000, s6;
	s24 =	sadd.s32 $0x5000, s6  }
0xc: {  	s25 =	sadd.s32 $0x6000, s6;
	s26 =	sadd.s32 $0x7000, s6;
	[dreg:$0x4] =	wrdreg s20  }
0xd: {  	s13 =	sadd.s32 $0x8000, s6;
	s14 =	sadd.s32 $0x9000, s6;
	[dreg:$0x5] =	wrdreg s21  }
0xe: {  	s15 =	sadd.s32 $0xA000, s6;
	s16 =	sadd.s32 $0xB000, s6;
	[dreg:$0x6] =	wrdreg s22  }
0xf: {  	s18 =	sadd.s32 $0xD000, s6;
	s19 =	sadd.s32 $0xE000, s6;
	[dreg:$0x7] =	wrdreg s23  }
0x10: {  	s29 =	smax.u32 s0, $0x1;
	s0 =	simm.s32 $0x20;
	[dreg:$0x8] =	wrdreg s24  }
0x11: {  	s9 =	sadd.s32 s5, s2;
	s5 =	sshrl.u32 s17, $0x3;
	[dreg:$0x9] =	wrdreg s25  }
0x12: {  	[dreg:$0xa] =	wrdreg s26;
	s17 =	sadd.s32 $0xC000, s6;
	s20 =	sadd.s32 $0xF000, s6  }
0x13: {  	s21 =	sadd.s32 $0x10000, s6;
	s22 =	sadd.s32 $0x11000, s6;
	s23 =	sadd.s32 $0x12000, s6  }
0x14: {  	s24 =	sadd.s32 $0x13000, s6;
	s6 =	simm.s32 $0x1;
	s2 =	sadd.s32 s5, s2  }
0x15: {  	s5 =	sadd.s32 s7, s3;
	s25 =	sadd.s32 $0xCA00, s9;
	s26 =	sadd.s32 $0x2C00, s9  }
0x16: {  	v0 =	vimm.f32 $0.0e+00;
	s7 =	simm.s32 $0x2;
	s28 =	sadd.s32 $0x16800, s2;
	s2 =	simm.s32 $0x5E40  }
.LBB2_1:
0x17: {  	s8 =	simm.s32 $0x0;
	s9 =	simm.s32 $0x200  }
.LBB2_2:
0x18: {  	p0 =	sne.s32 s9, $0x3E00;
	[tilespmem:s8+$0x4EB0] =	vst v0  }
0x19: {  	[tilespmem:s8+$0x4E40] =	vst v0  }
0x1a: {  	[tilespmem:s8+$0x4E50] =	vst v0  }
.Ltmp0:
0x1b: {  	[tilespmem:s8+$0x4E60] =	vst v0;
	(pc) =	sbr.rel @p0 .LBB2_2-.Ltmp0, $4  }
0x1c: {  	[tilespmem:s8+$0x4E70] =	vst v0  }
0x1d: {  	[tilespmem:s8+$0x4E80] =	vst v0  }
0x1e: {  	[tilespmem:s8+$0x4E90] =	vst v0  }
0x1f: {  	[tilespmem:s8+$0x4EA0] =	vst v0;
	s8 =	sshra.s32 s9, $0x2;
	s9 =	sadd.s32 $0x200, s9  }
0x20: {  	[tilespmem:s8+$0x4EB0] =	vst v0  }
0x21: {  	[tilespmem:s8+$0x4E40] =	vst v0  }
0x22: {  	[tilespmem:s8+$0x4E50] =	vst v0  }
0x23: {  	[tilespmem:s8+$0x4E60] =	vst v0  }
0x24: {  	[tilespmem:s8+$0x4E70] =	vst v0  }
0x25: {  	[tilespmem:s8+$0x4E80] =	vst v0  }
0x26: {  	[tilespmem:s8+$0x4E90] =	vst v0  }
0x27: {  	[tilespmem:s8+$0x4EA0] =	vst v0  }
0x28: {  	[spmem:s5] =	stream.linear.scatter [tilespmem:s30], [sflag:$0x3], $0x1000, $0x38;
	[tilespmem:$0x1AE40] =	vst v63  }
0x29: {  	_ =	swait.ge [sflag:s31], $0x1000  }
0x2a: {  	[sflag:s31] =	ssyncset.done $0x0  }
0x2b: {  	s9 =	rddreg [dreg:$0x4];
	[sflag:s31] =	ssyncadd.s32 $0xFFFFF000  }
0x2c: {  	[spmem:s9] =	stream.linear.scatter [tilespmem:s30], [sflag:$0x3], $0x1000, $0x38;
	[tilespmem:$0x1AE40] =	vst v63  }
0x2d: {  	_ =	swait.ge [sflag:s31], $0x1000  }
0x2e: {  	[sflag:s31] =	ssyncset.done $0x0  }
0x2f: {  	s10 =	rddreg [dreg:$0x5];
	[sflag:s31] =	ssyncadd.s32 $0xFFFFF000  }
0x30: {  	[spmem:s10] =	stream.linear.scatter [tilespmem:s30], [sflag:$0x3], $0x1000, $0x38;
	[tilespmem:$0x1AE40] =	vst v63  }
0x31: {  	_ =	swait.ge [sflag:s31], $0x1000  }
0x32: {  	[sflag:s31] =	ssyncset.done $0x0  }
0x33: {  	s11 =	rddreg [dreg:$0x6];
	[sflag:s31] =	ssyncadd.s32 $0xFFFFF000  }
0x34: {  	[spmem:s11] =	stream.linear.scatter [tilespmem:s30], [sflag:$0x3], $0x1000, $0x38;
	[tilespmem:$0x1AE40] =	vst v63  }
0x35: {  	_ =	swait.ge [sflag:s31], $0x1000  }
0x36: {  	[sflag:s31] =	ssyncset.done $0x0  }
0x37: {  	s12 =	rddreg [dreg:$0x7];
	[sflag:s31] =	ssyncadd.s32 $0xFFFFF000  }
0x38: {  	[spmem:s12] =	stream.linear.scatter [tilespmem:s30], [sflag:$0x3], $0x1000, $0x38;
	[tilespmem:$0x1AE40] =	vst v63  }
0x39: {  	_ =	swait.ge [sflag:s31], $0x1000  }
0x3a: {  	[sflag:s31] =	ssyncset.done $0x0  }
0x3b: {  	s9 =	rddreg [dreg:$0x8];
	[sflag:s31] =	ssyncadd.s32 $0xFFFFF000  }
0x3c: {  	[spmem:s9] =	stream.linear.scatter [tilespmem:s30], [sflag:$0x3], $0x1000, $0x38;
	[tilespmem:$0x1AE40] =	vst v63  }
0x3d: {  	_ =	swait.ge [sflag:s31], $0x1000  }
0x3e: {  	[sflag:s31] =	ssyncset.done $0x0  }
0x3f: {  	s10 =	rddreg [dreg:$0x9];
	[sflag:s31] =	ssyncadd.s32 $0xFFFFF000  }
0x40: {  	[spmem:s10] =	stream.linear.scatter [tilespmem:s30], [sflag:$0x3], $0x1000, $0x38;
	[tilespmem:$0x1AE40] =	vst v63  }
0x41: {  	_ =	swait.ge [sflag:s31], $0x1000  }
0x42: {  	[sflag:s31] =	ssyncset.done $0x0  }
0x43: {  	s11 =	rddreg [dreg:$0xa];
	[sflag:s31] =	ssyncadd.s32 $0xFFFFF000  }
0x44: {  	[spmem:s11] =	stream.linear.scatter [tilespmem:s30], [sflag:$0x3], $0x1000, $0x38;
	[tilespmem:$0x1AE40] =	vst v63  }
0x45: {  	_ =	swait.ge [sflag:s31], $0x1000  }
0x46: {  	[sflag:s31] =	ssyncset.done $0x0  }
0x47: {  	[sflag:s31] =	ssyncadd.s32 $0xFFFFF000  }
0x48: {  	[spmem:s13] =	stream.linear.scatter [tilespmem:s30], [sflag:$0x3], $0x1000, $0x38;
	[tilespmem:$0x1AE40] =	vst v63  }
0x49: {  	_ =	swait.ge [sflag:s31], $0x1000  }
0x4a: {  	[sflag:s31] =	ssyncset.done $0x0  }
0x4b: {  	[sflag:s31] =	ssyncadd.s32 $0xFFFFF000  }
0x4c: {  	[spmem:s14] =	stream.linear.scatter [tilespmem:s30], [sflag:$0x3], $0x1000, $0x38;
	[tilespmem:$0x1AE40] =	vst v63  }
0x4d: {  	_ =	swait.ge [sflag:s31], $0x1000  }
0x4e: {  	[sflag:s31] =	ssyncset.done $0x0  }
0x4f: {  	[sflag:s31] =	ssyncadd.s32 $0xFFFFF000  }
0x50: {  	[spmem:s15] =	stream.linear.scatter [tilespmem:s30], [sflag:$0x3], $0x1000, $0x38;
	[tilespmem:$0x1AE40] =	vst v63  }
0x51: {  	_ =	swait.ge [sflag:s31], $0x1000  }
0x52: {  	[sflag:s31] =	ssyncset.done $0x0  }
0x53: {  	[sflag:s31] =	ssyncadd.s32 $0xFFFFF000  }
0x54: {  	[spmem:s16] =	stream.linear.scatter [tilespmem:s30], [sflag:$0x3], $0x1000, $0x38;
	[tilespmem:$0x1AE40] =	vst v63  }
0x55: {  	_ =	swait.ge [sflag:s31], $0x1000  }
0x56: {  	[sflag:s31] =	ssyncset.done $0x0  }
0x57: {  	[sflag:s31] =	ssyncadd.s32 $0xFFFFF000  }
0x58: {  	[spmem:s17] =	stream.linear.scatter [tilespmem:s30], [sflag:$0x3], $0x1000, $0x38;
	[tilespmem:$0x1AE40] =	vst v63  }
0x59: {  	_ =	swait.ge [sflag:s31], $0x1000  }
0x5a: {  	[sflag:s31] =	ssyncset.done $0x0  }
0x5b: {  	[sflag:s31] =	ssyncadd.s32 $0xFFFFF000  }
0x5c: {  	[spmem:s18] =	stream.linear.scatter [tilespmem:s30], [sflag:$0x3], $0x1000, $0x38;
	[tilespmem:$0x1AE40] =	vst v63  }
0x5d: {  	_ =	swait.ge [sflag:s31], $0x1000  }
0x5e: {  	[sflag:s31] =	ssyncset.done $0x0  }
0x5f: {  	[sflag:s31] =	ssyncadd.s32 $0xFFFFF000  }
0x60: {  	[spmem:s19] =	stream.linear.scatter [tilespmem:s30], [sflag:$0x3], $0x1000, $0x38;
	[tilespmem:$0x1AE40] =	vst v63  }
0x61: {  	_ =	swait.ge [sflag:s31], $0x1000  }
0x62: {  	[sflag:s31] =	ssyncset.done $0x0  }
0x63: {  	[sflag:s31] =	ssyncadd.s32 $0xFFFFF000  }
0x64: {  	[spmem:s20] =	stream.linear.scatter [tilespmem:s30], [sflag:$0x3], $0x1000, $0x38;
	[tilespmem:$0x1AE40] =	vst v63  }
0x65: {  	_ =	swait.ge [sflag:s31], $0x1000  }
0x66: {  	[sflag:s31] =	ssyncset.done $0x0  }
0x67: {  	[sflag:s31] =	ssyncadd.s32 $0xFFFFF000  }
0x68: {  	[spmem:s21] =	stream.linear.scatter [tilespmem:s30], [sflag:$0x3], $0x1000, $0x38;
	[tilespmem:$0x1AE40] =	vst v63  }
0x69: {  	_ =	swait.ge [sflag:s31], $0x1000  }
0x6a: {  	[sflag:s31] =	ssyncset.done $0x0  }
0x6b: {  	[sflag:s31] =	ssyncadd.s32 $0xFFFFF000  }
0x6c: {  	[spmem:s22] =	stream.linear.scatter [tilespmem:s30], [sflag:$0x3], $0x1000, $0x38;
	[tilespmem:$0x1AE40] =	vst v63  }
0x6d: {  	_ =	swait.ge [sflag:s31], $0x1000  }
0x6e: {  	[sflag:s31] =	ssyncset.done $0x0  }
0x6f: {  	[sflag:s31] =	ssyncadd.s32 $0xFFFFF000  }
0x70: {  	[spmem:s23] =	stream.linear.scatter [tilespmem:s30], [sflag:$0x3], $0x1000, $0x38;
	[tilespmem:$0x1AE40] =	vst v63  }
0x71: {  	_ =	swait.ge [sflag:s31], $0x1000  }
0x72: {  	[sflag:s31] =	ssyncset.done $0x0  }
0x73: {  	[sflag:s31] =	ssyncadd.s32 $0xFFFFF000  }
0x74: {  	[spmem:s24] =	stream.linear.scatter [tilespmem:s30], [sflag:$0x3], $0x1000, $0x38;
	[tilespmem:$0x1AE40] =	vst v63  }
0x75: {  	_ =	swait.ge [sflag:s31], $0x1000  }
0x76: {  	[sflag:s31] =	ssyncset.done $0x0  }
0x77: {  	s12 =	simm.s32 $0x0;
	[sflag:s31] =	ssyncadd.s32 $0xFFFFF000  }
0x78: {  	[tilespmem:s12], [sflag:$0x3] =	stream.linear.gather [hbm4b:s25+s12], $0x2720, $0x38;
	[tilespmem:$0x1AE40] =	vst v63  }
0x79: {  	_ =	swait.ge [sflag:s31], $0x2720  }
0x7a: {  	[sflag:s31] =	ssyncset.done $0x0  }
0x7b: {  	s9 =	simm.s32 $0x2720;
	[sflag:s31] =	ssyncadd.s32 $0xFFFFD8E0  }
0x7c: {  	[tilespmem:s9], [sflag:$0x3] =	stream.linear.gather [hbm4b:s26+s12], $0x2720, $0x38;
	[tilespmem:$0x1AE40] =	vst v63  }
0x7d: {  	_ =	swait.ge [sflag:s31], $0x2720  }
0x7e: {  	[sflag:s31] =	ssyncset.done $0x0  }
0x7f: {  	[sflag:s31] =	ssyncadd.s32 $0xFFFFD8E0  }
0x80: {  	[bflag:$0x0] =	sbarrier.arrive $0xFFFF  }
0x81: {  	[tilespmem:s30], [sflag:$0x1] =	stream.indirect.gather [hbm4b:s1+s0], $0x80, s12, s0, $0xb8;
	[tilespmem:$0x1AE40] =	vst v63  }
0x82: {  	s9 =	simm.s32 $0x20  }
0x83: {  	[tilespmem:s2], [sflag:$0x2] =	stream.indirect.gather [hbm4b:s1+s0], $0x80, s9, s0, $0xb8;
	[tilespmem:$0x1AE40] =	vst v63  }
0x84: {  	_ =	swait.ge [sflag:s6], $0x1000  }
0x85: {  	[sflag:s6] =	ssyncset.done $0x0  }
0x86: {  	s10 =	simm.s32 $0x2720;
	[sflag:s6] =	ssyncadd.s32 $0xFFFFF000  }
0x87: {  	[spmem:s3] =	stream.indirect.scatter.add.f32 [tilespmem:s30], [sflag:$0x3], $0x80, s10, s0, $0xb8;
	[tilespmem:$0x1AE40] =	vst v63  }
0x88: {  	_ =	swait.ge [sflag:s31], $0x1000  }
0x89: {  	[sflag:s31] =	ssyncset.done $0x0  }
0x8a: {  	s11 =	simm.s32 $0x40;
	[sflag:s31] =	ssyncadd.s32 $0xFFFFF000  }
0x8b: {  	[tilespmem:s30], [sflag:$0x1] =	stream.indirect.gather [hbm4b:s1+s0], $0x80, s11, s0, $0xb8;
	[tilespmem:$0x1AE40] =	vst v63  }
0x8c: {  	_ =	swait.ge [sflag:s7], $0x1000  }
0x8d: {  	[sflag:s7] =	ssyncset.done $0x0  }
0x8e: {  	s12 =	simm.s32 $0x2740;
	[sflag:s7] =	ssyncadd.s32 $0xFFFFF000  }
0x8f: {  	[spmem:s3] =	stream.indirect.scatter.add.f32 [tilespmem:s2], [sflag:$0x3], $0x80, s12, s0, $0xb8;
	[tilespmem:$0x1AE40] =	vst v63  }
0x90: {  	_ =	swait.ge [sflag:s31], $0x1000  }
0x91: {  	s8 =	simm.s32 $0x40;
	s9 =	simm.s32 $0x200;
	[sflag:s31] =	ssyncset.done $0x0  }
.LBB2_4:
0x92: {  	s10 =	sadd.s32 $0x20, s8  }
0x93: {  	[sflag:s31] =	ssyncadd.s32 $0xFFFFF000;
	s11 =	smov.u32 s9;
	s12 =	sadd.s32 $0x100, s9  }
0x94: {  	[tilespmem:s2], [sflag:$0x2] =	stream.indirect.gather [hbm4b:s1+s0], $0x80, s10, s0, $0xb8;
	[tilespmem:$0x1AE40] =	vst v63  }
0x95: {  	p0 =	sne.s32 s9, $0x9B00;
	_ =	swait.ge [sflag:s6], $0x1000  }
0x96: {  	[sflag:s6] =	ssyncset.done $0x0  }
0x97: {  	s9 =	sadd.s32 $0x2720, s8;
	[sflag:s6] =	ssyncadd.s32 $0xFFFFF000  }
0x98: {  	[spmem:s3] =	stream.indirect.scatter.add.f32 [tilespmem:s30], [sflag:$0x3], $0x80, s9, s0, $0xb8;
	[tilespmem:$0x1AE40] =	vst v63  }
0x99: {  	_ =	swait.ge [sflag:s31], $0x1000  }
0x9a: {  	[sflag:s31] =	ssyncset.done $0x0  }
0x9b: {  	s9 =	sadd.s32 $0x40, s8;
	[sflag:s31] =	ssyncadd.s32 $0xFFFFF000  }
0x9c: {  	[tilespmem:s30], [sflag:$0x1] =	stream.indirect.gather [hbm4b:s1+s0], $0x80, s9, s0, $0xb8;
	[tilespmem:$0x1AE40] =	vst v63  }
0x9d: {  	_ =	swait.ge [sflag:s7], $0x1000  }
.Ltmp1:
0x9e: {  	[sflag:s7] =	ssyncset.done $0x0;
	(pc) =	sbr.rel @p0 .LBB2_4-.Ltmp1, $4  }
0x9f: {  	s8 =	sadd.s32 $0x2740, s8;
	[sflag:s7] =	ssyncadd.s32 $0xFFFFF000  }
0xa0: {  	[spmem:s3] =	stream.indirect.scatter.add.f32 [tilespmem:s2], [sflag:$0x3], $0x80, s8, s0, $0xb8;
	[tilespmem:$0x1AE40] =	vst v63  }
0xa1: {  	_ =	swait.ge [sflag:s31], $0x1000  }
0xa2: {  	s9 =	smov.u32 s12;
	s8 =	sshra.s32 s11, $0x2;
	[sflag:s31] =	ssyncset.done $0x0  }
0xa3: {  	s9 =	sadd.s32 $0x20, s8;
	[sflag:s31] =	ssyncadd.s32 $0xFFFFF000  }
0xa4: {  	[tilespmem:s2], [sflag:$0x2] =	stream.indirect.gather [hbm4b:s1+s0], $0x80, s9, s0, $0xb8;
	[tilespmem:$0x1AE40] =	vst v63  }
0xa5: {  	_ =	swait.ge [sflag:s6], $0x1000  }
0xa6: {  	[sflag:s6] =	ssyncset.done $0x0  }
0xa7: {  	s11 =	sadd.s32 $0x2720, s8;
	[sflag:s6] =	ssyncadd.s32 $0xFFFFF000  }
0xa8: {  	[spmem:s3] =	stream.indirect.scatter.add.f32 [tilespmem:s30], [sflag:$0x3], $0x80, s11, s0, $0xb8;
	[tilespmem:$0x1AE40] =	vst v63  }
0xa9: {  	_ =	swait.ge [sflag:s31], $0x1000  }
0xaa: {  	[sflag:s31] =	ssyncset.done $0x0  }
0xab: {  	s12 =	sadd.s32 $0x40, s8;
	[sflag:s31] =	ssyncadd.s32 $0xFFFFF000  }
0xac: {  	[tilespmem:s30], [sflag:$0x1] =	stream.indirect.gather [hbm4b:s1+s0], $0x80, s12, s0, $0xb8;
	[tilespmem:$0x1AE40] =	vst v63  }
0xad: {  	_ =	swait.ge [sflag:s7], $0x1000  }
0xae: {  	[sflag:s7] =	ssyncset.done $0x0  }
0xaf: {  	s9 =	sadd.s32 $0x2740, s8;
	[sflag:s7] =	ssyncadd.s32 $0xFFFFF000  }
0xb0: {  	[spmem:s3] =	stream.indirect.scatter.add.f32 [tilespmem:s2], [sflag:$0x3], $0x80, s9, s0, $0xb8;
	[tilespmem:$0x1AE40] =	vst v63  }
0xb1: {  	_ =	swait.ge [sflag:s31], $0x1000  }
0xb2: {  	[sflag:s31] =	ssyncset.done $0x0  }
0xb3: {  	[sflag:s31] =	ssyncadd.s32 $0xFFFFF000  }
0xb4: {  	_ =	swait.ge [sflag:s6], $0x1000  }
0xb5: {  	[sflag:s6] =	ssyncset.done $0x0  }
0xb6: {  	s10 =	simm.s32 $0x4E20;
	[sflag:s6] =	ssyncadd.s32 $0xFFFFF000  }
0xb7: {  	[spmem:s3] =	stream.indirect.scatter.add.f32 [tilespmem:s30], [sflag:$0x3], $0x80, s10, s0, $0xb8;
	[tilespmem:$0x1AE40] =	vst v63  }
0xb8: {  	s11 =	stileid.u32;
	_ =	swait.ge [sflag:s31], $0x1000  }
0xb9: {  	s4 =	sadd.s32 $0x1, s4;
	s8 =	sshll.u32 s11, $0x6;
	[sflag:s31] =	ssyncset.done $0x0  }
0xba: {  	p0 =	sne.s32 s4, s29;
	s8 =	sor.u32 $0x1C03, s8;
	[sflag:s31] =	ssyncadd.s32 $0xFFFFF000  }
.Ltmp2:
0xbb: {  	s12 =	sshrl.u32 s5, $0x3;
	[bflag:$0x0] =	sbarrier.arrive $0xFFFF;
	(pc) =	sbr.rel @p0 .LBB2_1-.Ltmp2, $4  }
0xbc: {  	[hbm:s28], [sflag:s8] =	dma.local [spmem:s12], $0x2800  }
0xbd: {  	_ =	swait.ge [sflag:s31], $0x2800  }
0xbe: {  	[sflag:s31] =	ssyncset.done $0x0  }
0xbf: {  	[sflag:s31] =	ssyncadd.s32 $0xFFFFD800  }
0xc0: {  	_ =	sfence.sel $0x180000  }
0xc1: {  	[bflag:$0x0] =	sbarrier.arrive $0xFFFF  }
0xc2: {  	_ =	strace $0x90000047  }
0xc3: {  	s0 =	stileid.u32;
	[bflag:$0x2] =	sbarrier.arrive $0xFFFF  }
0xc4: {  	p0 =	sne.s32 s0, $0x0;
	s0 =	rddreg [dreg:$0x3]  }
0xc5: {  	s0 =	sadd.s32 @!p0 $0x100000, s0  }
0xc6: {  	[sflag:s0] =	ssyncadd.tile.s32 @!p0 $0x1;
	_ =	shalt  }
.Lfunc_end2:
_tile_overlayer_lowered:
.L_overlay_start_2:
0xc7: {  	(tag) =	ssettag $0x2  }
0xc8: {  	s0 =	rddreg [dreg:$0x0];
	s2 =	stileid.u32  }
0xc9: {  	s1 =	rddreg [dreg:$0x1];
	p0 =	sne.s32 s2, $0x0  }
0xca: {  	s3 =	rddreg [dreg:$0x2];
	[bflag:$0x3] =	sbarrier.arrive $0xFFFF;
	s2 =	simm.s32 @!p0 $0x1C03  }
0xcb: {  	[timem:s3], [sflag:s2] =	dma.local @!p0 [hbm:s0], s1  }
0xcc: {  	s0 =	simm.s32 @!p0 $0x3  }
0xcd: {  	_ =	swait.ge @!p0 [sflag:s0], s1  }
0xce: {  	s1 =	ssub.s32 @!p0 $0x0, s1;
	[sflag:s0] =	ssyncset.done @!p0 $0x0  }
0xcf: {  	[sflag:s0] =	ssyncadd.s32 @!p0 s1  }
0xd0: {  	[bflag:$0x3] =	sbarrier.arrive $0xFFFF  }
0xd1: {  	_ =	shalt  }

// kernel: kernel.9.cloned.1.call-start
scs
__scs_entry_jumppad:
0x0: {  	(pc) =	sbr.rel $0x88, $3  }
0x1: {  	(tag) =	ssettag $0x0;
	lr =	simm.s32 $0x1  }
0x2: {  	[smem:$0x3F92] =	sst lr;
	_ =	strace $0xD0000000  }
0x3: {  	_ = 	snop  }
0x4: {  	_ = 	snop  }
0x5: {  	_ = 	snop  }
0x6: {  	_ = 	snop  }
0x7: {  	_ = 	snop  }
__scs_overlays_trampoline_lowered:
0x8: {  	[smem:$0x3FA1] =	sst s0  }
0x9: {  	[smem:$0x3FA2] =	sst s1  }
0xa: {  	[smem:$0x3FA3] =	sst s2  }
0xb: {  	[smem:$0x3FA4] =	sst s3  }
0xc: {  	[smem:$0x3FA5] =	sst s4  }
0xd: {  	[smem:$0x3FA6] =	sst s5  }
0xe: {  	[smem:$0x3FA7] =	sst s6  }
0xf: {  	[smem:$0x3FA8] =	sst s7  }
0x10: {  	[smem:$0x3FA9] =	sst s8  }
0x11: {  	[smem:$0x3FAA] =	sst s9;
	s0 =	simm.s32 @!p0 $0x0  }
0x12: {  	s1 =	sld [smem:$0x3F90];
	s0 =	simm.s32 @p0 $0x1  }
0x13: {  	[smem:$0x3FAB] =	sst s0;
	s0 =	simm.s32 @!p1 $0x0  }
0x14: {  	s2 =	sld [smem:$0x3F8F];
	s0 =	simm.s32 @p1 $0x1  }
0x15: {  	[smem:$0x3FAC] =	sst s0;
	s0 =	simm.s32 @!p2 $0x0  }
0x16: {  	s3 =	sld [smem:$0x3FDB];
	s0 =	simm.s32 @p2 $0x1  }
0x17: {  	s4 =	simm.s32 $0x1BF5;
	[smem:$0x3FAE] =	sst s0  }
0x18: {  	s0 =	sld [smem:$0x3F91];
	_ =	swait.ge [sflag:s4], $0x0  }
0x19: {  	s7 =	sld [smem:$0x3F92]  }
0x1a: {  	s8 =	sadd.s32 $0xFFFFE003, lr  }
0x1b: {  	s9 =	sadd.s32 $0xFFFFFEF7, lr;
	s5 =	simm.s32 $0xFFFFFFFF;
	p2 =	slt.u32 s8, $0xFFFFF086  }
0x1c: {  	p1 =	slt.u32 s9, $0xF7A;
	s5 =	simm.s32 @!p2 $0x0  }
0x1d: {  	s5 =	simm.s32 @p1 $0x1;
	p0 =	seq.s32 s7, s2  }
0x1e: {  	s7 =	smul.u32 @!p0 $0xF7A, s2;
	p2 =	seq.s32 @!p0 s5, $0x0  }
0x1f: {  	s9 =	smul.u32 $0xF7A, s1;
	s8 =	simm.s32 @!p0 $0x1BF5;
	p2 =	por !p2, p0  }
0x20: {  	[sflag:s8] =	ssyncset.s32 @!p0 $0xFFFFF086;
	s6 =	sadd.s32 @!p0 s3, s7;
	s7 =	simm.s32 @!p0 $0x108  }
0x21: {  	s3 =	sadd.s32 s3, s9;
	s6 =	sadd.s32 @!p0 $0x88, s6;
	s7 =	simm.s32 @p2 $0x1082  }
0x22: {  	[simem:s7], [sflag:s8] =	dma.local @!p0 [hbm:s6], $0xF7A  }
0x23: {  	s9 =	sor.u32 $0xD0000000, s2;
	s6 =	simm.s32 $0x108;
	_ =	swait.ge @!p0 [sflag:s8], $0x0  }
0x24: {  	s3 =	sadd.s32 $0x88, s3;
	s6 =	simm.s32 @!p1 $0x1082;
	[sflag:s4] =	ssyncset.s32 $0xFFFFF086  }
0x25: {  	[simem:s6], [sflag:s4] =	dma.local [hbm:s3], $0xF7A  }
0x26: {  	[smem:$0x3F92] =	sst s1;
	(tag) =	ssettag s2;
	_ =	strace s9  }
0x27: {  	s1 =	sld [smem:$0x3FA2]  }
0x28: {  	s2 =	sld [smem:$0x3FA3]  }
0x29: {  	s4 =	sld [smem:$0x3FA5]  }
0x2a: {  	p0 =	seq.s32 s5, $0x0;
	s5 =	sld [smem:$0x3FA6]  }
0x2b: {  	s6 =	sld [smem:$0x3FA7]  }
0x2c: {  	s7 =	sld [smem:$0x3FA8]  }
0x2d: {  	s3 =	simm.s32 $0x108;
	s8 =	sld [smem:$0x3FA9]  }
0x2e: {  	s3 =	simm.s32 @!p0 $0x1082;
	s9 =	sld [smem:$0x3FAA]  }
0x2f: {  	lr =	sadd.s32 s0, s3;
	s0 =	sld [smem:$0x3FA1]  }
0x30: {  	s3 =	sld [smem:$0x3FA4]  }
0x31: {  	[smem:$0x3FAD] =	sst s10  }
0x32: {  	s10 =	sld [smem:$0x3FAB];
	_ =	sdelay $0x3  }
0x33: {  	p0 =	seq.s32 s10, $0x1;
	s10 =	sld [smem:$0x3FAD];
	_ =	sdelay $0x3  }
0x34: {  	[smem:$0x3FAD] =	sst s10  }
0x35: {  	s10 =	sld [smem:$0x3FAC];
	_ =	sdelay $0x3  }
0x36: {  	p1 =	seq.s32 s10, $0x1;
	s10 =	sld [smem:$0x3FAD];
	_ =	sdelay $0x3  }
0x37: {  	[smem:$0x3FAD] =	sst s10  }
0x38: {  	s10 =	sld [smem:$0x3FAE]  }
0x39: {  	_ = 	snop;
	(pc) =	sbr.ind lr, $3  }
0x3a: {  	_ = 	snop  }
0x3b: {  	_ = 	snop  }
0x3c: {  	p2 =	seq.s32 s10, $0x1;
	s10 =	sld [smem:$0x3FAD]  }
0x3d: {  	_ =	shalt  }
0x3e: {  	_ =	shalt  }
0x3f: {  	_ =	shalt  }
0x40: {  	_ =	shalt  }
0x41: {  	_ =	shalt  }
0x42: {  	_ =	shalt  }
0x43: {  	_ =	shalt  }
0x44: {  	_ =	shalt  }
0x45: {  	_ =	shalt  }
0x46: {  	_ =	shalt  }
0x47: {  	_ =	shalt  }
0x48: {  	_ =	shalt  }
0x49: {  	_ =	shalt  }
0x4a: {  	_ =	shalt  }
0x4b: {  	_ =	shalt  }
0x4c: {  	_ =	shalt  }
0x4d: {  	_ =	shalt  }
0x4e: {  	_ =	shalt  }
0x4f: {  	_ =	shalt  }
0x50: {  	_ =	shalt  }
0x51: {  	_ =	shalt  }
0x52: {  	_ =	shalt  }
0x53: {  	_ =	shalt  }
0x54: {  	_ =	shalt  }
0x55: {  	_ =	shalt  }
0x56: {  	_ =	shalt  }
0x57: {  	_ =	shalt  }
0x58: {  	_ =	shalt  }
0x59: {  	_ =	shalt  }
0x5a: {  	_ =	shalt  }
0x5b: {  	_ =	shalt  }
0x5c: {  	_ =	shalt  }
0x5d: {  	_ =	shalt  }
0x5e: {  	_ =	shalt  }
0x5f: {  	_ =	shalt  }
0x60: {  	_ =	shalt  }
0x61: {  	_ =	shalt  }
0x62: {  	_ =	shalt  }
0x63: {  	_ =	shalt  }
0x64: {  	_ =	shalt  }
0x65: {  	_ =	shalt  }
0x66: {  	_ =	shalt  }
0x67: {  	_ =	shalt  }
0x68: {  	_ =	shalt  }
0x69: {  	_ =	shalt  }
0x6a: {  	_ =	shalt  }
0x6b: {  	_ =	shalt  }
0x6c: {  	_ =	shalt  }
0x6d: {  	_ =	shalt  }
0x6e: {  	_ =	shalt  }
0x6f: {  	_ =	shalt  }
0x70: {  	_ =	shalt  }
0x71: {  	_ =	shalt  }
0x72: {  	_ =	shalt  }
0x73: {  	_ =	shalt  }
0x74: {  	_ =	shalt  }
0x75: {  	_ =	shalt  }
0x76: {  	_ =	shalt  }
0x77: {  	_ =	shalt  }
0x78: {  	_ =	shalt  }
0x79: {  	_ =	shalt  }
0x7a: {  	_ =	shalt  }
0x7b: {  	_ =	shalt  }
0x7c: {  	_ =	shalt  }
0x7d: {  	_ =	shalt  }
0x7e: {  	_ =	shalt  }
0x7f: {  	_ =	shalt  }
0x80: {  	_ =	shalt  }
0x81: {  	_ =	shalt  }
0x82: {  	_ =	shalt  }
0x83: {  	_ =	shalt  }
0x84: {  	_ =	shalt  }
0x85: {  	_ =	shalt  }
0x86: {  	_ =	shalt  }
0x87: {  	_ =	shalt  }
.Lfunc_end0:
.L_simem_size_0:
called_computation.1_lowered:
.L_overlay_start_0:
0x88: {  	s2 =	sld [smem:$0x3FD9]  }
0x89: {  	s3 =	sld [smem:$0x3FFE];
	_ =	sdelay $0x1  }
0x8a: {  	s1 =	srdreg.scid  }
0x8b: {  	s0 =	sand.u32 $0x1, s1  }
0x8c: {  	s14 =	sshll.u32 s0, $0xA;
	s2 =	sadd.s32 s3, s2  }
0x8d: {  	s2 =	sadd.s32 s2, s14  }
0x8e: {  	[smem:$0x3FB9] =	sst s2  }
0x8f: {  	_ = 	snop  }
0x90: {  	s2 =	sld [smem:$0x3FD0];
	_ =	sdelay $0x2  }
0x91: {  	s15 =	simm.s32 $0xA;
	s4 =	simm.s32 $0x10  }
0x92: {  	[smem:s4], [sflag:s15] =	dma.local [hbm:s2], $0x1  }
0x93: {  	_ =	swait.eq [sflag:s15], $0x1  }
0x94: {  	[sflag:s15] =	ssyncset.done $0x0  }
0x95: {  	[sflag:s15] =	ssyncadd.s32 $0xFFFFFFFF  }
0x96: {  	s16 =	sld [smem:$0x10];
	(tm) =	ssettm $0x1  }
0x97: {  	s17 =	sld [smem:$0x3FFB];
	_ =	sdelay $0x3  }
0x98: {  	_ =	strace s17  }
0x99: {  	s3 =	sld [smem:$0x3FFC];
	_ =	sdelay $0x3  }
0x9a: {  	_ =	strace s3  }
0x9b: {  	s3 =	sld [smem:$0x3FFD];
	_ =	sdelay $0x3  }
0x9c: {  	_ =	strace s3  }
0x9d: {  	_ =	strace $0x8FFFFFFF  }
0x9e: {  	s18 =	sld [smem:$0x3FDB];
	_ =	sdelay $0x1  }
0x9f: {  	s19 =	simm.s32 $_scs_section_size  }
0xa0: {  	s5 =	simm.s32 $_size__tile_overlayer_lowered;
	s6 =	simm.s32 $_tile_overlayer_lowered  }
0xa1: {  	s22 =	simm.s32 $0x1BFF;
	s21 =	sshll.u32 s6, $0x1;
	s3 =	sadd.s32 s19, s18  }
0xa2: {  	s7 =	simm.s32 $0x0;
	s20 =	sshll.u32 s5, $0x1;
	s5 =	sadd.s32 s21, s3  }
0xa3: {  	[timem:s7], [sflag:s22] =	dma.local [hbm:s5], s20  }
0xa4: {  	_ =	swait.ge [sflag:s22], s20  }
0xa5: {  	s4 =	ssub.s32 $0x0, s20;
	[sflag:s22] =	ssyncset.done $0x0  }
0xa6: {  	[sflag:s22] =	ssyncadd.s32 s4;
	_ =	sdelay $0x1  }
0xa7: {  	s23 =	simm.s32 $0x1B8B  }
0xa8: {  	_ =	swait.ge [sflag:s23], $0x1  }
0xa9: {  	[sflag:s23] =	ssyncset.done $0x0  }
0xaa: {  	s25 =	simm.s32 $0x1B8E;
	s24 =	sld [smem:$0x3FFE];
	[sflag:s23] =	ssyncadd.s32 $0xFFFFFFFF  }
0xab: {  	s26 =	simm.s32 $execute0_lowered;
	[smem:$0x3FD2] =	sst s25  }
0xac: {  	s5 =	sshll.u32 s26, $0x1;
	_ =	strace $0x80000049;
	[dreg:$0x1] =	wrdreg $0xFFFFFFFF  }
0xad: {  	s28 =	simm.s32 $_size_execute0_lowered;
	s3 =	sadd.s32 s3, s5;
	[dreg:$0x0] =	wrdreg $0x0  }
0xae: {  	s5 =	sshll.u32 s28, $0x1;
	[dreg:$0x2] =	wrdreg s3  }
0xaf: {  	[dreg:$0x3] =	wrdreg s5  }
0xb0: {  	[dreg:$0x4] =	wrdreg $0xC0  }
0xb1: {  	_ =	task [dreg:s7], $0x5FFFF  }
0xb2: {  	[dreg:$0x1] =	wrdreg $0xFFFFFFFF  }
0xb3: {  	[dreg:$0x0] =	wrdreg $0x60  }
0xb4: {  	[dreg:$0x2] =	wrdreg s16  }
0xb5: {  	[dreg:$0x3] =	wrdreg s24  }
0xb6: {  	[dreg:$0x4] =	wrdreg $0x6E400  }
0xb7: {  	[dreg:$0x5] =	wrdreg $0x9  }
0xb8: {  	_ =	task.clear_ibuf [dreg:s7], $0x6FFFF;
	_ =	strace $0x90000049  }
0xb9: {  	s29 =	simm.s32 $0x9;
	_ =	strace $0x8000004B  }
0xba: {  	_ =	swait.ge [sflag:s29], $0x1  }
0xbb: {  	[sflag:s29] =	ssyncadd.s32 $0xFFFFFFFF  }
0xbc: {  	_ =	strace $0x9000004B  }
0xbd: {  	_ =	sfence  }
0xbe: {  	s30 =	sld [smem:$0x0];
	_ =	sdelay $0x2  }
0xbf: {  	s31 =	sshll.u32 s1, $0xD;
	s1 =	sshrl.u32 s1, $0x2  }
0xc0: {  	s3 =	sand.u32 $0x4000, s31;
	s1 =	sadd.s32 s1, s30  }
0xc1: {  	s0 =	sor.u32 s3, s0;
	s1 =	sshll.u32 s1, $0x11  }
0xc2: {  	s0 =	sor.u32 s1, s0  }
0xc3: {  	s0 =	sadd.s32 $0x8F2B, s0  }
0xc4: {  	[sflag:s0] =	ssyncadd.remote.s32 $0x1  }
0xc5: {  	_ =	sfence.sel $0xFFFF  }
0xc6: {  	[dreg:$0x0] =	wrdreg $0xFFFFFFFF;
	(pc) =	sbr.abs _section_cstart, $3  }
0xc7: {  	[dreg:$0x1] =	wrdreg $0xFFFFFFFF  }
0xc8: {  	_ =	task.clear_ibuf [dreg:s7], $0x2FFFF;
	_ =	strace $0x9FFFFFFF  }
0xc9: {  	(tm) =	ssettm $0x7FFFFFFF  }
tec
execute0_lowered:
.L_overlay_start_1:
0x0: {  	(tag) =	ssettag $0x1  }
0x1: {  	s1 =	rddreg [dreg:$0x0]  }
0x2: {  	s0 =	srdreg.scid;
	s8 =	stileid.u32  }
0x3: {  	s2 =	rddreg [dreg:$0x1];
	s6 =	smul.u32 $0x2720, s8  }
0x4: {  	s3 =	rddreg [dreg:$0x2];
	s4 =	simm.s32 $0x0;
	s7 =	smul.u32 $0x14000, s8  }
0x5: {  	s30 =	simm.s32 $0x4E40;
	s0 =	sand.u32 $0x1, s0;
	s8 =	smul.u32 $0x50000, s8  }
0x6: {  	s31 =	simm.s32 $0x3;
	[smem:$0x7FF] =	sst s4;
	s5 =	smul.u32 $0x27200, s0  }
0x7: {  	s16 =	smul.u32 $0x140000, s0;
	_ =	strace $0x8000004A;
	s0 =	ssub.s32 $0x2, s0  }
0x8: {  	s18 =	sshrl.u32 s8, $0x2;
	s19 =	sshrl.u32 s0, $0x1;
	s5 =	sadd.s32 s6, s5  }
0x9: {  	s17 =	sadd.s32 s7, s16;
	s6 =	sadd.s32 s18, s3;
	s0 =	ssub.s32 s0, s19  }
0xa: {  	s5 =	sshrl.u32 s5, $0x3;
	s20 =	sadd.s32 $0x1000, s6;
	s21 =	sadd.s32 $0x2000, s6  }
0xb: {  	s22 =	sadd.s32 $0x3000, s6;
	s23 =	sadd.s32 $0x4000, s6;
	s24 =	sadd.s32 $0x5000, s6  }
0xc: {  	s25 =	sadd.s32 $0x6000, s6;
	s26 =	sadd.s32 $0x7000, s6;
	[dreg:$0x4] =	wrdreg s20  }
0xd: {  	s13 =	sadd.s32 $0x8000, s6;
	s14 =	sadd.s32 $0x9000, s6;
	[dreg:$0x5] =	wrdreg s21  }
0xe: {  	s15 =	sadd.s32 $0xA000, s6;
	s16 =	sadd.s32 $0xB000, s6;
	[dreg:$0x6] =	wrdreg s22  }
0xf: {  	s18 =	sadd.s32 $0xD000, s6;
	s19 =	sadd.s32 $0xE000, s6;
	[dreg:$0x7] =	wrdreg s23  }
0x10: {  	s29 =	smax.u32 s0, $0x1;
	s0 =	simm.s32 $0x20;
	[dreg:$0x8] =	wrdreg s24  }
0x11: {  	s9 =	sadd.s32 s5, s2;
	s5 =	sshrl.u32 s17, $0x3;
	[dreg:$0x9] =	wrdreg s25  }
0x12: {  	[dreg:$0xa] =	wrdreg s26;
	s17 =	sadd.s32 $0xC000, s6;
	s20 =	sadd.s32 $0xF000, s6  }
0x13: {  	s21 =	sadd.s32 $0x10000, s6;
	s22 =	sadd.s32 $0x11000, s6;
	s23 =	sadd.s32 $0x12000, s6  }
0x14: {  	s24 =	sadd.s32 $0x13000, s6;
	s6 =	simm.s32 $0x1;
	s2 =	sadd.s32 s5, s2  }
0x15: {  	s5 =	sadd.s32 s7, s3;
	s25 =	sadd.s32 $0xCA00, s9;
	s26 =	sadd.s32 $0x2C00, s9  }
0x16: {  	v0 =	vimm.f32 $0.0e+00;
	s7 =	simm.s32 $0x2;
	s28 =	sadd.s32 $0x16800, s2;
	s2 =	simm.s32 $0x5E40  }
.LBB2_1:
0x17: {  	s8 =	simm.s32 $0x0;
	s9 =	simm.s32 $0x200  }
.LBB2_2:
0x18: {  	p0 =	sne.s32 s9, $0x3E00;
	[tilespmem:s8+$0x4EB0] =	vst v0  }
0x19: {  	[tilespmem:s8+$0x4E40] =	vst v0  }
0x1a: {  	[tilespmem:s8+$0x4E50] =	vst v0  }
.Ltmp0:
0x1b: {  	[tilespmem:s8+$0x4E60] =	vst v0;
	(pc) =	sbr.rel @p0 .LBB2_2-.Ltmp0, $4  }
0x1c: {  	[tilespmem:s8+$0x4E70] =	vst v0  }
0x1d: {  	[tilespmem:s8+$0x4E80] =	vst v0  }
0x1e: {  	[tilespmem:s8+$0x4E90] =	vst v0  }
0x1f: {  	[tilespmem:s8+$0x4EA0] =	vst v0;
	s8 =	sshra.s32 s9, $0x2;
	s9 =	sadd.s32 $0x200, s9  }
0x20: {  	[tilespmem:s8+$0x4EB0] =	vst v0  }
0x21: {  	[tilespmem:s8+$0x4E40] =	vst v0  }
0x22: {  	[tilespmem:s8+$0x4E50] =	vst v0  }
0x23: {  	[tilespmem:s8+$0x4E60] =	vst v0  }
0x24: {  	[tilespmem:s8+$0x4E70] =	vst v0  }
0x25: {  	[tilespmem:s8+$0x4E80] =	vst v0  }
0x26: {  	[tilespmem:s8+$0x4E90] =	vst v0  }
0x27: {  	[tilespmem:s8+$0x4EA0] =	vst v0  }
0x28: {  	[spmem:s5] =	stream.linear.scatter [tilespmem:s30], [sflag:$0x3], $0x1000, $0x38;
	[tilespmem:$0x1AE40] =	vst v63  }
0x29: {  	_ =	swait.ge [sflag:s31], $0x1000  }
0x2a: {  	[sflag:s31] =	ssyncset.done $0x0  }
0x2b: {  	s9 =	rddreg [dreg:$0x4];
	[sflag:s31] =	ssyncadd.s32 $0xFFFFF000  }
0x2c: {  	[spmem:s9] =	stream.linear.scatter [tilespmem:s30], [sflag:$0x3], $0x1000, $0x38;
	[tilespmem:$0x1AE40] =	vst v63  }
0x2d: {  	_ =	swait.ge [sflag:s31], $0x1000  }
0x2e: {  	[sflag:s31] =	ssyncset.done $0x0  }
0x2f: {  	s10 =	rddreg [dreg:$0x5];
	[sflag:s31] =	ssyncadd.s32 $0xFFFFF000  }
0x30: {  	[spmem:s10] =	stream.linear.scatter [tilespmem:s30], [sflag:$0x3], $0x1000, $0x38;
	[tilespmem:$0x1AE40] =	vst v63  }
0x31: {  	_ =	swait.ge [sflag:s31], $0x1000  }
0x32: {  	[sflag:s31] =	ssyncset.done $0x0  }
0x33: {  	s11 =	rddreg [dreg:$0x6];
	[sflag:s31] =	ssyncadd.s32 $0xFFFFF000  }
0x34: {  	[spmem:s11] =	stream.linear.scatter [tilespmem:s30], [sflag:$0x3], $0x1000, $0x38;
	[tilespmem:$0x1AE40] =	vst v63  }
0x35: {  	_ =	swait.ge [sflag:s31], $0x1000  }
0x36: {  	[sflag:s31] =	ssyncset.done $0x0  }
0x37: {  	s12 =	rddreg [dreg:$0x7];
	[sflag:s31] =	ssyncadd.s32 $0xFFFFF000  }
0x38: {  	[spmem:s12] =	stream.linear.scatter [tilespmem:s30], [sflag:$0x3], $0x1000, $0x38;
	[tilespmem:$0x1AE40] =	vst v63  }
0x39: {  	_ =	swait.ge [sflag:s31], $0x1000  }
0x3a: {  	[sflag:s31] =	ssyncset.done $0x0  }
0x3b: {  	s9 =	rddreg [dreg:$0x8];
	[sflag:s31] =	ssyncadd.s32 $0xFFFFF000  }
0x3c: {  	[spmem:s9] =	stream.linear.scatter [tilespmem:s30], [sflag:$0x3], $0x1000, $0x38;
	[tilespmem:$0x1AE40] =	vst v63  }
0x3d: {  	_ =	swait.ge [sflag:s31], $0x1000  }
0x3e: {  	[sflag:s31] =	ssyncset.done $0x0  }
0x3f: {  	s10 =	rddreg [dreg:$0x9];
	[sflag:s31] =	ssyncadd.s32 $0xFFFFF000  }
0x40: {  	[spmem:s10] =	stream.linear.scatter [tilespmem:s30], [sflag:$0x3], $0x1000, $0x38;
	[tilespmem:$0x1AE40] =	vst v63  }
0x41: {  	_ =	swait.ge [sflag:s31], $0x1000  }
0x42: {  	[sflag:s31] =	ssyncset.done $0x0  }
0x43: {  	s11 =	rddreg [dreg:$0xa];
	[sflag:s31] =	ssyncadd.s32 $0xFFFFF000  }
0x44: {  	[spmem:s11] =	stream.linear.scatter [tilespmem:s30], [sflag:$0x3], $0x1000, $0x38;
	[tilespmem:$0x1AE40] =	vst v63  }
0x45: {  	_ =	swait.ge [sflag:s31], $0x1000  }
0x46: {  	[sflag:s31] =	ssyncset.done $0x0  }
0x47: {  	[sflag:s31] =	ssyncadd.s32 $0xFFFFF000  }
0x48: {  	[spmem:s13] =	stream.linear.scatter [tilespmem:s30], [sflag:$0x3], $0x1000, $0x38;
	[tilespmem:$0x1AE40] =	vst v63  }
0x49: {  	_ =	swait.ge [sflag:s31], $0x1000  }
0x4a: {  	[sflag:s31] =	ssyncset.done $0x0  }
0x4b: {  	[sflag:s31] =	ssyncadd.s32 $0xFFFFF000  }
0x4c: {  	[spmem:s14] =	stream.linear.scatter [tilespmem:s30], [sflag:$0x3], $0x1000, $0x38;
	[tilespmem:$0x1AE40] =	vst v63  }
0x4d: {  	_ =	swait.ge [sflag:s31], $0x1000  }
0x4e: {  	[sflag:s31] =	ssyncset.done $0x0  }
0x4f: {  	[sflag:s31] =	ssyncadd.s32 $0xFFFFF000  }
0x50: {  	[spmem:s15] =	stream.linear.scatter [tilespmem:s30], [sflag:$0x3], $0x1000, $0x38;
	[tilespmem:$0x1AE40] =	vst v63  }
0x51: {  	_ =	swait.ge [sflag:s31], $0x1000  }
0x52: {  	[sflag:s31] =	ssyncset.done $0x0  }
0x53: {  	[sflag:s31] =	ssyncadd.s32 $0xFFFFF000  }
0x54: {  	[spmem:s16] =	stream.linear.scatter [tilespmem:s30], [sflag:$0x3], $0x1000, $0x38;
	[tilespmem:$0x1AE40] =	vst v63  }
0x55: {  	_ =	swait.ge [sflag:s31], $0x1000  }
0x56: {  	[sflag:s31] =	ssyncset.done $0x0  }
0x57: {  	[sflag:s31] =	ssyncadd.s32 $0xFFFFF000  }
0x58: {  	[spmem:s17] =	stream.linear.scatter [tilespmem:s30], [sflag:$0x3], $0x1000, $0x38;
	[tilespmem:$0x1AE40] =	vst v63  }
0x59: {  	_ =	swait.ge [sflag:s31], $0x1000  }
0x5a: {  	[sflag:s31] =	ssyncset.done $0x0  }
0x5b: {  	[sflag:s31] =	ssyncadd.s32 $0xFFFFF000  }
0x5c: {  	[spmem:s18] =	stream.linear.scatter [tilespmem:s30], [sflag:$0x3], $0x1000, $0x38;
	[tilespmem:$0x1AE40] =	vst v63  }
0x5d: {  	_ =	swait.ge [sflag:s31], $0x1000  }
0x5e: {  	[sflag:s31] =	ssyncset.done $0x0  }
0x5f: {  	[sflag:s31] =	ssyncadd.s32 $0xFFFFF000  }
0x60: {  	[spmem:s19] =	stream.linear.scatter [tilespmem:s30], [sflag:$0x3], $0x1000, $0x38;
	[tilespmem:$0x1AE40] =	vst v63  }
0x61: {  	_ =	swait.ge [sflag:s31], $0x1000  }
0x62: {  	[sflag:s31] =	ssyncset.done $0x0  }
0x63: {  	[sflag:s31] =	ssyncadd.s32 $0xFFFFF000  }
0x64: {  	[spmem:s20] =	stream.linear.scatter [tilespmem:s30], [sflag:$0x3], $0x1000, $0x38;
	[tilespmem:$0x1AE40] =	vst v63  }
0x65: {  	_ =	swait.ge [sflag:s31], $0x1000  }
0x66: {  	[sflag:s31] =	ssyncset.done $0x0  }
0x67: {  	[sflag:s31] =	ssyncadd.s32 $0xFFFFF000  }
0x68: {  	[spmem:s21] =	stream.linear.scatter [tilespmem:s30], [sflag:$0x3], $0x1000, $0x38;
	[tilespmem:$0x1AE40] =	vst v63  }
0x69: {  	_ =	swait.ge [sflag:s31], $0x1000  }
0x6a: {  	[sflag:s31] =	ssyncset.done $0x0  }
0x6b: {  	[sflag:s31] =	ssyncadd.s32 $0xFFFFF000  }
0x6c: {  	[spmem:s22] =	stream.linear.scatter [tilespmem:s30], [sflag:$0x3], $0x1000, $0x38;
	[tilespmem:$0x1AE40] =	vst v63  }
0x6d: {  	_ =	swait.ge [sflag:s31], $0x1000  }
0x6e: {  	[sflag:s31] =	ssyncset.done $0x0  }
0x6f: {  	[sflag:s31] =	ssyncadd.s32 $0xFFFFF000  }
0x70: {  	[spmem:s23] =	stream.linear.scatter [tilespmem:s30], [sflag:$0x3], $0x1000, $0x38;
	[tilespmem:$0x1AE40] =	vst v63  }
0x71: {  	_ =	swait.ge [sflag:s31], $0x1000  }
0x72: {  	[sflag:s31] =	ssyncset.done $0x0  }
0x73: {  	[sflag:s31] =	ssyncadd.s32 $0xFFFFF000  }
0x74: {  	[spmem:s24] =	stream.linear.scatter [tilespmem:s30], [sflag:$0x3], $0x1000, $0x38;
	[tilespmem:$0x1AE40] =	vst v63  }
0x75: {  	_ =	swait.ge [sflag:s31], $0x1000  }
0x76: {  	[sflag:s31] =	ssyncset.done $0x0  }
0x77: {  	s12 =	simm.s32 $0x0;
	[sflag:s31] =	ssyncadd.s32 $0xFFFFF000  }
0x78: {  	[tilespmem:s12], [sflag:$0x3] =	stream.linear.gather [hbm4b:s25+s12], $0x2720, $0x38;
	[tilespmem:$0x1AE40] =	vst v63  }
0x79: {  	_ =	swait.ge [sflag:s31], $0x2720  }
0x7a: {  	[sflag:s31] =	ssyncset.done $0x0  }
0x7b: {  	s9 =	simm.s32 $0x2720;
	[sflag:s31] =	ssyncadd.s32 $0xFFFFD8E0  }
0x7c: {  	[tilespmem:s9], [sflag:$0x3] =	stream.linear.gather [hbm4b:s26+s12], $0x2720, $0x38;
	[tilespmem:$0x1AE40] =	vst v63  }
0x7d: {  	_ =	swait.ge [sflag:s31], $0x2720  }
0x7e: {  	[sflag:s31] =	ssyncset.done $0x0  }
0x7f: {  	[sflag:s31] =	ssyncadd.s32 $0xFFFFD8E0  }
0x80: {  	[bflag:$0x0] =	sbarrier.arrive $0xFFFF  }
0x81: {  	[tilespmem:s30], [sflag:$0x1] =	stream.indirect.gather [hbm4b:s1+s0], $0x80, s12, s0, $0xb8;
	[tilespmem:$0x1AE40] =	vst v63  }
0x82: {  	s9 =	simm.s32 $0x20  }
0x83: {  	[tilespmem:s2], [sflag:$0x2] =	stream.indirect.gather [hbm4b:s1+s0], $0x80, s9, s0, $0xb8;
	[tilespmem:$0x1AE40] =	vst v63  }
0x84: {  	_ =	swait.ge [sflag:s6], $0x1000  }
0x85: {  	[sflag:s6] =	ssyncset.done $0x0  }
0x86: {  	s10 =	simm.s32 $0x2720;
	[sflag:s6] =	ssyncadd.s32 $0xFFFFF000  }
0x87: {  	[spmem:s3] =	stream.indirect.scatter.add.f32 [tilespmem:s30], [sflag:$0x3], $0x80, s10, s0, $0xb8;
	[tilespmem:$0x1AE40] =	vst v63  }
0x88: {  	_ =	swait.ge [sflag:s31], $0x1000  }
0x89: {  	[sflag:s31] =	ssyncset.done $0x0  }
0x8a: {  	s11 =	simm.s32 $0x40;
	[sflag:s31] =	ssyncadd.s32 $0xFFFFF000  }
0x8b: {  	[tilespmem:s30], [sflag:$0x1] =	stream.indirect.gather [hbm4b:s1+s0], $0x80, s11, s0, $0xb8;
	[tilespmem:$0x1AE40] =	vst v63  }
0x8c: {  	_ =	swait.ge [sflag:s7], $0x1000  }
0x8d: {  	[sflag:s7] =	ssyncset.done $0x0  }
0x8e: {  	s12 =	simm.s32 $0x2740;
	[sflag:s7] =	ssyncadd.s32 $0xFFFFF000  }
0x8f: {  	[spmem:s3] =	stream.indirect.scatter.add.f32 [tilespmem:s2], [sflag:$0x3], $0x80, s12, s0, $0xb8;
	[tilespmem:$0x1AE40] =	vst v63  }
0x90: {  	_ =	swait.ge [sflag:s31], $0x1000  }
0x91: {  	s8 =	simm.s32 $0x40;
	s9 =	simm.s32 $0x200;
	[sflag:s31] =	ssyncset.done $0x0  }
.LBB2_4:
0x92: {  	s10 =	sadd.s32 $0x20, s8  }
0x93: {  	[sflag:s31] =	ssyncadd.s32 $0xFFFFF000;
	s11 =	smov.u32 s9;
	s12 =	sadd.s32 $0x100, s9  }
0x94: {  	[tilespmem:s2], [sflag:$0x2] =	stream.indirect.gather [hbm4b:s1+s0], $0x80, s10, s0, $0xb8;
	[tilespmem:$0x1AE40] =	vst v63  }
0x95: {  	p0 =	sne.s32 s9, $0x9B00;
	_ =	swait.ge [sflag:s6], $0x1000  }
0x96: {  	[sflag:s6] =	ssyncset.done $0x0  }
0x97: {  	s9 =	sadd.s32 $0x2720, s8;
	[sflag:s6] =	ssyncadd.s32 $0xFFFFF000  }
0x98: {  	[spmem:s3] =	stream.indirect.scatter.add.f32 [tilespmem:s30], [sflag:$0x3], $0x80, s9, s0, $0xb8;
	[tilespmem:$0x1AE40] =	vst v63  }
0x99: {  	_ =	swait.ge [sflag:s31], $0x1000  }
0x9a: {  	[sflag:s31] =	ssyncset.done $0x0  }
0x9b: {  	s9 =	sadd.s32 $0x40, s8;
	[sflag:s31] =	ssyncadd.s32 $0xFFFFF000  }
0x9c: {  	[tilespmem:s30], [sflag:$0x1] =	stream.indirect.gather [hbm4b:s1+s0], $0x80, s9, s0, $0xb8;
	[tilespmem:$0x1AE40] =	vst v63  }
0x9d: {  	_ =	swait.ge [sflag:s7], $0x1000  }
.Ltmp1:
0x9e: {  	[sflag:s7] =	ssyncset.done $0x0;
	(pc) =	sbr.rel @p0 .LBB2_4-.Ltmp1, $4  }
0x9f: {  	s8 =	sadd.s32 $0x2740, s8;
	[sflag:s7] =	ssyncadd.s32 $0xFFFFF000  }
0xa0: {  	[spmem:s3] =	stream.indirect.scatter.add.f32 [tilespmem:s2], [sflag:$0x3], $0x80, s8, s0, $0xb8;
	[tilespmem:$0x1AE40] =	vst v63  }
0xa1: {  	_ =	swait.ge [sflag:s31], $0x1000  }
0xa2: {  	s9 =	smov.u32 s12;
	s8 =	sshra.s32 s11, $0x2;
	[sflag:s31] =	ssyncset.done $0x0  }
0xa3: {  	s9 =	sadd.s32 $0x20, s8;
	[sflag:s31] =	ssyncadd.s32 $0xFFFFF000  }
0xa4: {  	[tilespmem:s2], [sflag:$0x2] =	stream.indirect.gather [hbm4b:s1+s0], $0x80, s9, s0, $0xb8;
	[tilespmem:$0x1AE40] =	vst v63  }
0xa5: {  	_ =	swait.ge [sflag:s6], $0x1000  }
0xa6: {  	[sflag:s6] =	ssyncset.done $0x0  }
0xa7: {  	s11 =	sadd.s32 $0x2720, s8;
	[sflag:s6] =	ssyncadd.s32 $0xFFFFF000  }
0xa8: {  	[spmem:s3] =	stream.indirect.scatter.add.f32 [tilespmem:s30], [sflag:$0x3], $0x80, s11, s0, $0xb8;
	[tilespmem:$0x1AE40] =	vst v63  }
0xa9: {  	_ =	swait.ge [sflag:s31], $0x1000  }
0xaa: {  	[sflag:s31] =	ssyncset.done $0x0  }
0xab: {  	s12 =	sadd.s32 $0x40, s8;
	[sflag:s31] =	ssyncadd.s32 $0xFFFFF000  }
0xac: {  	[tilespmem:s30], [sflag:$0x1] =	stream.indirect.gather [hbm4b:s1+s0], $0x80, s12, s0, $0xb8;
	[tilespmem:$0x1AE40] =	vst v63  }
0xad: {  	_ =	swait.ge [sflag:s7], $0x1000  }
0xae: {  	[sflag:s7] =	ssyncset.done $0x0  }
0xaf: {  	s9 =	sadd.s32 $0x2740, s8;
	[sflag:s7] =	ssyncadd.s32 $0xFFFFF000  }
0xb0: {  	[spmem:s3] =	stream.indirect.scatter.add.f32 [tilespmem:s2], [sflag:$0x3], $0x80, s9, s0, $0xb8;
	[tilespmem:$0x1AE40] =	vst v63  }
0xb1: {  	_ =	swait.ge [sflag:s31], $0x1000  }
0xb2: {  	[sflag:s31] =	ssyncset.done $0x0  }
0xb3: {  	[sflag:s31] =	ssyncadd.s32 $0xFFFFF000  }
0xb4: {  	_ =	swait.ge [sflag:s6], $0x1000  }
0xb5: {  	[sflag:s6] =	ssyncset.done $0x0  }
0xb6: {  	s10 =	simm.s32 $0x4E20;
	[sflag:s6] =	ssyncadd.s32 $0xFFFFF000  }
0xb7: {  	[spmem:s3] =	stream.indirect.scatter.add.f32 [tilespmem:s30], [sflag:$0x3], $0x80, s10, s0, $0xb8;
	[tilespmem:$0x1AE40] =	vst v63  }
0xb8: {  	s11 =	stileid.u32;
	_ =	swait.ge [sflag:s31], $0x1000  }
0xb9: {  	s4 =	sadd.s32 $0x1, s4;
	s8 =	sshll.u32 s11, $0x6;
	[sflag:s31] =	ssyncset.done $0x0  }
0xba: {  	p0 =	sne.s32 s4, s29;
	s8 =	sor.u32 $0x1C03, s8;
	[sflag:s31] =	ssyncadd.s32 $0xFFFFF000  }
.Ltmp2:
0xbb: {  	s12 =	sshrl.u32 s5, $0x3;
	[bflag:$0x0] =	sbarrier.arrive $0xFFFF;
	(pc) =	sbr.rel @p0 .LBB2_1-.Ltmp2, $4  }
0xbc: {  	[hbm:s28], [sflag:s8] =	dma.local [spmem:s12], $0x2800  }
0xbd: {  	_ =	swait.ge [sflag:s31], $0x2800  }
0xbe: {  	[sflag:s31] =	ssyncset.done $0x0  }
0xbf: {  	[sflag:s31] =	ssyncadd.s32 $0xFFFFD800  }
0xc0: {  	_ =	sfence.sel $0x180000  }
0xc1: {  	[bflag:$0x0] =	sbarrier.arrive $0xFFFF  }
0xc2: {  	_ =	strace $0x9000004A  }
0xc3: {  	s0 =	stileid.u32;
	[bflag:$0x2] =	sbarrier.arrive $0xFFFF  }
0xc4: {  	p0 =	sne.s32 s0, $0x0;
	s0 =	rddreg [dreg:$0x3]  }
0xc5: {  	s0 =	sadd.s32 @!p0 $0x100000, s0  }
0xc6: {  	[sflag:s0] =	ssyncadd.tile.s32 @!p0 $0x1;
	_ =	shalt  }
.Lfunc_end2:
_tile_overlayer_lowered:
.L_overlay_start_2:
0xc7: {  	(tag) =	ssettag $0x2  }
0xc8: {  	s0 =	rddreg [dreg:$0x0];
	s2 =	stileid.u32  }
0xc9: {  	s1 =	rddreg [dreg:$0x1];
	p0 =	sne.s32 s2, $0x0  }
0xca: {  	s3 =	rddreg [dreg:$0x2];
	[bflag:$0x3] =	sbarrier.arrive $0xFFFF;
	s2 =	simm.s32 @!p0 $0x1C03  }
0xcb: {  	[timem:s3], [sflag:s2] =	dma.local @!p0 [hbm:s0], s1  }
0xcc: {  	s0 =	simm.s32 @!p0 $0x3  }
0xcd: {  	_ =	swait.ge @!p0 [sflag:s0], s1  }
0xce: {  	s1 =	ssub.s32 @!p0 $0x0, s1;
	[sflag:s0] =	ssyncset.done @!p0 $0x0  }
0xcf: {  	[sflag:s0] =	ssyncadd.s32 @!p0 s1  }
0xd0: {  	[bflag:$0x3] =	sbarrier.arrive $0xFFFF  }
0xd1: {  	_ =	shalt  }

</sc_bundles>
